<compile_context>
chip_gen: v7x
topology: tpu7x:2x2x1
jax: 0.10.2.dev20260603
libtpu: 0.0.44.dev20260713+nightly
codegen_flags: <defaults>
</compile_context>

<pallas_src>
import jax
import jax.numpy as jnp
from jax import lax
from jax.experimental import pallas as pl
from jax.experimental.pallas import tpu as pltpu
from jax.experimental.pallas import tpu_sc as plsc

N = 10000
E = 150000
F_IN = 128
HID = 128
HEADS = 8
DH = 16
C = 16

TW = 144
R = 10240
NS = 16
RPT = R // NS
EPT = 9472
ECH = 64
NCH = EPT // ECH
EPAD = NS * EPT
BLK = 1024

f32 = jnp.float32



def _sc_edge_kernel(tab0, tab1, ad0, ad1, ep0, ep1,
                    out0, out1, acc):
    c = lax.axis_index("c")
    s = lax.axis_index("s")

    def scoped(hs0, hs1, av0, av1, pk_all, si0, si1, di0, di1,
               gsem0, gsem1, ssem0, ssem1):
        z16 = jnp.zeros((DH,), f32)

        def zrow(r, carry):
            for cc in range(TW // DH):
                hs0[r, pl.ds(cc * DH, DH)] = z16
            return carry

        lax.fori_loop(0, ECH, zrow, 0)
        for k in range(RPT // ECH):
            pltpu.sync_copy(hs0, acc.at[pl.ds(s * RPT + k * ECH, ECH)])
        plsc.subcore_barrier()
        _sc_edge_body(tab0, tab1, ad0, ad1, ep0, ep1,
                      out0, out1, acc, c, s,
                      (hs0, hs1), (av0, av1), pk_all,
                      (si0, si1), (di0, di1),
                      (gsem0, gsem1), (ssem0, ssem1))

    pl.run_scoped(
        scoped,
        pltpu.VMEM((ECH, TW), f32), pltpu.VMEM((ECH, TW), f32),
        pltpu.VMEM((ECH, DH), f32), pltpu.VMEM((ECH, DH), f32),
        pltpu.VMEM((NCH, ECH), jnp.int32),
        pltpu.VMEM((ECH,), jnp.int32), pltpu.VMEM((ECH,), jnp.int32),
        pltpu.VMEM((ECH,), jnp.int32), pltpu.VMEM((ECH,), jnp.int32),
        pltpu.SemaphoreType.DMA, pltpu.SemaphoreType.DMA,
        pltpu.SemaphoreType.DMA, pltpu.SemaphoreType.DMA,
    )


def _sc_edge_body(tab0, tab1, ad0, ad1, ep0, ep1,
                  out0, out1, acc, c, s, hs, av, pk_all, si, di, gsem, ssem):
    hs0, hs1 = hs
    di0, di1 = di
    ssem0, ssem1 = ssem

    def run():
        @pl.when(c == 0)
        def _():
            pltpu.sync_copy(ep0.at[pl.ds(s * NCH, NCH)], pk_all)

        @pl.when(c == 1)
        def _():
            pltpu.sync_copy(ep1.at[pl.ds(s * NCH, NCH)], pk_all)

        def fetch(i, b):
            for l in range(ECH // DH):
                v = pk_all[i, pl.ds(l * DH, DH)]
                si[b][pl.ds(l * DH, DH)] = lax.bitwise_and(v, 0xFFFF)
                di[b][pl.ds(l * DH, DH)] = lax.shift_right_logical(v, 16)

            @pl.when(c == 0)
            def _():
                pltpu.async_copy(tab0.at[si[b]], hs[b], gsem[b])
                pltpu.async_copy(ad0.at[di[b]], av[b], gsem[b])

            @pl.when(c == 1)
            def _():
                pltpu.async_copy(tab1.at[si[b]], hs[b], gsem[b])
                pltpu.async_copy(ad1.at[di[b]], av[b], gsem[b])

        def compute(b):
            hs_v = hs[b]
            ad_v = av[b]

            @plsc.parallel_loop(0, ECH, 1, unroll=4)
            def _(e):
                a = hs_v[e, pl.ds(HID, DH)] + ad_v[e, pl.ds(0, DH)]
                a = jnp.where(a > 0.0, a, 0.2 * a)
                ex = jnp.exp(a)
                hs_v[e, pl.ds(HID, DH)] = ex
                for h in range(HEADS):
                    hs_v[e, pl.ds(h * DH, DH)] = hs_v[e, pl.ds(h * DH, DH)] * ex[h]

        fetch(0, 0)

        def body(j, carry):
            for b in (0, 1):
                i = 2 * j + b
                nb = 1 - b

                @pl.when(i + 1 < NCH)
                def _():
                    @pl.when(i >= 1)
                    def _():
                        pltpu.make_async_copy(hs[nb], acc.at[di[nb]], ssem[nb]).wait()
                    fetch(i + 1, nb)

                pltpu.make_async_copy(tab0.at[si[b]], hs[b], gsem[b]).wait()
                pltpu.make_async_copy(ad0.at[di[b]], av[b], gsem[b]).wait()
                compute(b)
                pltpu.async_copy(hs[b], acc.at[di[b]], ssem[b], add=True)
            return carry

        lax.fori_loop(0, NCH // 2, body, 0)
        pltpu.make_async_copy(hs0, acc.at[di0], ssem0).wait()
        pltpu.make_async_copy(hs1, acc.at[di1], ssem1).wait()

    run()

    plsc.subcore_barrier()

    @pl.when(c == 0)
    def _():
        for k in range(RPT // ECH):
            b = s * RPT + k * ECH
            pltpu.sync_copy(acc.at[pl.ds(b, ECH)], out0.at[pl.ds(b, ECH)])

    @pl.when(c == 1)
    def _():
        for k in range(RPT // ECH):
            b = s * RPT + k * ECH
            pltpu.sync_copy(acc.at[pl.ds(b, ECH)], out1.at[pl.ds(b, ECH)])


def _sc_call(tab0, tab1, ad0, ad1, ep0, ep1):
    mesh = plsc.VectorSubcoreMesh(core_axis_name="c", subcore_axis_name="s")
    fn = pl.kernel(
        _sc_edge_kernel,
        out_type=(jax.ShapeDtypeStruct((R, TW), f32),
                  jax.ShapeDtypeStruct((R, TW), f32)),
        mesh=mesh,
        scratch_types=[
            pltpu.VMEM_SHARED((R, TW), f32),
        ],
        compiler_params=pltpu.CompilerParams(use_tc_tiling_on_sc=False),
    )
    return fn(tab0, tab1, ad0, ad1, ep0, ep1)



def _tca_body(xd, xa, xm, wd, bd, wa, ba, wm, bm, asd, asa, atd, ata,
              t0, t1, a0, a1):
    hd = jnp.dot(xd[:], wd[:], preferred_element_type=f32) + bd[:]
    ha = jnp.dot(xa[:], wa[:], preferred_element_type=f32) + ba[:]
    hm = jnp.dot(xm[:], wm[:], preferred_element_type=f32) + bm[:]
    t0[:] = jnp.concatenate([hd, jnp.dot(hd, asd[:], preferred_element_type=f32)], axis=1)
    t1[:] = jnp.concatenate([ha, jnp.dot(ha, asa[:], preferred_element_type=f32)], axis=1)
    a0[:] = jnp.dot(hm, atd[:], preferred_element_type=f32)
    a1[:] = jnp.dot(hm, ata[:], preferred_element_type=f32)


def _tcb1_body(acc0, acc1, wk, bk, rep, agg0, agg1, cs0, cs1):
    g = pl.program_id(0)
    rows = g * BLK + lax.broadcasted_iota(jnp.int32, (BLK, 1), 0)
    mask = rows < N
    for accr, aggr, csr in ((acc0, agg0, cs0), (acc1, agg1, cs1)):
        num = accr[:, 0:HID]
        den = accr[:, HID:HID + HEADS]
        dexp = jnp.dot(den, rep[:], preferred_element_type=f32) + 1e-16
        agg = jnp.maximum(num / dexp, 0.0)
        aggr[:] = agg
        t = jnp.tanh(jnp.dot(agg, wk[:], preferred_element_type=f32) + bk[:])
        t = jnp.where(mask, t, 0.0)
        part = jnp.sum(t, axis=0, keepdims=True)

        @pl.when(g == 0)
        def _():
            csr[:] = part

        @pl.when(g != 0)
        def _():
            csr[:] = csr[:] + part


def _tcb2_body(agg0, agg1, cs0, cs1, q, wl, bl, out):
    s0 = jnp.sum(cs0[:] * q[:]) / float(N)
    s1 = jnp.sum(cs1[:] * q[:]) / float(N)
    m = jnp.maximum(s0, s1)
    e0 = jnp.exp(s0 - m)
    e1 = jnp.exp(s1 - m)
    w0 = e0 / (e0 + e1)
    w1 = e1 / (e0 + e1)
    sem = w0 * agg0[:] + w1 * agg1[:]
    out[:] = jnp.dot(sem, wl[:], preferred_element_type=f32) + bl[:]



def _blockdiag(att):
    eye = jnp.eye(HEADS, dtype=f32)
    m = (att[:, :, None] * eye[:, None, :]).reshape(HID, HEADS)
    return jnp.pad(m, ((0, 0), (0, 16 - HEADS)))


def _pad_rows(x):
    return jnp.pad(x, ((0, R - N), (0, 0)))


def _pad_edges(ei):
    pad = jnp.int32(N | (N << 16))
    packed = jnp.full((EPAD,), pad, jnp.int32).at[:E].set(ei[0] | (ei[1] << 16))
    return packed.reshape(EPAD // ECH, ECH)



def kernel(x_movie, x_director, x_actor,
           ei_movie_director, ei_director_movie, ei_movie_actor, ei_actor_movie,
           W_proj_movie, b_proj_movie, W_proj_director, b_proj_director,
           W_proj_actor, b_proj_actor,
           att_src_movie_director, att_dst_movie_director,
           att_src_director_movie, att_dst_director_movie,
           att_src_movie_actor, att_dst_movie_actor,
           att_src_actor_movie, att_dst_actor_movie,
           q_sem, W_k, b_k, W_lin, b_lin):
    grid = R // BLK

    tab0, tab1, ad0, ad1 = pl.pallas_call(
        _tca_body,
        grid=(grid,),
        in_specs=[
            pl.BlockSpec((BLK, F_IN), lambda i: (i, 0)),
            pl.BlockSpec((BLK, F_IN), lambda i: (i, 0)),
            pl.BlockSpec((BLK, F_IN), lambda i: (i, 0)),
            pl.BlockSpec((F_IN, HID), lambda i: (0, 0)),
            pl.BlockSpec((1, HID), lambda i: (0, 0)),
            pl.BlockSpec((F_IN, HID), lambda i: (0, 0)),
            pl.BlockSpec((1, HID), lambda i: (0, 0)),
            pl.BlockSpec((F_IN, HID), lambda i: (0, 0)),
            pl.BlockSpec((1, HID), lambda i: (0, 0)),
            pl.BlockSpec((HID, 16), lambda i: (0, 0)),
            pl.BlockSpec((HID, 16), lambda i: (0, 0)),
            pl.BlockSpec((HID, 16), lambda i: (0, 0)),
            pl.BlockSpec((HID, 16), lambda i: (0, 0)),
        ],
        out_specs=[
            pl.BlockSpec((BLK, TW), lambda i: (i, 0)),
            pl.BlockSpec((BLK, TW), lambda i: (i, 0)),
            pl.BlockSpec((BLK, 16), lambda i: (i, 0)),
            pl.BlockSpec((BLK, 16), lambda i: (i, 0)),
        ],
        out_shape=[
            jax.ShapeDtypeStruct((R, TW), f32),
            jax.ShapeDtypeStruct((R, TW), f32),
            jax.ShapeDtypeStruct((R, 16), f32),
            jax.ShapeDtypeStruct((R, 16), f32),
        ],
    )(
        _pad_rows(x_director), _pad_rows(x_actor), _pad_rows(x_movie),
        W_proj_director, b_proj_director.reshape(1, HID),
        W_proj_actor, b_proj_actor.reshape(1, HID),
        W_proj_movie, b_proj_movie.reshape(1, HID),
        _blockdiag(att_src_director_movie), _blockdiag(att_src_actor_movie),
        _blockdiag(att_dst_director_movie), _blockdiag(att_dst_actor_movie),
    )

    ep0 = _pad_edges(ei_director_movie)
    ep1 = _pad_edges(ei_actor_movie)
    acc0, acc1 = _sc_call(tab0, tab1, ad0, ad1, ep0, ep1)

    rep_cols = (jnp.arange(HID, dtype=jnp.int32) // DH)
    rep = (rep_cols[None, :] == jnp.arange(HEADS, dtype=jnp.int32)[:, None]).astype(f32)
    agg0, agg1, cs0, cs1 = pl.pallas_call(
        _tcb1_body,
        grid=(grid,),
        in_specs=[
            pl.BlockSpec((BLK, TW), lambda i: (i, 0)),
            pl.BlockSpec((BLK, TW), lambda i: (i, 0)),
            pl.BlockSpec((HID, HID), lambda i: (0, 0)),
            pl.BlockSpec((1, HID), lambda i: (0, 0)),
            pl.BlockSpec((HEADS, HID), lambda i: (0, 0)),
        ],
        out_specs=[
            pl.BlockSpec((BLK, HID), lambda i: (i, 0)),
            pl.BlockSpec((BLK, HID), lambda i: (i, 0)),
            pl.BlockSpec((1, HID), lambda i: (0, 0)),
            pl.BlockSpec((1, HID), lambda i: (0, 0)),
        ],
        out_shape=[
            jax.ShapeDtypeStruct((R, HID), f32),
            jax.ShapeDtypeStruct((R, HID), f32),
            jax.ShapeDtypeStruct((1, HID), f32),
            jax.ShapeDtypeStruct((1, HID), f32),
        ],
        compiler_params=pltpu.CompilerParams(
            dimension_semantics=("arbitrary",)),
    )(acc0, acc1, W_k, b_k.reshape(1, HID), rep)

    out = pl.pallas_call(
        _tcb2_body,
        grid=(grid,),
        in_specs=[
            pl.BlockSpec((BLK, HID), lambda i: (i, 0)),
            pl.BlockSpec((BLK, HID), lambda i: (i, 0)),
            pl.BlockSpec((1, HID), lambda i: (0, 0)),
            pl.BlockSpec((1, HID), lambda i: (0, 0)),
            pl.BlockSpec((1, HID), lambda i: (0, 0)),
            pl.BlockSpec((HID, C), lambda i: (0, 0)),
            pl.BlockSpec((1, C), lambda i: (0, 0)),
        ],
        out_specs=pl.BlockSpec((BLK, C), lambda i: (i, 0)),
        out_shape=jax.ShapeDtypeStruct((R, C), f32),
    )(agg0, agg1, cs0, cs1, q_sem.reshape(1, HID), W_lin, b_lin.reshape(1, C))

    return out[:N]

# --- scband reference (transcript-rebuilt; emitter-appended) ---
"""Pipeline reference for scband-han-75617194213412 (READ-ONLY COPY).

The authoritative reference and input builder live on the scoring server;
editing this copy changes nothing except your own understanding.
"""

import jax, jax.numpy as jnp
import numpy as np

N = 10000
E = 150000
F_IN = 128
HID = 128
HEADS = 8
DH = HID // HEADS
C = 16
NODE_TYPES = ["movie", "director", "actor"]
EDGE_TYPES = [("movie", "director"), ("director", "movie"), ("movie", "actor"), ("actor", "movie")]


def setup_inputs(seed: int = 0):
    key = jax.random.key(seed)
    ctr = [0]
    def nk():
        ctr[0] += 1
        return jax.random.fold_in(key, ctr[0])
    inp = {}
    for t in NODE_TYPES:
        inp["x_" + t] = jax.random.normal(nk(), (N, F_IN), jnp.float32)
    for (s, d) in EDGE_TYPES:
        inp["ei_" + s + "_" + d] = jax.random.randint(nk(), (2, E), 0, N, jnp.int32)
    for t in NODE_TYPES:
        inp["W_proj_" + t] = jax.random.normal(nk(), (F_IN, HID), jnp.float32) / np.sqrt(F_IN)
        inp["b_proj_" + t] = jnp.zeros((HID,), jnp.float32)
    for (s, d) in EDGE_TYPES:
        inp["att_src_" + s + "_" + d] = jax.random.normal(nk(), (HEADS, DH), jnp.float32) / np.sqrt(DH)
        inp["att_dst_" + s + "_" + d] = jax.random.normal(nk(), (HEADS, DH), jnp.float32) / np.sqrt(DH)
    inp["q_sem"] = jax.random.normal(nk(), (HID,), jnp.float32) / np.sqrt(HID)
    inp["W_k"] = jax.random.normal(nk(), (HID, HID), jnp.float32) / np.sqrt(HID)
    inp["b_k"] = jnp.zeros((HID,), jnp.float32)
    inp["W_lin"] = jax.random.normal(nk(), (HID, C), jnp.float32) / np.sqrt(HID)
    inp["b_lin"] = jnp.zeros((C,), jnp.float32)
    return inp


def _han_forward(floats, ints):
    # per-node-type projection (HANConv.proj), view as [N, H, D]
    h = {}
    for t in NODE_TYPES:
        h[t] = (floats["x_" + t] @ floats["W_proj_" + t] + floats["b_proj_" + t]).reshape(N, HEADS, DH)
    out_lists = {t: [] for t in NODE_TYPES}
    for (s, d) in EDGE_TYPES:
        name = s + "_" + d
        ei = ints["ei_" + name]
        src, dst = ei[0], ei[1]
        a_src = (h[s] * floats["att_src_" + name][None, :, :]).sum(-1)  # [N, H]
        a_dst = (h[d] * floats["att_dst_" + name][None, :, :]).sum(-1)  # [N, H]
        alpha = a_src[src] + a_dst[dst]  # [E, H]
        alpha = jnp.where(alpha > 0, alpha, 0.2 * alpha)  # leaky_relu(0.2)
        amax = jax.ops.segment_max(alpha, dst, num_segments=N)
        amax = jnp.where(jnp.isfinite(amax), amax, 0.0)
        ex = jnp.exp(alpha - amax[dst])
        den = jax.ops.segment_sum(ex, dst, num_segments=N)
        att = ex / (den[dst] + 1e-16)  # edge softmax grouped by dst; dropout skipped (eval mode)
        msg = (h[s][src] * att[:, :, None]).reshape(E, HID)
        agg = jax.ops.segment_sum(msg, dst, num_segments=N)
        out_lists[d].append(jax.nn.relu(agg))
    # semantic-level attention (group) for 'movie' outputs
    stk = jnp.stack(out_lists["movie"])  # [K, N, HID]
    score = (floats["q_sem"] * jnp.tanh(stk @ floats["W_k"] + floats["b_k"]).mean(axis=1)).sum(-1)  # [K]
    w = jax.nn.softmax(score, axis=0)
    sem = (w[:, None, None] * stk).sum(0)  # [N, HID]
    return sem @ floats["W_lin"] + floats["b_lin"]  # final nn.Linear -> [N, C]


def reference(x_movie, x_director, x_actor,
              ei_movie_director, ei_director_movie, ei_movie_actor, ei_actor_movie,
              W_proj_movie, b_proj_movie, W_proj_director, b_proj_director,
              W_proj_actor, b_proj_actor,
              att_src_movie_director, att_dst_movie_director,
              att_src_director_movie, att_dst_director_movie,
              att_src_movie_actor, att_dst_movie_actor,
              att_src_actor_movie, att_dst_actor_movie,
              q_sem, W_k, b_k, W_lin, b_lin):
    inp = dict(locals())
    floats = {k: v for k, v in inp.items() if not k.startswith("ei_")}
    ints = {k: v for k, v in inp.items() if k.startswith("ei_")}
    return _han_forward(floats, ints)

if __name__ == "__main__":
    import jax
    _d = setup_inputs()
    print(jax.jit(kernel)(*tuple(_d.values())))

</pallas_src>

<mosaic_0001>
#map = affine_map<(d0, d1) -> (0, 0)>
module attributes {stable_mosaic.version = 14 : i64} {
  func.func @_sc_edge_kernel(%arg0: i32, %arg1: i32, %arg2: memref<10240x144xf32, #tpu.memory_space<hbm>>, %arg3: memref<10240x144xf32, #tpu.memory_space<hbm>>, %arg4: memref<10240x16xf32, #tpu.memory_space<hbm>>, %arg5: memref<10240x16xf32, #tpu.memory_space<hbm>>, %arg6: memref<2368x64xi32, #tpu.memory_space<hbm>>, %arg7: memref<2368x64xi32, #tpu.memory_space<hbm>>, %arg8: memref<10240x144xf32, #tpu.memory_space<hbm>>, %arg9: memref<10240x144xf32, #tpu.memory_space<hbm>>, %arg10: memref<10240x144xf32, #tpu.memory_space<vmem_shared>>) attributes {dimension_semantics = [#tpu.dimension_semantics<core_parallel>, #tpu.dimension_semantics<subcore_parallel>], iteration_bounds = array<i64: 2, 16>, scalar_prefetch = 0 : i64, scratch_operands = 1 : i64, tpu.core_type = #tpu.core_type<sc_vector_subcore>, window_params = [{transform_indices = #map}, {transform_indices = #map}, {transform_indices = #map}, {transform_indices = #map}, {transform_indices = #map}, {transform_indices = #map}, {transform_indices = #map}, {transform_indices = #map}]} {
    "tpu.region"() ({
      %run_scoped3A = memref.alloca() : memref<64x144xf32, #tpu.memory_space<vmem>>
      %run_scoped3A_0 = memref.alloca() : memref<64x144xf32, #tpu.memory_space<vmem>>
      %run_scoped3A_1 = memref.alloca() : memref<64x16xf32, #tpu.memory_space<vmem>>
      %run_scoped3A_2 = memref.alloca() : memref<64x16xf32, #tpu.memory_space<vmem>>
      %run_scoped3A_3 = memref.alloca() : memref<148x64xi32, #tpu.memory_space<vmem>>
      %run_scoped3A_4 = memref.alloca() : memref<64xi32, #tpu.memory_space<vmem>>
      %run_scoped3A_5 = memref.alloca() : memref<64xi32, #tpu.memory_space<vmem>>
      %run_scoped3A_6 = memref.alloca() : memref<64xi32, #tpu.memory_space<vmem>>
      %run_scoped3A_7 = memref.alloca() : memref<64xi32, #tpu.memory_space<vmem>>
      %run_scoped3A_8 = tpu.sem_alloc : memref<!tpu.dma_semaphore, #tpu.memory_space<semaphore_mem>>
      %run_scoped3A_9 = tpu.sem_alloc : memref<!tpu.dma_semaphore, #tpu.memory_space<semaphore_mem>>
      %run_scoped3A_10 = tpu.sem_alloc : memref<!tpu.dma_semaphore, #tpu.memory_space<semaphore_mem>>
      %run_scoped3A_11 = tpu.sem_alloc : memref<!tpu.dma_semaphore, #tpu.memory_space<semaphore_mem>>
      %broadcast_in_dim3A = arith.constant 0.000000e+00 : f32
      %broadcast_in_dim3A_12 = vector.broadcast %broadcast_in_dim3A : f32 to vector<16xf32>
      %scan3A = arith.constant 0 : i32
      %scan3A_13 = arith.constant 0 : i32
      %scan3A_14 = arith.constant 64 : i32
      %scan3A_15 = arith.addi %scan3A_13, %scan3A_14 : i32
      %scan3A_16 = arith.constant 1 : i32
      scf.for %scan3A_167 = %scan3A_13 to %scan3A_15 step %scan3A_16  : i32 {
        %swap3A_168 = arith.index_cast %scan3A_167 : i32 to index
        %swap3A_169 = arith.constant 0 : index
        %swap3A_170 = tpu.vector_load %run_scoped3A[%swap3A_168, %swap3A_169] {strides = array<i32>} : memref<64x144xf32, #tpu.memory_space<vmem>>, vector<1x16xf32>,
        %swap3A_171 = vector.shape_cast %swap3A_170 : vector<1x16xf32> to vector<16xf32>
        %swap3A_172 = vector.shape_cast %broadcast_in_dim3A_12 : vector<16xf32> to vector<1x16xf32>
        tpu.vector_store %run_scoped3A[%swap3A_168, %swap3A_169], %swap3A_172 {strides = array<i32>} : memref<64x144xf32, #tpu.memory_space<vmem>>, vector<1x16xf32>,
        %swap3A_173 = arith.index_cast %scan3A_167 : i32 to index
        %swap3A_174 = arith.constant 16 : index
        %swap3A_175 = tpu.vector_load %run_scoped3A[%swap3A_173, %swap3A_174] {strides = array<i32>} : memref<64x144xf32, #tpu.memory_space<vmem>>, vector<1x16xf32>,
        %swap3A_176 = vector.shape_cast %swap3A_175 : vector<1x16xf32> to vector<16xf32>
        %swap3A_177 = vector.shape_cast %broadcast_in_dim3A_12 : vector<16xf32> to vector<1x16xf32>
        tpu.vector_store %run_scoped3A[%swap3A_173, %swap3A_174], %swap3A_177 {strides = array<i32>} : memref<64x144xf32, #tpu.memory_space<vmem>>, vector<1x16xf32>,
        %swap3A_178 = arith.index_cast %scan3A_167 : i32 to index
        %swap3A_179 = arith.constant 32 : index
        %swap3A_180 = tpu.vector_load %run_scoped3A[%swap3A_178, %swap3A_179] {strides = array<i32>} : memref<64x144xf32, #tpu.memory_space<vmem>>, vector<1x16xf32>,
        %swap3A_181 = vector.shape_cast %swap3A_180 : vector<1x16xf32> to vector<16xf32>
        %swap3A_182 = vector.shape_cast %broadcast_in_dim3A_12 : vector<16xf32> to vector<1x16xf32>
        tpu.vector_store %run_scoped3A[%swap3A_178, %swap3A_179], %swap3A_182 {strides = array<i32>} : memref<64x144xf32, #tpu.memory_space<vmem>>, vector<1x16xf32>,
        %swap3A_183 = arith.index_cast %scan3A_167 : i32 to index
        %swap3A_184 = arith.constant 48 : index
        %swap3A_185 = tpu.vector_load %run_scoped3A[%swap3A_183, %swap3A_184] {strides = array<i32>} : memref<64x144xf32, #tpu.memory_space<vmem>>, vector<1x16xf32>,
        %swap3A_186 = vector.shape_cast %swap3A_185 : vector<1x16xf32> to vector<16xf32>
        %swap3A_187 = vector.shape_cast %broadcast_in_dim3A_12 : vector<16xf32> to vector<1x16xf32>
        tpu.vector_store %run_scoped3A[%swap3A_183, %swap3A_184], %swap3A_187 {strides = array<i32>} : memref<64x144xf32, #tpu.memory_space<vmem>>, vector<1x16xf32>,
        %swap3A_188 = arith.index_cast %scan3A_167 : i32 to index
        %swap3A_189 = arith.constant 64 : index
        %swap3A_190 = tpu.vector_load %run_scoped3A[%swap3A_188, %swap3A_189] {strides = array<i32>} : memref<64x144xf32, #tpu.memory_space<vmem>>, vector<1x16xf32>,
        %swap3A_191 = vector.shape_cast %swap3A_190 : vector<1x16xf32> to vector<16xf32>
        %swap3A_192 = vector.shape_cast %broadcast_in_dim3A_12 : vector<16xf32> to vector<1x16xf32>
        tpu.vector_store %run_scoped3A[%swap3A_188, %swap3A_189], %swap3A_192 {strides = array<i32>} : memref<64x144xf32, #tpu.memory_space<vmem>>, vector<1x16xf32>,
        %swap3A_193 = arith.index_cast %scan3A_167 : i32 to index
        %swap3A_194 = arith.constant 80 : index
        %swap3A_195 = tpu.vector_load %run_scoped3A[%swap3A_193, %swap3A_194] {strides = array<i32>} : memref<64x144xf32, #tpu.memory_space<vmem>>, vector<1x16xf32>,
        %swap3A_196 = vector.shape_cast %swap3A_195 : vector<1x16xf32> to vector<16xf32>
        %swap3A_197 = vector.shape_cast %broadcast_in_dim3A_12 : vector<16xf32> to vector<1x16xf32>
        tpu.vector_store %run_scoped3A[%swap3A_193, %swap3A_194], %swap3A_197 {strides = array<i32>} : memref<64x144xf32, #tpu.memory_space<vmem>>, vector<1x16xf32>,
        %swap3A_198 = arith.index_cast %scan3A_167 : i32 to index
        %swap3A_199 = arith.constant 96 : index
        %swap3A_200 = tpu.vector_load %run_scoped3A[%swap3A_198, %swap3A_199] {strides = array<i32>} : memref<64x144xf32, #tpu.memory_space<vmem>>, vector<1x16xf32>,
        %swap3A_201 = vector.shape_cast %swap3A_200 : vector<1x16xf32> to vector<16xf32>
        %swap3A_202 = vector.shape_cast %broadcast_in_dim3A_12 : vector<16xf32> to vector<1x16xf32>
        tpu.vector_store %run_scoped3A[%swap3A_198, %swap3A_199], %swap3A_202 {strides = array<i32>} : memref<64x144xf32, #tpu.memory_space<vmem>>, vector<1x16xf32>,
        %swap3A_203 = arith.index_cast %scan3A_167 : i32 to index
        %swap3A_204 = arith.constant 112 : index
        %swap3A_205 = tpu.vector_load %run_scoped3A[%swap3A_203, %swap3A_204] {strides = array<i32>} : memref<64x144xf32, #tpu.memory_space<vmem>>, vector<1x16xf32>,
        %swap3A_206 = vector.shape_cast %swap3A_205 : vector<1x16xf32> to vector<16xf32>
        %swap3A_207 = vector.shape_cast %broadcast_in_dim3A_12 : vector<16xf32> to vector<1x16xf32>
        tpu.vector_store %run_scoped3A[%swap3A_203, %swap3A_204], %swap3A_207 {strides = array<i32>} : memref<64x144xf32, #tpu.memory_space<vmem>>, vector<1x16xf32>,
        %swap3A_208 = arith.index_cast %scan3A_167 : i32 to index
        %swap3A_209 = arith.constant 128 : index
        %swap3A_210 = tpu.vector_load %run_scoped3A[%swap3A_208, %swap3A_209] {strides = array<i32>} : memref<64x144xf32, #tpu.memory_space<vmem>>, vector<1x16xf32>,
        %swap3A_211 = vector.shape_cast %swap3A_210 : vector<1x16xf32> to vector<16xf32>
        %swap3A_212 = vector.shape_cast %broadcast_in_dim3A_12 : vector<16xf32> to vector<1x16xf32>
        tpu.vector_store %run_scoped3A[%swap3A_208, %swap3A_209], %swap3A_212 {strides = array<i32>} : memref<64x144xf32, #tpu.memory_space<vmem>>, vector<1x16xf32>,
      }
      %scan3A_17 = arith.constant 64 : i32
      %mul3A = arith.constant 640 : i32
      %mul3A_18 = arith.muli %arg1, %mul3A : i32
      %add3A = arith.constant 0 : i32
      %add3A_19 = arith.addi %mul3A_18, %add3A : i32
      "tpu.region"() ({
        %run_scoped3A_167 = tpu.sem_alloc : memref<!tpu.dma_semaphore, #tpu.memory_space<semaphore_mem>>
        %dma_start3A = arith.constant 0 : i32
        %dma_start3A_168 = tpu.memref_slice %arg10[%add3A_19, %dma_start3A] : memref<10240x144xf32, #tpu.memory_space<vmem_shared>> -> memref<64x144xf32, #tpu.memory_space<vmem_shared>>
        %dma_start3A_169 = arith.constant 0 : i32
        %dma_start3A_170 = tpu.memref_slice %arg10[%add3A_19, %dma_start3A_169] : memref<10240x144xf32, #tpu.memory_space<vmem_shared>> -> memref<64x144xf32, #tpu.memory_space<vmem_shared>>
        tpu.enqueue_dma source(%run_scoped3A : memref<64x144xf32, #tpu.memory_space<vmem>>) target(%dma_start3A_170 : memref<64x144xf32, #tpu.memory_space<vmem_shared>>) target_semaphore(%run_scoped3A_167 : memref<!tpu.dma_semaphore, #tpu.memory_space<semaphore_mem>>)
        %dma_wait3A_171 = arith.constant 0 : i32
        %dma_wait3A_172 = tpu.memref_slice %arg10[%add3A_19, %dma_wait3A_171] : memref<10240x144xf32, #tpu.memory_space<vmem_shared>> -> memref<64x144xf32, #tpu.memory_space<vmem_shared>>
        %dma_wait3A_173 = arith.constant 0 : i32
        %dma_wait3A_174 = tpu.memref_slice %arg10[%add3A_19, %dma_wait3A_173] : memref<10240x144xf32, #tpu.memory_space<vmem_shared>> -> memref<64x144xf32, #tpu.memory_space<vmem_shared>>
        tpu.wait_dma2 semaphore(%run_scoped3A_167 : memref<!tpu.dma_semaphore, #tpu.memory_space<semaphore_mem>>) src(%run_scoped3A : memref<64x144xf32, #tpu.memory_space<vmem>>) dst(%dma_wait3A_174 : memref<64x144xf32, #tpu.memory_space<vmem_shared>>)
        tpu.yield
      }) : () -> ()
      %mul3A_20 = arith.constant 640 : i32
      %mul3A_21 = arith.muli %arg1, %mul3A_20 : i32
      %add3A_22 = arith.constant 64 : i32
      %add3A_23 = arith.addi %mul3A_21, %add3A_22 : i32
      "tpu.region"() ({
        %run_scoped3A_167 = tpu.sem_alloc : memref<!tpu.dma_semaphore, #tpu.memory_space<semaphore_mem>>
        %dma_start3A = arith.constant 0 : i32
        %dma_start3A_168 = tpu.memref_slice %arg10[%add3A_23, %dma_start3A] : memref<10240x144xf32, #tpu.memory_space<vmem_shared>> -> memref<64x144xf32, #tpu.memory_space<vmem_shared>>
        %dma_start3A_169 = arith.constant 0 : i32
        %dma_start3A_170 = tpu.memref_slice %arg10[%add3A_23, %dma_start3A_169] : memref<10240x144xf32, #tpu.memory_space<vmem_shared>> -> memref<64x144xf32, #tpu.memory_space<vmem_shared>>
        tpu.enqueue_dma source(%run_scoped3A : memref<64x144xf32, #tpu.memory_space<vmem>>) target(%dma_start3A_170 : memref<64x144xf32, #tpu.memory_space<vmem_shared>>) target_semaphore(%run_scoped3A_167 : memref<!tpu.dma_semaphore, #tpu.memory_space<semaphore_mem>>)
        %dma_wait3A_171 = arith.constant 0 : i32
        %dma_wait3A_172 = tpu.memref_slice %arg10[%add3A_23, %dma_wait3A_171] : memref<10240x144xf32, #tpu.memory_space<vmem_shared>> -> memref<64x144xf32, #tpu.memory_space<vmem_shared>>
        %dma_wait3A_173 = arith.constant 0 : i32
        %dma_wait3A_174 = tpu.memref_slice %arg10[%add3A_23, %dma_wait3A_173] : memref<10240x144xf32, #tpu.memory_space<vmem_shared>> -> memref<64x144xf32, #tpu.memory_space<vmem_shared>>
        tpu.wait_dma2 semaphore(%run_scoped3A_167 : memref<!tpu.dma_semaphore, #tpu.memory_space<semaphore_mem>>) src(%run_scoped3A : memref<64x144xf32, #tpu.memory_space<vmem>>) dst(%dma_wait3A_174 : memref<64x144xf32, #tpu.memory_space<vmem_shared>>)
        tpu.yield
      }) : () -> ()
      %mul3A_24 = arith.constant 640 : i32
      %mul3A_25 = arith.muli %arg1, %mul3A_24 : i32
      %add3A_26 = arith.constant 128 : i32
      %add3A_27 = arith.addi %mul3A_25, %add3A_26 : i32
      "tpu.region"() ({
        %run_scoped3A_167 = tpu.sem_alloc : memref<!tpu.dma_semaphore, #tpu.memory_space<semaphore_mem>>
        %dma_start3A = arith.constant 0 : i32
        %dma_start3A_168 = tpu.memref_slice %arg10[%add3A_27, %dma_start3A] : memref<10240x144xf32, #tpu.memory_space<vmem_shared>> -> memref<64x144xf32, #tpu.memory_space<vmem_shared>>
        %dma_start3A_169 = arith.constant 0 : i32
        %dma_start3A_170 = tpu.memref_slice %arg10[%add3A_27, %dma_start3A_169] : memref<10240x144xf32, #tpu.memory_space<vmem_shared>> -> memref<64x144xf32, #tpu.memory_space<vmem_shared>>
        tpu.enqueue_dma source(%run_scoped3A : memref<64x144xf32, #tpu.memory_space<vmem>>) target(%dma_start3A_170 : memref<64x144xf32, #tpu.memory_space<vmem_shared>>) target_semaphore(%run_scoped3A_167 : memref<!tpu.dma_semaphore, #tpu.memory_space<semaphore_mem>>)
        %dma_wait3A_171 = arith.constant 0 : i32
        %dma_wait3A_172 = tpu.memref_slice %arg10[%add3A_27, %dma_wait3A_171] : memref<10240x144xf32, #tpu.memory_space<vmem_shared>> -> memref<64x144xf32, #tpu.memory_space<vmem_shared>>
        %dma_wait3A_173 = arith.constant 0 : i32
        %dma_wait3A_174 = tpu.memref_slice %arg10[%add3A_27, %dma_wait3A_173] : memref<10240x144xf32, #tpu.memory_space<vmem_shared>> -> memref<64x144xf32, #tpu.memory_space<vmem_shared>>
        tpu.wait_dma2 semaphore(%run_scoped3A_167 : memref<!tpu.dma_semaphore, #tpu.memory_space<semaphore_mem>>) src(%run_scoped3A : memref<64x144xf32, #tpu.memory_space<vmem>>) dst(%dma_wait3A_174 : memref<64x144xf32, #tpu.memory_space<vmem_shared>>)
        tpu.yield
      }) : () -> ()
      %mul3A_28 = arith.constant 640 : i32
      %mul3A_29 = arith.muli %arg1, %mul3A_28 : i32
      %add3A_30 = arith.constant 192 : i32
      %add3A_31 = arith.addi %mul3A_29, %add3A_30 : i32
      "tpu.region"() ({
        %run_scoped3A_167 = tpu.sem_alloc : memref<!tpu.dma_semaphore, #tpu.memory_space<semaphore_mem>>
        %dma_start3A = arith.constant 0 : i32
        %dma_start3A_168 = tpu.memref_slice %arg10[%add3A_31, %dma_start3A] : memref<10240x144xf32, #tpu.memory_space<vmem_shared>> -> memref<64x144xf32, #tpu.memory_space<vmem_shared>>
        %dma_start3A_169 = arith.constant 0 : i32
        %dma_start3A_170 = tpu.memref_slice %arg10[%add3A_31, %dma_start3A_169] : memref<10240x144xf32, #tpu.memory_space<vmem_shared>> -> memref<64x144xf32, #tpu.memory_space<vmem_shared>>
        tpu.enqueue_dma source(%run_scoped3A : memref<64x144xf32, #tpu.memory_space<vmem>>) target(%dma_start3A_170 : memref<64x144xf32, #tpu.memory_space<vmem_shared>>) target_semaphore(%run_scoped3A_167 : memref<!tpu.dma_semaphore, #tpu.memory_space<semaphore_mem>>)
        %dma_wait3A_171 = arith.constant 0 : i32
        %dma_wait3A_172 = tpu.memref_slice %arg10[%add3A_31, %dma_wait3A_171] : memref<10240x144xf32, #tpu.memory_space<vmem_shared>> -> memref<64x144xf32, #tpu.memory_space<vmem_shared>>
        %dma_wait3A_173 = arith.constant 0 : i32
        %dma_wait3A_174 = tpu.memref_slice %arg10[%add3A_31, %dma_wait3A_173] : memref<10240x144xf32, #tpu.memory_space<vmem_shared>> -> memref<64x144xf32, #tpu.memory_space<vmem_shared>>
        tpu.wait_dma2 semaphore(%run_scoped3A_167 : memref<!tpu.dma_semaphore, #tpu.memory_space<semaphore_mem>>) src(%run_scoped3A : memref<64x144xf32, #tpu.memory_space<vmem>>) dst(%dma_wait3A_174 : memref<64x144xf32, #tpu.memory_space<vmem_shared>>)
        tpu.yield
      }) : () -> ()
      %mul3A_32 = arith.constant 640 : i32
      %mul3A_33 = arith.muli %arg1, %mul3A_32 : i32
      %add3A_34 = arith.constant 256 : i32
      %add3A_35 = arith.addi %mul3A_33, %add3A_34 : i32
      "tpu.region"() ({
        %run_scoped3A_167 = tpu.sem_alloc : memref<!tpu.dma_semaphore, #tpu.memory_space<semaphore_mem>>
        %dma_start3A = arith.constant 0 : i32
        %dma_start3A_168 = tpu.memref_slice %arg10[%add3A_35, %dma_start3A] : memref<10240x144xf32, #tpu.memory_space<vmem_shared>> -> memref<64x144xf32, #tpu.memory_space<vmem_shared>>
        %dma_start3A_169 = arith.constant 0 : i32
        %dma_start3A_170 = tpu.memref_slice %arg10[%add3A_35, %dma_start3A_169] : memref<10240x144xf32, #tpu.memory_space<vmem_shared>> -> memref<64x144xf32, #tpu.memory_space<vmem_shared>>
        tpu.enqueue_dma source(%run_scoped3A : memref<64x144xf32, #tpu.memory_space<vmem>>) target(%dma_start3A_170 : memref<64x144xf32, #tpu.memory_space<vmem_shared>>) target_semaphore(%run_scoped3A_167 : memref<!tpu.dma_semaphore, #tpu.memory_space<semaphore_mem>>)
        %dma_wait3A_171 = arith.constant 0 : i32
        %dma_wait3A_172 = tpu.memref_slice %arg10[%add3A_35, %dma_wait3A_171] : memref<10240x144xf32, #tpu.memory_space<vmem_shared>> -> memref<64x144xf32, #tpu.memory_space<vmem_shared>>
        %dma_wait3A_173 = arith.constant 0 : i32
        %dma_wait3A_174 = tpu.memref_slice %arg10[%add3A_35, %dma_wait3A_173] : memref<10240x144xf32, #tpu.memory_space<vmem_shared>> -> memref<64x144xf32, #tpu.memory_space<vmem_shared>>
        tpu.wait_dma2 semaphore(%run_scoped3A_167 : memref<!tpu.dma_semaphore, #tpu.memory_space<semaphore_mem>>) src(%run_scoped3A : memref<64x144xf32, #tpu.memory_space<vmem>>) dst(%dma_wait3A_174 : memref<64x144xf32, #tpu.memory_space<vmem_shared>>)
        tpu.yield
      }) : () -> ()
      %mul3A_36 = arith.constant 640 : i32
      %mul3A_37 = arith.muli %arg1, %mul3A_36 : i32
      %add3A_38 = arith.constant 320 : i32
      %add3A_39 = arith.addi %mul3A_37, %add3A_38 : i32
      "tpu.region"() ({
        %run_scoped3A_167 = tpu.sem_alloc : memref<!tpu.dma_semaphore, #tpu.memory_space<semaphore_mem>>
        %dma_start3A = arith.constant 0 : i32
        %dma_start3A_168 = tpu.memref_slice %arg10[%add3A_39, %dma_start3A] : memref<10240x144xf32, #tpu.memory_space<vmem_shared>> -> memref<64x144xf32, #tpu.memory_space<vmem_shared>>
        %dma_start3A_169 = arith.constant 0 : i32
        %dma_start3A_170 = tpu.memref_slice %arg10[%add3A_39, %dma_start3A_169] : memref<10240x144xf32, #tpu.memory_space<vmem_shared>> -> memref<64x144xf32, #tpu.memory_space<vmem_shared>>
        tpu.enqueue_dma source(%run_scoped3A : memref<64x144xf32, #tpu.memory_space<vmem>>) target(%dma_start3A_170 : memref<64x144xf32, #tpu.memory_space<vmem_shared>>) target_semaphore(%run_scoped3A_167 : memref<!tpu.dma_semaphore, #tpu.memory_space<semaphore_mem>>)
        %dma_wait3A_171 = arith.constant 0 : i32
        %dma_wait3A_172 = tpu.memref_slice %arg10[%add3A_39, %dma_wait3A_171] : memref<10240x144xf32, #tpu.memory_space<vmem_shared>> -> memref<64x144xf32, #tpu.memory_space<vmem_shared>>
        %dma_wait3A_173 = arith.constant 0 : i32
        %dma_wait3A_174 = tpu.memref_slice %arg10[%add3A_39, %dma_wait3A_173] : memref<10240x144xf32, #tpu.memory_space<vmem_shared>> -> memref<64x144xf32, #tpu.memory_space<vmem_shared>>
        tpu.wait_dma2 semaphore(%run_scoped3A_167 : memref<!tpu.dma_semaphore, #tpu.memory_space<semaphore_mem>>) src(%run_scoped3A : memref<64x144xf32, #tpu.memory_space<vmem>>) dst(%dma_wait3A_174 : memref<64x144xf32, #tpu.memory_space<vmem_shared>>)
        tpu.yield
      }) : () -> ()
      %mul3A_40 = arith.constant 640 : i32
      %mul3A_41 = arith.muli %arg1, %mul3A_40 : i32
      %add3A_42 = arith.constant 384 : i32
      %add3A_43 = arith.addi %mul3A_41, %add3A_42 : i32
      "tpu.region"() ({
        %run_scoped3A_167 = tpu.sem_alloc : memref<!tpu.dma_semaphore, #tpu.memory_space<semaphore_mem>>
        %dma_start3A = arith.constant 0 : i32
        %dma_start3A_168 = tpu.memref_slice %arg10[%add3A_43, %dma_start3A] : memref<10240x144xf32, #tpu.memory_space<vmem_shared>> -> memref<64x144xf32, #tpu.memory_space<vmem_shared>>
        %dma_start3A_169 = arith.constant 0 : i32
        %dma_start3A_170 = tpu.memref_slice %arg10[%add3A_43, %dma_start3A_169] : memref<10240x144xf32, #tpu.memory_space<vmem_shared>> -> memref<64x144xf32, #tpu.memory_space<vmem_shared>>
        tpu.enqueue_dma source(%run_scoped3A : memref<64x144xf32, #tpu.memory_space<vmem>>) target(%dma_start3A_170 : memref<64x144xf32, #tpu.memory_space<vmem_shared>>) target_semaphore(%run_scoped3A_167 : memref<!tpu.dma_semaphore, #tpu.memory_space<semaphore_mem>>)
        %dma_wait3A_171 = arith.constant 0 : i32
        %dma_wait3A_172 = tpu.memref_slice %arg10[%add3A_43, %dma_wait3A_171] : memref<10240x144xf32, #tpu.memory_space<vmem_shared>> -> memref<64x144xf32, #tpu.memory_space<vmem_shared>>
        %dma_wait3A_173 = arith.constant 0 : i32
        %dma_wait3A_174 = tpu.memref_slice %arg10[%add3A_43, %dma_wait3A_173] : memref<10240x144xf32, #tpu.memory_space<vmem_shared>> -> memref<64x144xf32, #tpu.memory_space<vmem_shared>>
        tpu.wait_dma2 semaphore(%run_scoped3A_167 : memref<!tpu.dma_semaphore, #tpu.memory_space<semaphore_mem>>) src(%run_scoped3A : memref<64x144xf32, #tpu.memory_space<vmem>>) dst(%dma_wait3A_174 : memref<64x144xf32, #tpu.memory_space<vmem_shared>>)
        tpu.yield
      }) : () -> ()
      %mul3A_44 = arith.constant 640 : i32
      %mul3A_45 = arith.muli %arg1, %mul3A_44 : i32
      %add3A_46 = arith.constant 448 : i32
      %add3A_47 = arith.addi %mul3A_45, %add3A_46 : i32
      "tpu.region"() ({
        %run_scoped3A_167 = tpu.sem_alloc : memref<!tpu.dma_semaphore, #tpu.memory_space<semaphore_mem>>
        %dma_start3A = arith.constant 0 : i32
        %dma_start3A_168 = tpu.memref_slice %arg10[%add3A_47, %dma_start3A] : memref<10240x144xf32, #tpu.memory_space<vmem_shared>> -> memref<64x144xf32, #tpu.memory_space<vmem_shared>>
        %dma_start3A_169 = arith.constant 0 : i32
        %dma_start3A_170 = tpu.memref_slice %arg10[%add3A_47, %dma_start3A_169] : memref<10240x144xf32, #tpu.memory_space<vmem_shared>> -> memref<64x144xf32, #tpu.memory_space<vmem_shared>>
        tpu.enqueue_dma source(%run_scoped3A : memref<64x144xf32, #tpu.memory_space<vmem>>) target(%dma_start3A_170 : memref<64x144xf32, #tpu.memory_space<vmem_shared>>) target_semaphore(%run_scoped3A_167 : memref<!tpu.dma_semaphore, #tpu.memory_space<semaphore_mem>>)
        %dma_wait3A_171 = arith.constant 0 : i32
        %dma_wait3A_172 = tpu.memref_slice %arg10[%add3A_47, %dma_wait3A_171] : memref<10240x144xf32, #tpu.memory_space<vmem_shared>> -> memref<64x144xf32, #tpu.memory_space<vmem_shared>>
        %dma_wait3A_173 = arith.constant 0 : i32
        %dma_wait3A_174 = tpu.memref_slice %arg10[%add3A_47, %dma_wait3A_173] : memref<10240x144xf32, #tpu.memory_space<vmem_shared>> -> memref<64x144xf32, #tpu.memory_space<vmem_shared>>
        tpu.wait_dma2 semaphore(%run_scoped3A_167 : memref<!tpu.dma_semaphore, #tpu.memory_space<semaphore_mem>>) src(%run_scoped3A : memref<64x144xf32, #tpu.memory_space<vmem>>) dst(%dma_wait3A_174 : memref<64x144xf32, #tpu.memory_space<vmem_shared>>)
        tpu.yield
      }) : () -> ()
      %mul3A_48 = arith.constant 640 : i32
      %mul3A_49 = arith.muli %arg1, %mul3A_48 : i32
      %add3A_50 = arith.constant 512 : i32
      %add3A_51 = arith.addi %mul3A_49, %add3A_50 : i32
      "tpu.region"() ({
        %run_scoped3A_167 = tpu.sem_alloc : memref<!tpu.dma_semaphore, #tpu.memory_space<semaphore_mem>>
        %dma_start3A = arith.constant 0 : i32
        %dma_start3A_168 = tpu.memref_slice %arg10[%add3A_51, %dma_start3A] : memref<10240x144xf32, #tpu.memory_space<vmem_shared>> -> memref<64x144xf32, #tpu.memory_space<vmem_shared>>
        %dma_start3A_169 = arith.constant 0 : i32
        %dma_start3A_170 = tpu.memref_slice %arg10[%add3A_51, %dma_start3A_169] : memref<10240x144xf32, #tpu.memory_space<vmem_shared>> -> memref<64x144xf32, #tpu.memory_space<vmem_shared>>
        tpu.enqueue_dma source(%run_scoped3A : memref<64x144xf32, #tpu.memory_space<vmem>>) target(%dma_start3A_170 : memref<64x144xf32, #tpu.memory_space<vmem_shared>>) target_semaphore(%run_scoped3A_167 : memref<!tpu.dma_semaphore, #tpu.memory_space<semaphore_mem>>)
        %dma_wait3A_171 = arith.constant 0 : i32
        %dma_wait3A_172 = tpu.memref_slice %arg10[%add3A_51, %dma_wait3A_171] : memref<10240x144xf32, #tpu.memory_space<vmem_shared>> -> memref<64x144xf32, #tpu.memory_space<vmem_shared>>
        %dma_wait3A_173 = arith.constant 0 : i32
        %dma_wait3A_174 = tpu.memref_slice %arg10[%add3A_51, %dma_wait3A_173] : memref<10240x144xf32, #tpu.memory_space<vmem_shared>> -> memref<64x144xf32, #tpu.memory_space<vmem_shared>>
        tpu.wait_dma2 semaphore(%run_scoped3A_167 : memref<!tpu.dma_semaphore, #tpu.memory_space<semaphore_mem>>) src(%run_scoped3A : memref<64x144xf32, #tpu.memory_space<vmem>>) dst(%dma_wait3A_174 : memref<64x144xf32, #tpu.memory_space<vmem_shared>>)
        tpu.yield
      }) : () -> ()
      %mul3A_52 = arith.constant 640 : i32
      %mul3A_53 = arith.muli %arg1, %mul3A_52 : i32
      %add3A_54 = arith.constant 576 : i32
      %add3A_55 = arith.addi %mul3A_53, %add3A_54 : i32
      "tpu.region"() ({
        %run_scoped3A_167 = tpu.sem_alloc : memref<!tpu.dma_semaphore, #tpu.memory_space<semaphore_mem>>
        %dma_start3A = arith.constant 0 : i32
        %dma_start3A_168 = tpu.memref_slice %arg10[%add3A_55, %dma_start3A] : memref<10240x144xf32, #tpu.memory_space<vmem_shared>> -> memref<64x144xf32, #tpu.memory_space<vmem_shared>>
        %dma_start3A_169 = arith.constant 0 : i32
        %dma_start3A_170 = tpu.memref_slice %arg10[%add3A_55, %dma_start3A_169] : memref<10240x144xf32, #tpu.memory_space<vmem_shared>> -> memref<64x144xf32, #tpu.memory_space<vmem_shared>>
        tpu.enqueue_dma source(%run_scoped3A : memref<64x144xf32, #tpu.memory_space<vmem>>) target(%dma_start3A_170 : memref<64x144xf32, #tpu.memory_space<vmem_shared>>) target_semaphore(%run_scoped3A_167 : memref<!tpu.dma_semaphore, #tpu.memory_space<semaphore_mem>>)
        %dma_wait3A_171 = arith.constant 0 : i32
        %dma_wait3A_172 = tpu.memref_slice %arg10[%add3A_55, %dma_wait3A_171] : memref<10240x144xf32, #tpu.memory_space<vmem_shared>> -> memref<64x144xf32, #tpu.memory_space<vmem_shared>>
        %dma_wait3A_173 = arith.constant 0 : i32
        %dma_wait3A_174 = tpu.memref_slice %arg10[%add3A_55, %dma_wait3A_173] : memref<10240x144xf32, #tpu.memory_space<vmem_shared>> -> memref<64x144xf32, #tpu.memory_space<vmem_shared>>
        tpu.wait_dma2 semaphore(%run_scoped3A_167 : memref<!tpu.dma_semaphore, #tpu.memory_space<semaphore_mem>>) src(%run_scoped3A : memref<64x144xf32, #tpu.memory_space<vmem>>) dst(%dma_wait3A_174 : memref<64x144xf32, #tpu.memory_space<vmem_shared>>)
        tpu.yield
      }) : () -> ()
      %barrier3A = arith.constant 0 : index
      tpu.barrier barrier_id(%barrier3A)
      %eq3A = arith.constant 0 : i32
      %eq3A_56 = arith.cmpi eq, %arg0, %eq3A : i32
      %convert_element_type3A = arith.extui %eq3A_56 : i1 to i32
      %cond3A = arith.constant 0 : i32
      %cond3A_57 = arith.cmpi ne, %convert_element_type3A, %cond3A : i32
      scf.if %cond3A_57 {
        %mul3A_167 = arith.constant 148 : i32
        %mul3A_168 = arith.muli %arg1, %mul3A_167 : i32
        "tpu.region"() ({
          %run_scoped3A_169 = tpu.sem_alloc : memref<!tpu.dma_semaphore, #tpu.memory_space<semaphore_mem>>
          %dma_start3A = arith.constant 0 : i32
          %dma_start3A_170 = tpu.memref_slice %arg6[%mul3A_168, %dma_start3A] : memref<2368x64xi32, #tpu.memory_space<hbm>> -> memref<148x64xi32, #tpu.memory_space<hbm>>
          %dma_start3A_171 = arith.constant 0 : i32
          %dma_start3A_172 = tpu.memref_slice %arg6[%mul3A_168, %dma_start3A_171] : memref<2368x64xi32, #tpu.memory_space<hbm>> -> memref<148x64xi32, #tpu.memory_space<hbm>>
          tpu.enqueue_dma source(%dma_start3A_172 : memref<148x64xi32, #tpu.memory_space<hbm>>) target(%run_scoped3A_3 : memref<148x64xi32, #tpu.memory_space<vmem>>) target_semaphore(%run_scoped3A_169 : memref<!tpu.dma_semaphore, #tpu.memory_space<semaphore_mem>>)
          %dma_wait3A_173 = arith.constant 0 : i32
          %dma_wait3A_174 = tpu.memref_slice %arg6[%mul3A_168, %dma_wait3A_173] : memref<2368x64xi32, #tpu.memory_space<hbm>> -> memref<148x64xi32, #tpu.memory_space<hbm>>
          %dma_wait3A_175 = arith.constant 0 : i32
          %dma_wait3A_176 = tpu.memref_slice %arg6[%mul3A_168, %dma_wait3A_175] : memref<2368x64xi32, #tpu.memory_space<hbm>> -> memref<148x64xi32, #tpu.memory_space<hbm>>
          tpu.wait_dma2 semaphore(%run_scoped3A_169 : memref<!tpu.dma_semaphore, #tpu.memory_space<semaphore_mem>>) src(%dma_wait3A_176 : memref<148x64xi32, #tpu.memory_space<hbm>>) dst(%run_scoped3A_3 : memref<148x64xi32, #tpu.memory_space<vmem>>)
          tpu.yield
        }) : () -> ()
      } else {
      }
      %eq3A_58 = arith.constant 1 : i32
      %eq3A_59 = arith.cmpi eq, %arg0, %eq3A_58 : i32
      %convert_element_type3A_60 = arith.extui %eq3A_59 : i1 to i32
      %cond3A_61 = arith.constant 0 : i32
      %cond3A_62 = arith.cmpi ne, %convert_element_type3A_60, %cond3A_61 : i32
      scf.if %cond3A_62 {
        %mul3A_167 = arith.constant 148 : i32
        %mul3A_168 = arith.muli %arg1, %mul3A_167 : i32
        "tpu.region"() ({
          %run_scoped3A_169 = tpu.sem_alloc : memref<!tpu.dma_semaphore, #tpu.memory_space<semaphore_mem>>
          %dma_start3A = arith.constant 0 : i32
          %dma_start3A_170 = tpu.memref_slice %arg7[%mul3A_168, %dma_start3A] : memref<2368x64xi32, #tpu.memory_space<hbm>> -> memref<148x64xi32, #tpu.memory_space<hbm>>
          %dma_start3A_171 = arith.constant 0 : i32
          %dma_start3A_172 = tpu.memref_slice %arg7[%mul3A_168, %dma_start3A_171] : memref<2368x64xi32, #tpu.memory_space<hbm>> -> memref<148x64xi32, #tpu.memory_space<hbm>>
          tpu.enqueue_dma source(%dma_start3A_172 : memref<148x64xi32, #tpu.memory_space<hbm>>) target(%run_scoped3A_3 : memref<148x64xi32, #tpu.memory_space<vmem>>) target_semaphore(%run_scoped3A_169 : memref<!tpu.dma_semaphore, #tpu.memory_space<semaphore_mem>>)
          %dma_wait3A_173 = arith.constant 0 : i32
          %dma_wait3A_174 = tpu.memref_slice %arg7[%mul3A_168, %dma_wait3A_173] : memref<2368x64xi32, #tpu.memory_space<hbm>> -> memref<148x64xi32, #tpu.memory_space<hbm>>
          %dma_wait3A_175 = arith.constant 0 : i32
          %dma_wait3A_176 = tpu.memref_slice %arg7[%mul3A_168, %dma_wait3A_175] : memref<2368x64xi32, #tpu.memory_space<hbm>> -> memref<148x64xi32, #tpu.memory_space<hbm>>
          tpu.wait_dma2 semaphore(%run_scoped3A_169 : memref<!tpu.dma_semaphore, #tpu.memory_space<semaphore_mem>>) src(%dma_wait3A_176 : memref<148x64xi32, #tpu.memory_space<hbm>>) dst(%run_scoped3A_3 : memref<148x64xi32, #tpu.memory_space<vmem>>)
          tpu.yield
        }) : () -> ()
      } else {
      }
      %get3A = arith.constant 0 : i32
      %get3A_63 = arith.index_cast %get3A : i32 to index
      %get3A_64 = arith.constant 0 : index
      %get3A_65 = tpu.vector_load %run_scoped3A_3[%get3A_63, %get3A_64] {strides = array<i32>} : memref<148x64xi32, #tpu.memory_space<vmem>>, vector<1x16xi32>,
      %get3A_66 = vector.shape_cast %get3A_65 : vector<1x16xi32> to vector<16xi32>
      %and3A = arith.constant 65535 : i32
      %and3A_67 = vector.broadcast %and3A : i32 to vector<16xi32>
      %and3A_68 = arith.andi %get3A_66, %and3A_67 : vector<16xi32>
      %swap3A = arith.constant 0 : index
      %swap3A_69 = tpu.vector_load %run_scoped3A_4[%swap3A] {strides = array<i32>} : memref<64xi32, #tpu.memory_space<vmem>>, vector<16xi32>,
      %swap3A_70 = vector.shape_cast %swap3A_69 : vector<16xi32> to vector<16xi32>
      %swap3A_71 = vector.shape_cast %and3A_68 : vector<16xi32> to vector<16xi32>
      tpu.vector_store %run_scoped3A_4[%swap3A], %swap3A_71 {strides = array<i32>} : memref<64xi32, #tpu.memory_space<vmem>>, vector<16xi32>,
      %shift_right_logical3A = arith.constant 16 : i32
      %shift_right_logical3A_72 = vector.broadcast %shift_right_logical3A : i32 to vector<16xi32>
      %shift_right_logical3A_73 = arith.shrui %get3A_66, %shift_right_logical3A_72 : vector<16xi32>
      %swap3A_74 = arith.constant 0 : index
      %swap3A_75 = tpu.vector_load %run_scoped3A_6[%swap3A_74] {strides = array<i32>} : memref<64xi32, #tpu.memory_space<vmem>>, vector<16xi32>,
      %swap3A_76 = vector.shape_cast %swap3A_75 : vector<16xi32> to vector<16xi32>
      %swap3A_77 = vector.shape_cast %shift_right_logical3A_73 : vector<16xi32> to vector<16xi32>
      tpu.vector_store %run_scoped3A_6[%swap3A_74], %swap3A_77 {strides = array<i32>} : memref<64xi32, #tpu.memory_space<vmem>>, vector<16xi32>,
      %get3A_78 = arith.constant 0 : i32
      %get3A_79 = arith.index_cast %get3A_78 : i32 to index
      %get3A_80 = arith.constant 16 : index
      %get3A_81 = tpu.vector_load %run_scoped3A_3[%get3A_79, %get3A_80] {strides = array<i32>} : memref<148x64xi32, #tpu.memory_space<vmem>>, vector<1x16xi32>,
      %get3A_82 = vector.shape_cast %get3A_81 : vector<1x16xi32> to vector<16xi32>
      %and3A_83 = arith.constant 65535 : i32
      %and3A_84 = vector.broadcast %and3A_83 : i32 to vector<16xi32>
      %and3A_85 = arith.andi %get3A_82, %and3A_84 : vector<16xi32>
      %swap3A_86 = arith.constant 16 : index
      %swap3A_87 = tpu.vector_load %run_scoped3A_4[%swap3A_86] {strides = array<i32>} : memref<64xi32, #tpu.memory_space<vmem>>, vector<16xi32>,
      %swap3A_88 = vector.shape_cast %swap3A_87 : vector<16xi32> to vector<16xi32>
      %swap3A_89 = vector.shape_cast %and3A_85 : vector<16xi32> to vector<16xi32>
      tpu.vector_store %run_scoped3A_4[%swap3A_86], %swap3A_89 {strides = array<i32>} : memref<64xi32, #tpu.memory_space<vmem>>, vector<16xi32>,
      %shift_right_logical3A_90 = arith.constant 16 : i32
      %shift_right_logical3A_91 = vector.broadcast %shift_right_logical3A_90 : i32 to vector<16xi32>
      %shift_right_logical3A_92 = arith.shrui %get3A_82, %shift_right_logical3A_91 : vector<16xi32>
      %swap3A_93 = arith.constant 16 : index
      %swap3A_94 = tpu.vector_load %run_scoped3A_6[%swap3A_93] {strides = array<i32>} : memref<64xi32, #tpu.memory_space<vmem>>, vector<16xi32>,
      %swap3A_95 = vector.shape_cast %swap3A_94 : vector<16xi32> to vector<16xi32>
      %swap3A_96 = vector.shape_cast %shift_right_logical3A_92 : vector<16xi32> to vector<16xi32>
      tpu.vector_store %run_scoped3A_6[%swap3A_93], %swap3A_96 {strides = array<i32>} : memref<64xi32, #tpu.memory_space<vmem>>, vector<16xi32>,
      %get3A_97 = arith.constant 0 : i32
      %get3A_98 = arith.index_cast %get3A_97 : i32 to index
      %get3A_99 = arith.constant 32 : index
      %get3A_100 = tpu.vector_load %run_scoped3A_3[%get3A_98, %get3A_99] {strides = array<i32>} : memref<148x64xi32, #tpu.memory_space<vmem>>, vector<1x16xi32>,
      %get3A_101 = vector.shape_cast %get3A_100 : vector<1x16xi32> to vector<16xi32>
      %and3A_102 = arith.constant 65535 : i32
      %and3A_103 = vector.broadcast %and3A_102 : i32 to vector<16xi32>
      %and3A_104 = arith.andi %get3A_101, %and3A_103 : vector<16xi32>
      %swap3A_105 = arith.constant 32 : index
      %swap3A_106 = tpu.vector_load %run_scoped3A_4[%swap3A_105] {strides = array<i32>} : memref<64xi32, #tpu.memory_space<vmem>>, vector<16xi32>,
      %swap3A_107 = vector.shape_cast %swap3A_106 : vector<16xi32> to vector<16xi32>
      %swap3A_108 = vector.shape_cast %and3A_104 : vector<16xi32> to vector<16xi32>
      tpu.vector_store %run_scoped3A_4[%swap3A_105], %swap3A_108 {strides = array<i32>} : memref<64xi32, #tpu.memory_space<vmem>>, vector<16xi32>,
      %shift_right_logical3A_109 = arith.constant 16 : i32
      %shift_right_logical3A_110 = vector.broadcast %shift_right_logical3A_109 : i32 to vector<16xi32>
      %shift_right_logical3A_111 = arith.shrui %get3A_101, %shift_right_logical3A_110 : vector<16xi32>
      %swap3A_112 = arith.constant 32 : index
      %swap3A_113 = tpu.vector_load %run_scoped3A_6[%swap3A_112] {strides = array<i32>} : memref<64xi32, #tpu.memory_space<vmem>>, vector<16xi32>,
      %swap3A_114 = vector.shape_cast %swap3A_113 : vector<16xi32> to vector<16xi32>
      %swap3A_115 = vector.shape_cast %shift_right_logical3A_111 : vector<16xi32> to vector<16xi32>
      tpu.vector_store %run_scoped3A_6[%swap3A_112], %swap3A_115 {strides = array<i32>} : memref<64xi32, #tpu.memory_space<vmem>>, vector<16xi32>,
      %get3A_116 = arith.constant 0 : i32
      %get3A_117 = arith.index_cast %get3A_116 : i32 to index
      %get3A_118 = arith.constant 48 : index
      %get3A_119 = tpu.vector_load %run_scoped3A_3[%get3A_117, %get3A_118] {strides = array<i32>} : memref<148x64xi32, #tpu.memory_space<vmem>>, vector<1x16xi32>,
      %get3A_120 = vector.shape_cast %get3A_119 : vector<1x16xi32> to vector<16xi32>
      %and3A_121 = arith.constant 65535 : i32
      %and3A_122 = vector.broadcast %and3A_121 : i32 to vector<16xi32>
      %and3A_123 = arith.andi %get3A_120, %and3A_122 : vector<16xi32>
      %swap3A_124 = arith.constant 48 : index
      %swap3A_125 = tpu.vector_load %run_scoped3A_4[%swap3A_124] {strides = array<i32>} : memref<64xi32, #tpu.memory_space<vmem>>, vector<16xi32>,
      %swap3A_126 = vector.shape_cast %swap3A_125 : vector<16xi32> to vector<16xi32>
      %swap3A_127 = vector.shape_cast %and3A_123 : vector<16xi32> to vector<16xi32>
      tpu.vector_store %run_scoped3A_4[%swap3A_124], %swap3A_127 {strides = array<i32>} : memref<64xi32, #tpu.memory_space<vmem>>, vector<16xi32>,
      %shift_right_logical3A_128 = arith.constant 16 : i32
      %shift_right_logical3A_129 = vector.broadcast %shift_right_logical3A_128 : i32 to vector<16xi32>
      %shift_right_logical3A_130 = arith.shrui %get3A_120, %shift_right_logical3A_129 : vector<16xi32>
      %swap3A_131 = arith.constant 48 : index
      %swap3A_132 = tpu.vector_load %run_scoped3A_6[%swap3A_131] {strides = array<i32>} : memref<64xi32, #tpu.memory_space<vmem>>, vector<16xi32>,
      %swap3A_133 = vector.shape_cast %swap3A_132 : vector<16xi32> to vector<16xi32>
      %swap3A_134 = vector.shape_cast %shift_right_logical3A_130 : vector<16xi32> to vector<16xi32>
      tpu.vector_store %run_scoped3A_6[%swap3A_131], %swap3A_134 {strides = array<i32>} : memref<64xi32, #tpu.memory_space<vmem>>, vector<16xi32>,
      %eq3A_135 = arith.constant 0 : i32
      %eq3A_136 = arith.cmpi eq, %arg0, %eq3A_135 : i32
      %convert_element_type3A_137 = arith.extui %eq3A_136 : i1 to i32
      %cond3A_138 = arith.constant 0 : i32
      %cond3A_139 = arith.cmpi ne, %convert_element_type3A_137, %cond3A_138 : i32
      scf.if %cond3A_139 {
        %dma_start3A = arith.constant 0 : i32
        %dma_start3A_167 = arith.constant 0 : i32
        %dma_start3A_168 = tpu.memref_slice %arg2[%dma_start3A, %dma_start3A_167] : memref<10240x144xf32, #tpu.memory_space<hbm>> -> memref<10240x144xf32, #tpu.memory_space<hbm>>
        tpu.enqueue_indirect_dma source(%dma_start3A_168 : memref<10240x144xf32, #tpu.memory_space<hbm>>) target(%run_scoped3A : memref<64x144xf32, #tpu.memory_space<vmem>>) offsets(%run_scoped3A_4 : memref<64xi32, #tpu.memory_space<vmem>>) semaphore(%run_scoped3A_8 : memref<!tpu.dma_semaphore, #tpu.memory_space<semaphore_mem>>)
        %dma_start3A_169 = arith.constant 0 : i32
        %dma_start3A_170 = arith.constant 0 : i32
        %dma_start3A_171 = tpu.memref_slice %arg4[%dma_start3A_169, %dma_start3A_170] : memref<10240x16xf32, #tpu.memory_space<hbm>> -> memref<10240x16xf32, #tpu.memory_space<hbm>>
        tpu.enqueue_indirect_dma source(%dma_start3A_171 : memref<10240x16xf32, #tpu.memory_space<hbm>>) target(%run_scoped3A_1 : memref<64x16xf32, #tpu.memory_space<vmem>>) offsets(%run_scoped3A_6 : memref<64xi32, #tpu.memory_space<vmem>>) semaphore(%run_scoped3A_8 : memref<!tpu.dma_semaphore, #tpu.memory_space<semaphore_mem>>)
      } else {
      }
      %eq3A_140 = arith.constant 1 : i32
      %eq3A_141 = arith.cmpi eq, %arg0, %eq3A_140 : i32
      %convert_element_type3A_142 = arith.extui %eq3A_141 : i1 to i32
      %cond3A_143 = arith.constant 0 : i32
      %cond3A_144 = arith.cmpi ne, %convert_element_type3A_142, %cond3A_143 : i32
      scf.if %cond3A_144 {
        %dma_start3A = arith.constant 0 : i32
        %dma_start3A_167 = arith.constant 0 : i32
        %dma_start3A_168 = tpu.memref_slice %arg3[%dma_start3A, %dma_start3A_167] : memref<10240x144xf32, #tpu.memory_space<hbm>> -> memref<10240x144xf32, #tpu.memory_space<hbm>>
        tpu.enqueue_indirect_dma source(%dma_start3A_168 : memref<10240x144xf32, #tpu.memory_space<hbm>>) target(%run_scoped3A : memref<64x144xf32, #tpu.memory_space<vmem>>) offsets(%run_scoped3A_4 : memref<64xi32, #tpu.memory_space<vmem>>) semaphore(%run_scoped3A_8 : memref<!tpu.dma_semaphore, #tpu.memory_space<semaphore_mem>>)
        %dma_start3A_169 = arith.constant 0 : i32
        %dma_start3A_170 = arith.constant 0 : i32
        %dma_start3A_171 = tpu.memref_slice %arg5[%dma_start3A_169, %dma_start3A_170] : memref<10240x16xf32, #tpu.memory_space<hbm>> -> memref<10240x16xf32, #tpu.memory_space<hbm>>
        tpu.enqueue_indirect_dma source(%dma_start3A_171 : memref<10240x16xf32, #tpu.memory_space<hbm>>) target(%run_scoped3A_1 : memref<64x16xf32, #tpu.memory_space<vmem>>) offsets(%run_scoped3A_6 : memref<64xi32, #tpu.memory_space<vmem>>) semaphore(%run_scoped3A_8 : memref<!tpu.dma_semaphore, #tpu.memory_space<semaphore_mem>>)
      } else {
      }
      %scan3A_145 = arith.constant 0 : i32
      %scan3A_146 = arith.constant 0 : i32
      %scan3A_147 = arith.constant 74 : i32
      %scan3A_148 = arith.addi %scan3A_146, %scan3A_147 : i32
      %scan3A_149 = arith.constant 1 : i32
      scf.for %scan3A_167 = %scan3A_146 to %scan3A_148 step %scan3A_149  : i32 {
        %mul3A_168 = arith.constant 2 : i32
        %mul3A_169 = arith.muli %mul3A_168, %scan3A_167 : i32
        %add3A_170 = arith.constant 0 : i32
        %add3A_171 = arith.addi %mul3A_169, %add3A_170 : i32
        %add3A_172 = arith.constant 1 : i32
        %add3A_173 = arith.addi %add3A_171, %add3A_172 : i32
        %lt3A = arith.constant 148 : i32
        %lt3A_174 = arith.cmpi slt, %add3A_173, %lt3A : i32
        %convert_element_type3A_175 = arith.extui %lt3A_174 : i1 to i32
        %cond3A_176 = arith.constant 0 : i32
        %cond3A_177 = arith.cmpi ne, %convert_element_type3A_175, %cond3A_176 : i32
        scf.if %cond3A_177 {
          %ge3A = arith.constant 1 : i32
          %ge3A_211 = arith.cmpi sge, %add3A_171, %ge3A : i32
          %convert_element_type3A_212 = arith.extui %ge3A_211 : i1 to i32
          %cond3A_213 = arith.constant 0 : i32
          %cond3A_214 = arith.cmpi ne, %convert_element_type3A_212, %cond3A_213 : i32
          scf.if %cond3A_214 {
            %dma_wait3A_299 = arith.constant 0 : i32
            %dma_wait3A_300 = arith.constant 0 : i32
            %dma_wait3A_301 = tpu.memref_slice %arg10[%dma_wait3A_299, %dma_wait3A_300] : memref<10240x144xf32, #tpu.memory_space<vmem_shared>> -> memref<10240x144xf32, #tpu.memory_space<vmem_shared>>
            tpu.wait_indirect_dma semaphore(%run_scoped3A_11 : memref<!tpu.dma_semaphore, #tpu.memory_space<semaphore_mem>>) src(%run_scoped3A_0 : memref<64x144xf32, #tpu.memory_space<vmem>>) dst(%dma_wait3A_301 : memref<10240x144xf32, #tpu.memory_space<vmem_shared>>)
          } else {
          }
          %add3A_215 = arith.constant 1 : i32
          %add3A_216 = arith.addi %add3A_171, %add3A_215 : i32
          %get3A_217 = arith.index_cast %add3A_216 : i32 to index
          %get3A_218 = arith.constant 0 : index
          %get3A_219 = tpu.vector_load %run_scoped3A_3[%get3A_217, %get3A_218] {strides = array<i32>} : memref<148x64xi32, #tpu.memory_space<vmem>>, vector<1x16xi32>,
          %get3A_220 = vector.shape_cast %get3A_219 : vector<1x16xi32> to vector<16xi32>
          %and3A_221 = arith.constant 65535 : i32
          %and3A_222 = vector.broadcast %and3A_221 : i32 to vector<16xi32>
          %and3A_223 = arith.andi %get3A_220, %and3A_222 : vector<16xi32>
          %swap3A_224 = arith.constant 0 : index
          %swap3A_225 = tpu.vector_load %run_scoped3A_5[%swap3A_224] {strides = array<i32>} : memref<64xi32, #tpu.memory_space<vmem>>, vector<16xi32>,
          %swap3A_226 = vector.shape_cast %swap3A_225 : vector<16xi32> to vector<16xi32>
          %swap3A_227 = vector.shape_cast %and3A_223 : vector<16xi32> to vector<16xi32>
          tpu.vector_store %run_scoped3A_5[%swap3A_224], %swap3A_227 {strides = array<i32>} : memref<64xi32, #tpu.memory_space<vmem>>, vector<16xi32>,
          %shift_right_logical3A_228 = arith.constant 16 : i32
          %shift_right_logical3A_229 = vector.broadcast %shift_right_logical3A_228 : i32 to vector<16xi32>
          %shift_right_logical3A_230 = arith.shrui %get3A_220, %shift_right_logical3A_229 : vector<16xi32>
          %swap3A_231 = arith.constant 0 : index
          %swap3A_232 = tpu.vector_load %run_scoped3A_7[%swap3A_231] {strides = array<i32>} : memref<64xi32, #tpu.memory_space<vmem>>, vector<16xi32>,
          %swap3A_233 = vector.shape_cast %swap3A_232 : vector<16xi32> to vector<16xi32>
          %swap3A_234 = vector.shape_cast %shift_right_logical3A_230 : vector<16xi32> to vector<16xi32>
          tpu.vector_store %run_scoped3A_7[%swap3A_231], %swap3A_234 {strides = array<i32>} : memref<64xi32, #tpu.memory_space<vmem>>, vector<16xi32>,
          %get3A_235 = arith.index_cast %add3A_216 : i32 to index
          %get3A_236 = arith.constant 16 : index
          %get3A_237 = tpu.vector_load %run_scoped3A_3[%get3A_235, %get3A_236] {strides = array<i32>} : memref<148x64xi32, #tpu.memory_space<vmem>>, vector<1x16xi32>,
          %get3A_238 = vector.shape_cast %get3A_237 : vector<1x16xi32> to vector<16xi32>
          %and3A_239 = arith.constant 65535 : i32
          %and3A_240 = vector.broadcast %and3A_239 : i32 to vector<16xi32>
          %and3A_241 = arith.andi %get3A_238, %and3A_240 : vector<16xi32>
          %swap3A_242 = arith.constant 16 : index
          %swap3A_243 = tpu.vector_load %run_scoped3A_5[%swap3A_242] {strides = array<i32>} : memref<64xi32, #tpu.memory_space<vmem>>, vector<16xi32>,
          %swap3A_244 = vector.shape_cast %swap3A_243 : vector<16xi32> to vector<16xi32>
          %swap3A_245 = vector.shape_cast %and3A_241 : vector<16xi32> to vector<16xi32>
          tpu.vector_store %run_scoped3A_5[%swap3A_242], %swap3A_245 {strides = array<i32>} : memref<64xi32, #tpu.memory_space<vmem>>, vector<16xi32>,
          %shift_right_logical3A_246 = arith.constant 16 : i32
          %shift_right_logical3A_247 = vector.broadcast %shift_right_logical3A_246 : i32 to vector<16xi32>
          %shift_right_logical3A_248 = arith.shrui %get3A_238, %shift_right_logical3A_247 : vector<16xi32>
          %swap3A_249 = arith.constant 16 : index
          %swap3A_250 = tpu.vector_load %run_scoped3A_7[%swap3A_249] {strides = array<i32>} : memref<64xi32, #tpu.memory_space<vmem>>, vector<16xi32>,
          %swap3A_251 = vector.shape_cast %swap3A_250 : vector<16xi32> to vector<16xi32>
          %swap3A_252 = vector.shape_cast %shift_right_logical3A_248 : vector<16xi32> to vector<16xi32>
          tpu.vector_store %run_scoped3A_7[%swap3A_249], %swap3A_252 {strides = array<i32>} : memref<64xi32, #tpu.memory_space<vmem>>, vector<16xi32>,
          %get3A_253 = arith.index_cast %add3A_216 : i32 to index
          %get3A_254 = arith.constant 32 : index
          %get3A_255 = tpu.vector_load %run_scoped3A_3[%get3A_253, %get3A_254] {strides = array<i32>} : memref<148x64xi32, #tpu.memory_space<vmem>>, vector<1x16xi32>,
          %get3A_256 = vector.shape_cast %get3A_255 : vector<1x16xi32> to vector<16xi32>
          %and3A_257 = arith.constant 65535 : i32
          %and3A_258 = vector.broadcast %and3A_257 : i32 to vector<16xi32>
          %and3A_259 = arith.andi %get3A_256, %and3A_258 : vector<16xi32>
          %swap3A_260 = arith.constant 32 : index
          %swap3A_261 = tpu.vector_load %run_scoped3A_5[%swap3A_260] {strides = array<i32>} : memref<64xi32, #tpu.memory_space<vmem>>, vector<16xi32>,
          %swap3A_262 = vector.shape_cast %swap3A_261 : vector<16xi32> to vector<16xi32>
          %swap3A_263 = vector.shape_cast %and3A_259 : vector<16xi32> to vector<16xi32>
          tpu.vector_store %run_scoped3A_5[%swap3A_260], %swap3A_263 {strides = array<i32>} : memref<64xi32, #tpu.memory_space<vmem>>, vector<16xi32>,
          %shift_right_logical3A_264 = arith.constant 16 : i32
          %shift_right_logical3A_265 = vector.broadcast %shift_right_logical3A_264 : i32 to vector<16xi32>
          %shift_right_logical3A_266 = arith.shrui %get3A_256, %shift_right_logical3A_265 : vector<16xi32>
          %swap3A_267 = arith.constant 32 : index
          %swap3A_268 = tpu.vector_load %run_scoped3A_7[%swap3A_267] {strides = array<i32>} : memref<64xi32, #tpu.memory_space<vmem>>, vector<16xi32>,
          %swap3A_269 = vector.shape_cast %swap3A_268 : vector<16xi32> to vector<16xi32>
          %swap3A_270 = vector.shape_cast %shift_right_logical3A_266 : vector<16xi32> to vector<16xi32>
          tpu.vector_store %run_scoped3A_7[%swap3A_267], %swap3A_270 {strides = array<i32>} : memref<64xi32, #tpu.memory_space<vmem>>, vector<16xi32>,
          %get3A_271 = arith.index_cast %add3A_216 : i32 to index
          %get3A_272 = arith.constant 48 : index
          %get3A_273 = tpu.vector_load %run_scoped3A_3[%get3A_271, %get3A_272] {strides = array<i32>} : memref<148x64xi32, #tpu.memory_space<vmem>>, vector<1x16xi32>,
          %get3A_274 = vector.shape_cast %get3A_273 : vector<1x16xi32> to vector<16xi32>
          %and3A_275 = arith.constant 65535 : i32
          %and3A_276 = vector.broadcast %and3A_275 : i32 to vector<16xi32>
          %and3A_277 = arith.andi %get3A_274, %and3A_276 : vector<16xi32>
          %swap3A_278 = arith.constant 48 : index
          %swap3A_279 = tpu.vector_load %run_scoped3A_5[%swap3A_278] {strides = array<i32>} : memref<64xi32, #tpu.memory_space<vmem>>, vector<16xi32>,
          %swap3A_280 = vector.shape_cast %swap3A_279 : vector<16xi32> to vector<16xi32>
          %swap3A_281 = vector.shape_cast %and3A_277 : vector<16xi32> to vector<16xi32>
          tpu.vector_store %run_scoped3A_5[%swap3A_278], %swap3A_281 {strides = array<i32>} : memref<64xi32, #tpu.memory_space<vmem>>, vector<16xi32>,
          %shift_right_logical3A_282 = arith.constant 16 : i32
          %shift_right_logical3A_283 = vector.broadcast %shift_right_logical3A_282 : i32 to vector<16xi32>
          %shift_right_logical3A_284 = arith.shrui %get3A_274, %shift_right_logical3A_283 : vector<16xi32>
          %swap3A_285 = arith.constant 48 : index
          %swap3A_286 = tpu.vector_load %run_scoped3A_7[%swap3A_285] {strides = array<i32>} : memref<64xi32, #tpu.memory_space<vmem>>, vector<16xi32>,
          %swap3A_287 = vector.shape_cast %swap3A_286 : vector<16xi32> to vector<16xi32>
          %swap3A_288 = vector.shape_cast %shift_right_logical3A_284 : vector<16xi32> to vector<16xi32>
          tpu.vector_store %run_scoped3A_7[%swap3A_285], %swap3A_288 {strides = array<i32>} : memref<64xi32, #tpu.memory_space<vmem>>, vector<16xi32>,
          %eq3A_289 = arith.constant 0 : i32
          %eq3A_290 = arith.cmpi eq, %arg0, %eq3A_289 : i32
          %convert_element_type3A_291 = arith.extui %eq3A_290 : i1 to i32
          %cond3A_292 = arith.constant 0 : i32
          %cond3A_293 = arith.cmpi ne, %convert_element_type3A_291, %cond3A_292 : i32
          scf.if %cond3A_293 {
            %dma_start3A_299 = arith.constant 0 : i32
            %dma_start3A_300 = arith.constant 0 : i32
            %dma_start3A_301 = tpu.memref_slice %arg2[%dma_start3A_299, %dma_start3A_300] : memref<10240x144xf32, #tpu.memory_space<hbm>> -> memref<10240x144xf32, #tpu.memory_space<hbm>>
            tpu.enqueue_indirect_dma source(%dma_start3A_301 : memref<10240x144xf32, #tpu.memory_space<hbm>>) target(%run_scoped3A_0 : memref<64x144xf32, #tpu.memory_space<vmem>>) offsets(%run_scoped3A_5 : memref<64xi32, #tpu.memory_space<vmem>>) semaphore(%run_scoped3A_9 : memref<!tpu.dma_semaphore, #tpu.memory_space<semaphore_mem>>)
            %dma_start3A_302 = arith.constant 0 : i32
            %dma_start3A_303 = arith.constant 0 : i32
            %dma_start3A_304 = tpu.memref_slice %arg4[%dma_start3A_302, %dma_start3A_303] : memref<10240x16xf32, #tpu.memory_space<hbm>> -> memref<10240x16xf32, #tpu.memory_space<hbm>>
            tpu.enqueue_indirect_dma source(%dma_start3A_304 : memref<10240x16xf32, #tpu.memory_space<hbm>>) target(%run_scoped3A_2 : memref<64x16xf32, #tpu.memory_space<vmem>>) offsets(%run_scoped3A_7 : memref<64xi32, #tpu.memory_space<vmem>>) semaphore(%run_scoped3A_9 : memref<!tpu.dma_semaphore, #tpu.memory_space<semaphore_mem>>)
          } else {
          }
          %eq3A_294 = arith.constant 1 : i32
          %eq3A_295 = arith.cmpi eq, %arg0, %eq3A_294 : i32
          %convert_element_type3A_296 = arith.extui %eq3A_295 : i1 to i32
          %cond3A_297 = arith.constant 0 : i32
          %cond3A_298 = arith.cmpi ne, %convert_element_type3A_296, %cond3A_297 : i32
          scf.if %cond3A_298 {
            %dma_start3A_299 = arith.constant 0 : i32
            %dma_start3A_300 = arith.constant 0 : i32
            %dma_start3A_301 = tpu.memref_slice %arg3[%dma_start3A_299, %dma_start3A_300] : memref<10240x144xf32, #tpu.memory_space<hbm>> -> memref<10240x144xf32, #tpu.memory_space<hbm>>
            tpu.enqueue_indirect_dma source(%dma_start3A_301 : memref<10240x144xf32, #tpu.memory_space<hbm>>) target(%run_scoped3A_0 : memref<64x144xf32, #tpu.memory_space<vmem>>) offsets(%run_scoped3A_5 : memref<64xi32, #tpu.memory_space<vmem>>) semaphore(%run_scoped3A_9 : memref<!tpu.dma_semaphore, #tpu.memory_space<semaphore_mem>>)
            %dma_start3A_302 = arith.constant 0 : i32
            %dma_start3A_303 = arith.constant 0 : i32
            %dma_start3A_304 = tpu.memref_slice %arg5[%dma_start3A_302, %dma_start3A_303] : memref<10240x16xf32, #tpu.memory_space<hbm>> -> memref<10240x16xf32, #tpu.memory_space<hbm>>
            tpu.enqueue_indirect_dma source(%dma_start3A_304 : memref<10240x16xf32, #tpu.memory_space<hbm>>) target(%run_scoped3A_2 : memref<64x16xf32, #tpu.memory_space<vmem>>) offsets(%run_scoped3A_7 : memref<64xi32, #tpu.memory_space<vmem>>) semaphore(%run_scoped3A_9 : memref<!tpu.dma_semaphore, #tpu.memory_space<semaphore_mem>>)
          } else {
          }
        } else {
        }
        %dma_wait3A_178 = arith.constant 0 : i32
        %dma_wait3A_179 = arith.constant 0 : i32
        %dma_wait3A_180 = tpu.memref_slice %arg2[%dma_wait3A_178, %dma_wait3A_179] : memref<10240x144xf32, #tpu.memory_space<hbm>> -> memref<10240x144xf32, #tpu.memory_space<hbm>>
        tpu.wait_indirect_dma semaphore(%run_scoped3A_8 : memref<!tpu.dma_semaphore, #tpu.memory_space<semaphore_mem>>) src(%dma_wait3A_180 : memref<10240x144xf32, #tpu.memory_space<hbm>>) dst(%run_scoped3A : memref<64x144xf32, #tpu.memory_space<vmem>>)
        %dma_wait3A_181 = arith.constant 0 : i32
        %dma_wait3A_182 = arith.constant 0 : i32
        %dma_wait3A_183 = tpu.memref_slice %arg4[%dma_wait3A_181, %dma_wait3A_182] : memref<10240x16xf32, #tpu.memory_space<hbm>> -> memref<10240x16xf32, #tpu.memory_space<hbm>>
        tpu.wait_indirect_dma semaphore(%run_scoped3A_8 : memref<!tpu.dma_semaphore, #tpu.memory_space<semaphore_mem>>) src(%dma_wait3A_183 : memref<10240x16xf32, #tpu.memory_space<hbm>>) dst(%run_scoped3A_1 : memref<64x16xf32, #tpu.memory_space<vmem>>)
        %parallel_loop3A = arith.constant 0 : i32
        %parallel_loop3A_184 = arith.constant 64 : i32
        %parallel_loop3A_185 = arith.constant 1 : i32
        scf.for %parallel_loop3A_211 = %parallel_loop3A to %parallel_loop3A_184 step %parallel_loop3A_185  : i32 {
          %parallel_loop3A_212 = arith.index_cast %parallel_loop3A_211 : i32 to index
          %parallel_loop3A_213 = arith.constant 128 : index
          %parallel_loop3A_214 = tpu.vector_load %run_scoped3A[%parallel_loop3A_212, %parallel_loop3A_213] {strides = array<i32>} : memref<64x144xf32, #tpu.memory_space<vmem>>, vector<1x16xf32>,
          %parallel_loop3A_215 = vector.shape_cast %parallel_loop3A_214 : vector<1x16xf32> to vector<16xf32>
          %parallel_loop3A_216 = arith.index_cast %parallel_loop3A_211 : i32 to index
          %parallel_loop3A_217 = arith.constant 0 : index
          %parallel_loop3A_218 = tpu.vector_load %run_scoped3A_1[%parallel_loop3A_216, %parallel_loop3A_217] {strides = array<i32>} : memref<64x16xf32, #tpu.memory_space<vmem>>, vector<1x16xf32>,
          %parallel_loop3A_219 = vector.shape_cast %parallel_loop3A_218 : vector<1x16xf32> to vector<16xf32>
          %parallel_loop3A_220 = arith.addf %parallel_loop3A_215, %parallel_loop3A_219 : vector<16xf32>
          %parallel_loop3A_221 = arith.constant 0.000000e+00 : f32
          %parallel_loop3A_222 = vector.broadcast %parallel_loop3A_221 : f32 to vector<16xf32>
          %parallel_loop3A_223 = arith.cmpf ogt, %parallel_loop3A_220, %parallel_loop3A_222 : vector<16xf32>
          %parallel_loop3A_224 = arith.constant 2.000000e-01 : f32
          %parallel_loop3A_225 = vector.broadcast %parallel_loop3A_224 : f32 to vector<16xf32>
          %parallel_loop3A_226 = arith.mulf %parallel_loop3A_225, %parallel_loop3A_220 : vector<16xf32>
          %parallel_loop3A_227 = arith.select %parallel_loop3A_223, %parallel_loop3A_220, %parallel_loop3A_226 : vector<16xi1>, vector<16xf32>
          %parallel_loop3A_228 = math.exp %parallel_loop3A_227 : vector<16xf32>
          %parallel_loop3A_229 = arith.index_cast %parallel_loop3A_211 : i32 to index
          %parallel_loop3A_230 = arith.constant 128 : index
          %parallel_loop3A_231 = tpu.vector_load %run_scoped3A[%parallel_loop3A_229, %parallel_loop3A_230] {strides = array<i32>} : memref<64x144xf32, #tpu.memory_space<vmem>>, vector<1x16xf32>,
          %parallel_loop3A_232 = vector.shape_cast %parallel_loop3A_231 : vector<1x16xf32> to vector<16xf32>
          %parallel_loop3A_233 = vector.shape_cast %parallel_loop3A_228 : vector<16xf32> to vector<1x16xf32>
          tpu.vector_store %run_scoped3A[%parallel_loop3A_229, %parallel_loop3A_230], %parallel_loop3A_233 {strides = array<i32>} : memref<64x144xf32, #tpu.memory_space<vmem>>, vector<1x16xf32>,
          %parallel_loop3A_234 = arith.index_cast %parallel_loop3A_211 : i32 to index
          %parallel_loop3A_235 = arith.constant 0 : index
          %parallel_loop3A_236 = tpu.vector_load %run_scoped3A[%parallel_loop3A_234, %parallel_loop3A_235] {strides = array<i32>} : memref<64x144xf32, #tpu.memory_space<vmem>>, vector<1x16xf32>,
          %parallel_loop3A_237 = vector.shape_cast %parallel_loop3A_236 : vector<1x16xf32> to vector<16xf32>
          %parallel_loop3A_238 = vector.extract_strided_slice %parallel_loop3A_228 {offsets = [0], sizes = [1], strides = [1]} : vector<16xf32> to vector<1xf32>
          %parallel_loop3A_239 = vector.extract %parallel_loop3A_238[0] : f32 from vector<1xf32>
          %parallel_loop3A_240 = vector.broadcast %parallel_loop3A_239 : f32 to vector<16xf32>
          %parallel_loop3A_241 = arith.mulf %parallel_loop3A_237, %parallel_loop3A_240 : vector<16xf32>
          %parallel_loop3A_242 = arith.index_cast %parallel_loop3A_211 : i32 to index
          %parallel_loop3A_243 = arith.constant 0 : index
          %parallel_loop3A_244 = tpu.vector_load %run_scoped3A[%parallel_loop3A_242, %parallel_loop3A_243] {strides = array<i32>} : memref<64x144xf32, #tpu.memory_space<vmem>>, vector<1x16xf32>,
          %parallel_loop3A_245 = vector.shape_cast %parallel_loop3A_244 : vector<1x16xf32> to vector<16xf32>
          %parallel_loop3A_246 = vector.shape_cast %parallel_loop3A_241 : vector<16xf32> to vector<1x16xf32>
          tpu.vector_store %run_scoped3A[%parallel_loop3A_242, %parallel_loop3A_243], %parallel_loop3A_246 {strides = array<i32>} : memref<64x144xf32, #tpu.memory_space<vmem>>, vector<1x16xf32>,
          %parallel_loop3A_247 = arith.index_cast %parallel_loop3A_211 : i32 to index
          %parallel_loop3A_248 = arith.constant 16 : index
          %parallel_loop3A_249 = tpu.vector_load %run_scoped3A[%parallel_loop3A_247, %parallel_loop3A_248] {strides = array<i32>} : memref<64x144xf32, #tpu.memory_space<vmem>>, vector<1x16xf32>,
          %parallel_loop3A_250 = vector.shape_cast %parallel_loop3A_249 : vector<1x16xf32> to vector<16xf32>
          %parallel_loop3A_251 = vector.extract_strided_slice %parallel_loop3A_228 {offsets = [1], sizes = [1], strides = [1]} : vector<16xf32> to vector<1xf32>
          %parallel_loop3A_252 = vector.extract %parallel_loop3A_251[0] : f32 from vector<1xf32>
          %parallel_loop3A_253 = vector.broadcast %parallel_loop3A_252 : f32 to vector<16xf32>
          %parallel_loop3A_254 = arith.mulf %parallel_loop3A_250, %parallel_loop3A_253 : vector<16xf32>
          %parallel_loop3A_255 = arith.index_cast %parallel_loop3A_211 : i32 to index
          %parallel_loop3A_256 = arith.constant 16 : index
          %parallel_loop3A_257 = tpu.vector_load %run_scoped3A[%parallel_loop3A_255, %parallel_loop3A_256] {strides = array<i32>} : memref<64x144xf32, #tpu.memory_space<vmem>>, vector<1x16xf32>,
          %parallel_loop3A_258 = vector.shape_cast %parallel_loop3A_257 : vector<1x16xf32> to vector<16xf32>
          %parallel_loop3A_259 = vector.shape_cast %parallel_loop3A_254 : vector<16xf32> to vector<1x16xf32>
          tpu.vector_store %run_scoped3A[%parallel_loop3A_255, %parallel_loop3A_256], %parallel_loop3A_259 {strides = array<i32>} : memref<64x144xf32, #tpu.memory_space<vmem>>, vector<1x16xf32>,
          %parallel_loop3A_260 = arith.index_cast %parallel_loop3A_211 : i32 to index
          %parallel_loop3A_261 = arith.constant 32 : index
          %parallel_loop3A_262 = tpu.vector_load %run_scoped3A[%parallel_loop3A_260, %parallel_loop3A_261] {strides = array<i32>} : memref<64x144xf32, #tpu.memory_space<vmem>>, vector<1x16xf32>,
          %parallel_loop3A_263 = vector.shape_cast %parallel_loop3A_262 : vector<1x16xf32> to vector<16xf32>
          %parallel_loop3A_264 = vector.extract_strided_slice %parallel_loop3A_228 {offsets = [2], sizes = [1], strides = [1]} : vector<16xf32> to vector<1xf32>
          %parallel_loop3A_265 = vector.extract %parallel_loop3A_264[0] : f32 from vector<1xf32>
          %parallel_loop3A_266 = vector.broadcast %parallel_loop3A_265 : f32 to vector<16xf32>
          %parallel_loop3A_267 = arith.mulf %parallel_loop3A_263, %parallel_loop3A_266 : vector<16xf32>
          %parallel_loop3A_268 = arith.index_cast %parallel_loop3A_211 : i32 to index
          %parallel_loop3A_269 = arith.constant 32 : index
          %parallel_loop3A_270 = tpu.vector_load %run_scoped3A[%parallel_loop3A_268, %parallel_loop3A_269] {strides = array<i32>} : memref<64x144xf32, #tpu.memory_space<vmem>>, vector<1x16xf32>,
          %parallel_loop3A_271 = vector.shape_cast %parallel_loop3A_270 : vector<1x16xf32> to vector<16xf32>
          %parallel_loop3A_272 = vector.shape_cast %parallel_loop3A_267 : vector<16xf32> to vector<1x16xf32>
          tpu.vector_store %run_scoped3A[%parallel_loop3A_268, %parallel_loop3A_269], %parallel_loop3A_272 {strides = array<i32>} : memref<64x144xf32, #tpu.memory_space<vmem>>, vector<1x16xf32>,
          %parallel_loop3A_273 = arith.index_cast %parallel_loop3A_211 : i32 to index
          %parallel_loop3A_274 = arith.constant 48 : index
          %parallel_loop3A_275 = tpu.vector_load %run_scoped3A[%parallel_loop3A_273, %parallel_loop3A_274] {strides = array<i32>} : memref<64x144xf32, #tpu.memory_space<vmem>>, vector<1x16xf32>,
          %parallel_loop3A_276 = vector.shape_cast %parallel_loop3A_275 : vector<1x16xf32> to vector<16xf32>
          %parallel_loop3A_277 = vector.extract_strided_slice %parallel_loop3A_228 {offsets = [3], sizes = [1], strides = [1]} : vector<16xf32> to vector<1xf32>
          %parallel_loop3A_278 = vector.extract %parallel_loop3A_277[0] : f32 from vector<1xf32>
          %parallel_loop3A_279 = vector.broadcast %parallel_loop3A_278 : f32 to vector<16xf32>
          %parallel_loop3A_280 = arith.mulf %parallel_loop3A_276, %parallel_loop3A_279 : vector<16xf32>
          %parallel_loop3A_281 = arith.index_cast %parallel_loop3A_211 : i32 to index
          %parallel_loop3A_282 = arith.constant 48 : index
          %parallel_loop3A_283 = tpu.vector_load %run_scoped3A[%parallel_loop3A_281, %parallel_loop3A_282] {strides = array<i32>} : memref<64x144xf32, #tpu.memory_space<vmem>>, vector<1x16xf32>,
          %parallel_loop3A_284 = vector.shape_cast %parallel_loop3A_283 : vector<1x16xf32> to vector<16xf32>
          %parallel_loop3A_285 = vector.shape_cast %parallel_loop3A_280 : vector<16xf32> to vector<1x16xf32>
          tpu.vector_store %run_scoped3A[%parallel_loop3A_281, %parallel_loop3A_282], %parallel_loop3A_285 {strides = array<i32>} : memref<64x144xf32, #tpu.memory_space<vmem>>, vector<1x16xf32>,
          %parallel_loop3A_286 = arith.index_cast %parallel_loop3A_211 : i32 to index
          %parallel_loop3A_287 = arith.constant 64 : index
          %parallel_loop3A_288 = tpu.vector_load %run_scoped3A[%parallel_loop3A_286, %parallel_loop3A_287] {strides = array<i32>} : memref<64x144xf32, #tpu.memory_space<vmem>>, vector<1x16xf32>,
          %parallel_loop3A_289 = vector.shape_cast %parallel_loop3A_288 : vector<1x16xf32> to vector<16xf32>
          %parallel_loop3A_290 = vector.extract_strided_slice %parallel_loop3A_228 {offsets = [4], sizes = [1], strides = [1]} : vector<16xf32> to vector<1xf32>
          %parallel_loop3A_291 = vector.extract %parallel_loop3A_290[0] : f32 from vector<1xf32>
          %parallel_loop3A_292 = vector.broadcast %parallel_loop3A_291 : f32 to vector<16xf32>
          %parallel_loop3A_293 = arith.mulf %parallel_loop3A_289, %parallel_loop3A_292 : vector<16xf32>
          %parallel_loop3A_294 = arith.index_cast %parallel_loop3A_211 : i32 to index
          %parallel_loop3A_295 = arith.constant 64 : index
          %parallel_loop3A_296 = tpu.vector_load %run_scoped3A[%parallel_loop3A_294, %parallel_loop3A_295] {strides = array<i32>} : memref<64x144xf32, #tpu.memory_space<vmem>>, vector<1x16xf32>,
          %parallel_loop3A_297 = vector.shape_cast %parallel_loop3A_296 : vector<1x16xf32> to vector<16xf32>
          %parallel_loop3A_298 = vector.shape_cast %parallel_loop3A_293 : vector<16xf32> to vector<1x16xf32>
          tpu.vector_store %run_scoped3A[%parallel_loop3A_294, %parallel_loop3A_295], %parallel_loop3A_298 {strides = array<i32>} : memref<64x144xf32, #tpu.memory_space<vmem>>, vector<1x16xf32>,
          %parallel_loop3A_299 = arith.index_cast %parallel_loop3A_211 : i32 to index
          %parallel_loop3A_300 = arith.constant 80 : index
          %parallel_loop3A_301 = tpu.vector_load %run_scoped3A[%parallel_loop3A_299, %parallel_loop3A_300] {strides = array<i32>} : memref<64x144xf32, #tpu.memory_space<vmem>>, vector<1x16xf32>,
          %parallel_loop3A_302 = vector.shape_cast %parallel_loop3A_301 : vector<1x16xf32> to vector<16xf32>
          %parallel_loop3A_303 = vector.extract_strided_slice %parallel_loop3A_228 {offsets = [5], sizes = [1], strides = [1]} : vector<16xf32> to vector<1xf32>
          %parallel_loop3A_304 = vector.extract %parallel_loop3A_303[0] : f32 from vector<1xf32>
          %parallel_loop3A_305 = vector.broadcast %parallel_loop3A_304 : f32 to vector<16xf32>
          %parallel_loop3A_306 = arith.mulf %parallel_loop3A_302, %parallel_loop3A_305 : vector<16xf32>
          %parallel_loop3A_307 = arith.index_cast %parallel_loop3A_211 : i32 to index
          %parallel_loop3A_308 = arith.constant 80 : index
          %parallel_loop3A_309 = tpu.vector_load %run_scoped3A[%parallel_loop3A_307, %parallel_loop3A_308] {strides = array<i32>} : memref<64x144xf32, #tpu.memory_space<vmem>>, vector<1x16xf32>,
          %parallel_loop3A_310 = vector.shape_cast %parallel_loop3A_309 : vector<1x16xf32> to vector<16xf32>
          %parallel_loop3A_311 = vector.shape_cast %parallel_loop3A_306 : vector<16xf32> to vector<1x16xf32>
          tpu.vector_store %run_scoped3A[%parallel_loop3A_307, %parallel_loop3A_308], %parallel_loop3A_311 {strides = array<i32>} : memref<64x144xf32, #tpu.memory_space<vmem>>, vector<1x16xf32>,
          %parallel_loop3A_312 = arith.index_cast %parallel_loop3A_211 : i32 to index
          %parallel_loop3A_313 = arith.constant 96 : index
          %parallel_loop3A_314 = tpu.vector_load %run_scoped3A[%parallel_loop3A_312, %parallel_loop3A_313] {strides = array<i32>} : memref<64x144xf32, #tpu.memory_space<vmem>>, vector<1x16xf32>,
          %parallel_loop3A_315 = vector.shape_cast %parallel_loop3A_314 : vector<1x16xf32> to vector<16xf32>
          %parallel_loop3A_316 = vector.extract_strided_slice %parallel_loop3A_228 {offsets = [6], sizes = [1], strides = [1]} : vector<16xf32> to vector<1xf32>
          %parallel_loop3A_317 = vector.extract %parallel_loop3A_316[0] : f32 from vector<1xf32>
          %parallel_loop3A_318 = vector.broadcast %parallel_loop3A_317 : f32 to vector<16xf32>
          %parallel_loop3A_319 = arith.mulf %parallel_loop3A_315, %parallel_loop3A_318 : vector<16xf32>
          %parallel_loop3A_320 = arith.index_cast %parallel_loop3A_211 : i32 to index
          %parallel_loop3A_321 = arith.constant 96 : index
          %parallel_loop3A_322 = tpu.vector_load %run_scoped3A[%parallel_loop3A_320, %parallel_loop3A_321] {strides = array<i32>} : memref<64x144xf32, #tpu.memory_space<vmem>>, vector<1x16xf32>,
          %parallel_loop3A_323 = vector.shape_cast %parallel_loop3A_322 : vector<1x16xf32> to vector<16xf32>
          %parallel_loop3A_324 = vector.shape_cast %parallel_loop3A_319 : vector<16xf32> to vector<1x16xf32>
          tpu.vector_store %run_scoped3A[%parallel_loop3A_320, %parallel_loop3A_321], %parallel_loop3A_324 {strides = array<i32>} : memref<64x144xf32, #tpu.memory_space<vmem>>, vector<1x16xf32>,
          %parallel_loop3A_325 = arith.index_cast %parallel_loop3A_211 : i32 to index
          %parallel_loop3A_326 = arith.constant 112 : index
          %parallel_loop3A_327 = tpu.vector_load %run_scoped3A[%parallel_loop3A_325, %parallel_loop3A_326] {strides = array<i32>} : memref<64x144xf32, #tpu.memory_space<vmem>>, vector<1x16xf32>,
          %parallel_loop3A_328 = vector.shape_cast %parallel_loop3A_327 : vector<1x16xf32> to vector<16xf32>
          %parallel_loop3A_329 = vector.extract_strided_slice %parallel_loop3A_228 {offsets = [7], sizes = [1], strides = [1]} : vector<16xf32> to vector<1xf32>
          %parallel_loop3A_330 = vector.extract %parallel_loop3A_329[0] : f32 from vector<1xf32>
          %parallel_loop3A_331 = vector.broadcast %parallel_loop3A_330 : f32 to vector<16xf32>
          %parallel_loop3A_332 = arith.mulf %parallel_loop3A_328, %parallel_loop3A_331 : vector<16xf32>
          %parallel_loop3A_333 = arith.index_cast %parallel_loop3A_211 : i32 to index
          %parallel_loop3A_334 = arith.constant 112 : index
          %parallel_loop3A_335 = tpu.vector_load %run_scoped3A[%parallel_loop3A_333, %parallel_loop3A_334] {strides = array<i32>} : memref<64x144xf32, #tpu.memory_space<vmem>>, vector<1x16xf32>,
          %parallel_loop3A_336 = vector.shape_cast %parallel_loop3A_335 : vector<1x16xf32> to vector<16xf32>
          %parallel_loop3A_337 = vector.shape_cast %parallel_loop3A_332 : vector<16xf32> to vector<1x16xf32>
          tpu.vector_store %run_scoped3A[%parallel_loop3A_333, %parallel_loop3A_334], %parallel_loop3A_337 {strides = array<i32>} : memref<64x144xf32, #tpu.memory_space<vmem>>, vector<1x16xf32>,
        } {sc.loop_unroll_factor = 4 : i64, sc.parallel_access}
        %dma_start3A = arith.constant 0 : i32
        %dma_start3A_186 = arith.constant 0 : i32
        %dma_start3A_187 = tpu.memref_slice %arg10[%dma_start3A, %dma_start3A_186] : memref<10240x144xf32, #tpu.memory_space<vmem_shared>> -> memref<10240x144xf32, #tpu.memory_space<vmem_shared>>
        tpu.enqueue_indirect_dma source(%run_scoped3A : memref<64x144xf32, #tpu.memory_space<vmem>>) target(%dma_start3A_187 : memref<10240x144xf32, #tpu.memory_space<vmem_shared>>) offsets(%run_scoped3A_6 : memref<64xi32, #tpu.memory_space<vmem>>) semaphore(%run_scoped3A_10 : memref<!tpu.dma_semaphore, #tpu.memory_space<semaphore_mem>>) {add = true}
        %mul3A_188 = arith.constant 2 : i32
        %mul3A_189 = arith.muli %mul3A_188, %scan3A_167 : i32
        %add3A_190 = arith.constant 1 : i32
        %add3A_191 = arith.addi %mul3A_189, %add3A_190 : i32
        %add3A_192 = arith.constant 1 : i32
        %add3A_193 = arith.addi %add3A_191, %add3A_192 : i32
        %lt3A_194 = arith.constant 148 : i32
        %lt3A_195 = arith.cmpi slt, %add3A_193, %lt3A_194 : i32
        %convert_element_type3A_196 = arith.extui %lt3A_195 : i1 to i32
        %cond3A_197 = arith.constant 0 : i32
        %cond3A_198 = arith.cmpi ne, %convert_element_type3A_196, %cond3A_197 : i32
        scf.if %cond3A_198 {
          %ge3A = arith.constant 1 : i32
          %ge3A_211 = arith.cmpi sge, %add3A_191, %ge3A : i32
          %convert_element_type3A_212 = arith.extui %ge3A_211 : i1 to i32
          %cond3A_213 = arith.constant 0 : i32
          %cond3A_214 = arith.cmpi ne, %convert_element_type3A_212, %cond3A_213 : i32
          scf.if %cond3A_214 {
            %dma_wait3A_299 = arith.constant 0 : i32
            %dma_wait3A_300 = arith.constant 0 : i32
            %dma_wait3A_301 = tpu.memref_slice %arg10[%dma_wait3A_299, %dma_wait3A_300] : memref<10240x144xf32, #tpu.memory_space<vmem_shared>> -> memref<10240x144xf32, #tpu.memory_space<vmem_shared>>
            tpu.wait_indirect_dma semaphore(%run_scoped3A_10 : memref<!tpu.dma_semaphore, #tpu.memory_space<semaphore_mem>>) src(%run_scoped3A : memref<64x144xf32, #tpu.memory_space<vmem>>) dst(%dma_wait3A_301 : memref<10240x144xf32, #tpu.memory_space<vmem_shared>>)
          } else {
          }
          %add3A_215 = arith.constant 1 : i32
          %add3A_216 = arith.addi %add3A_191, %add3A_215 : i32
          %get3A_217 = arith.index_cast %add3A_216 : i32 to index
          %get3A_218 = arith.constant 0 : index
          %get3A_219 = tpu.vector_load %run_scoped3A_3[%get3A_217, %get3A_218] {strides = array<i32>} : memref<148x64xi32, #tpu.memory_space<vmem>>, vector<1x16xi32>,
          %get3A_220 = vector.shape_cast %get3A_219 : vector<1x16xi32> to vector<16xi32>
          %and3A_221 = arith.constant 65535 : i32
          %and3A_222 = vector.broadcast %and3A_221 : i32 to vector<16xi32>
          %and3A_223 = arith.andi %get3A_220, %and3A_222 : vector<16xi32>
          %swap3A_224 = arith.constant 0 : index
          %swap3A_225 = tpu.vector_load %run_scoped3A_4[%swap3A_224] {strides = array<i32>} : memref<64xi32, #tpu.memory_space<vmem>>, vector<16xi32>,
          %swap3A_226 = vector.shape_cast %swap3A_225 : vector<16xi32> to vector<16xi32>
          %swap3A_227 = vector.shape_cast %and3A_223 : vector<16xi32> to vector<16xi32>
          tpu.vector_store %run_scoped3A_4[%swap3A_224], %swap3A_227 {strides = array<i32>} : memref<64xi32, #tpu.memory_space<vmem>>, vector<16xi32>,
          %shift_right_logical3A_228 = arith.constant 16 : i32
          %shift_right_logical3A_229 = vector.broadcast %shift_right_logical3A_228 : i32 to vector<16xi32>
          %shift_right_logical3A_230 = arith.shrui %get3A_220, %shift_right_logical3A_229 : vector<16xi32>
          %swap3A_231 = arith.constant 0 : index
          %swap3A_232 = tpu.vector_load %run_scoped3A_6[%swap3A_231] {strides = array<i32>} : memref<64xi32, #tpu.memory_space<vmem>>, vector<16xi32>,
          %swap3A_233 = vector.shape_cast %swap3A_232 : vector<16xi32> to vector<16xi32>
          %swap3A_234 = vector.shape_cast %shift_right_logical3A_230 : vector<16xi32> to vector<16xi32>
          tpu.vector_store %run_scoped3A_6[%swap3A_231], %swap3A_234 {strides = array<i32>} : memref<64xi32, #tpu.memory_space<vmem>>, vector<16xi32>,
          %get3A_235 = arith.index_cast %add3A_216 : i32 to index
          %get3A_236 = arith.constant 16 : index
          %get3A_237 = tpu.vector_load %run_scoped3A_3[%get3A_235, %get3A_236] {strides = array<i32>} : memref<148x64xi32, #tpu.memory_space<vmem>>, vector<1x16xi32>,
          %get3A_238 = vector.shape_cast %get3A_237 : vector<1x16xi32> to vector<16xi32>
          %and3A_239 = arith.constant 65535 : i32
          %and3A_240 = vector.broadcast %and3A_239 : i32 to vector<16xi32>
          %and3A_241 = arith.andi %get3A_238, %and3A_240 : vector<16xi32>
          %swap3A_242 = arith.constant 16 : index
          %swap3A_243 = tpu.vector_load %run_scoped3A_4[%swap3A_242] {strides = array<i32>} : memref<64xi32, #tpu.memory_space<vmem>>, vector<16xi32>,
          %swap3A_244 = vector.shape_cast %swap3A_243 : vector<16xi32> to vector<16xi32>
          %swap3A_245 = vector.shape_cast %and3A_241 : vector<16xi32> to vector<16xi32>
          tpu.vector_store %run_scoped3A_4[%swap3A_242], %swap3A_245 {strides = array<i32>} : memref<64xi32, #tpu.memory_space<vmem>>, vector<16xi32>,
          %shift_right_logical3A_246 = arith.constant 16 : i32
          %shift_right_logical3A_247 = vector.broadcast %shift_right_logical3A_246 : i32 to vector<16xi32>
          %shift_right_logical3A_248 = arith.shrui %get3A_238, %shift_right_logical3A_247 : vector<16xi32>
          %swap3A_249 = arith.constant 16 : index
          %swap3A_250 = tpu.vector_load %run_scoped3A_6[%swap3A_249] {strides = array<i32>} : memref<64xi32, #tpu.memory_space<vmem>>, vector<16xi32>,
          %swap3A_251 = vector.shape_cast %swap3A_250 : vector<16xi32> to vector<16xi32>
          %swap3A_252 = vector.shape_cast %shift_right_logical3A_248 : vector<16xi32> to vector<16xi32>
          tpu.vector_store %run_scoped3A_6[%swap3A_249], %swap3A_252 {strides = array<i32>} : memref<64xi32, #tpu.memory_space<vmem>>, vector<16xi32>,
          %get3A_253 = arith.index_cast %add3A_216 : i32 to index
          %get3A_254 = arith.constant 32 : index
          %get3A_255 = tpu.vector_load %run_scoped3A_3[%get3A_253, %get3A_254] {strides = array<i32>} : memref<148x64xi32, #tpu.memory_space<vmem>>, vector<1x16xi32>,
          %get3A_256 = vector.shape_cast %get3A_255 : vector<1x16xi32> to vector<16xi32>
          %and3A_257 = arith.constant 65535 : i32
          %and3A_258 = vector.broadcast %and3A_257 : i32 to vector<16xi32>
          %and3A_259 = arith.andi %get3A_256, %and3A_258 : vector<16xi32>
          %swap3A_260 = arith.constant 32 : index
          %swap3A_261 = tpu.vector_load %run_scoped3A_4[%swap3A_260] {strides = array<i32>} : memref<64xi32, #tpu.memory_space<vmem>>, vector<16xi32>,
          %swap3A_262 = vector.shape_cast %swap3A_261 : vector<16xi32> to vector<16xi32>
          %swap3A_263 = vector.shape_cast %and3A_259 : vector<16xi32> to vector<16xi32>
          tpu.vector_store %run_scoped3A_4[%swap3A_260], %swap3A_263 {strides = array<i32>} : memref<64xi32, #tpu.memory_space<vmem>>, vector<16xi32>,
          %shift_right_logical3A_264 = arith.constant 16 : i32
          %shift_right_logical3A_265 = vector.broadcast %shift_right_logical3A_264 : i32 to vector<16xi32>
          %shift_right_logical3A_266 = arith.shrui %get3A_256, %shift_right_logical3A_265 : vector<16xi32>
          %swap3A_267 = arith.constant 32 : index
          %swap3A_268 = tpu.vector_load %run_scoped3A_6[%swap3A_267] {strides = array<i32>} : memref<64xi32, #tpu.memory_space<vmem>>, vector<16xi32>,
          %swap3A_269 = vector.shape_cast %swap3A_268 : vector<16xi32> to vector<16xi32>
          %swap3A_270 = vector.shape_cast %shift_right_logical3A_266 : vector<16xi32> to vector<16xi32>
          tpu.vector_store %run_scoped3A_6[%swap3A_267], %swap3A_270 {strides = array<i32>} : memref<64xi32, #tpu.memory_space<vmem>>, vector<16xi32>,
          %get3A_271 = arith.index_cast %add3A_216 : i32 to index
          %get3A_272 = arith.constant 48 : index
          %get3A_273 = tpu.vector_load %run_scoped3A_3[%get3A_271, %get3A_272] {strides = array<i32>} : memref<148x64xi32, #tpu.memory_space<vmem>>, vector<1x16xi32>,
          %get3A_274 = vector.shape_cast %get3A_273 : vector<1x16xi32> to vector<16xi32>
          %and3A_275 = arith.constant 65535 : i32
          %and3A_276 = vector.broadcast %and3A_275 : i32 to vector<16xi32>
          %and3A_277 = arith.andi %get3A_274, %and3A_276 : vector<16xi32>
          %swap3A_278 = arith.constant 48 : index
          %swap3A_279 = tpu.vector_load %run_scoped3A_4[%swap3A_278] {strides = array<i32>} : memref<64xi32, #tpu.memory_space<vmem>>, vector<16xi32>,
          %swap3A_280 = vector.shape_cast %swap3A_279 : vector<16xi32> to vector<16xi32>
          %swap3A_281 = vector.shape_cast %and3A_277 : vector<16xi32> to vector<16xi32>
          tpu.vector_store %run_scoped3A_4[%swap3A_278], %swap3A_281 {strides = array<i32>} : memref<64xi32, #tpu.memory_space<vmem>>, vector<16xi32>,
          %shift_right_logical3A_282 = arith.constant 16 : i32
          %shift_right_logical3A_283 = vector.broadcast %shift_right_logical3A_282 : i32 to vector<16xi32>
          %shift_right_logical3A_284 = arith.shrui %get3A_274, %shift_right_logical3A_283 : vector<16xi32>
          %swap3A_285 = arith.constant 48 : index
          %swap3A_286 = tpu.vector_load %run_scoped3A_6[%swap3A_285] {strides = array<i32>} : memref<64xi32, #tpu.memory_space<vmem>>, vector<16xi32>,
          %swap3A_287 = vector.shape_cast %swap3A_286 : vector<16xi32> to vector<16xi32>
          %swap3A_288 = vector.shape_cast %shift_right_logical3A_284 : vector<16xi32> to vector<16xi32>
          tpu.vector_store %run_scoped3A_6[%swap3A_285], %swap3A_288 {strides = array<i32>} : memref<64xi32, #tpu.memory_space<vmem>>, vector<16xi32>,
          %eq3A_289 = arith.constant 0 : i32
          %eq3A_290 = arith.cmpi eq, %arg0, %eq3A_289 : i32
          %convert_element_type3A_291 = arith.extui %eq3A_290 : i1 to i32
          %cond3A_292 = arith.constant 0 : i32
          %cond3A_293 = arith.cmpi ne, %convert_element_type3A_291, %cond3A_292 : i32
          scf.if %cond3A_293 {
            %dma_start3A_299 = arith.constant 0 : i32
            %dma_start3A_300 = arith.constant 0 : i32
            %dma_start3A_301 = tpu.memref_slice %arg2[%dma_start3A_299, %dma_start3A_300] : memref<10240x144xf32, #tpu.memory_space<hbm>> -> memref<10240x144xf32, #tpu.memory_space<hbm>>
            tpu.enqueue_indirect_dma source(%dma_start3A_301 : memref<10240x144xf32, #tpu.memory_space<hbm>>) target(%run_scoped3A : memref<64x144xf32, #tpu.memory_space<vmem>>) offsets(%run_scoped3A_4 : memref<64xi32, #tpu.memory_space<vmem>>) semaphore(%run_scoped3A_8 : memref<!tpu.dma_semaphore, #tpu.memory_space<semaphore_mem>>)
            %dma_start3A_302 = arith.constant 0 : i32
            %dma_start3A_303 = arith.constant 0 : i32
            %dma_start3A_304 = tpu.memref_slice %arg4[%dma_start3A_302, %dma_start3A_303] : memref<10240x16xf32, #tpu.memory_space<hbm>> -> memref<10240x16xf32, #tpu.memory_space<hbm>>
            tpu.enqueue_indirect_dma source(%dma_start3A_304 : memref<10240x16xf32, #tpu.memory_space<hbm>>) target(%run_scoped3A_1 : memref<64x16xf32, #tpu.memory_space<vmem>>) offsets(%run_scoped3A_6 : memref<64xi32, #tpu.memory_space<vmem>>) semaphore(%run_scoped3A_8 : memref<!tpu.dma_semaphore, #tpu.memory_space<semaphore_mem>>)
          } else {
          }
          %eq3A_294 = arith.constant 1 : i32
          %eq3A_295 = arith.cmpi eq, %arg0, %eq3A_294 : i32
          %convert_element_type3A_296 = arith.extui %eq3A_295 : i1 to i32
          %cond3A_297 = arith.constant 0 : i32
          %cond3A_298 = arith.cmpi ne, %convert_element_type3A_296, %cond3A_297 : i32
          scf.if %cond3A_298 {
            %dma_start3A_299 = arith.constant 0 : i32
            %dma_start3A_300 = arith.constant 0 : i32
            %dma_start3A_301 = tpu.memref_slice %arg3[%dma_start3A_299, %dma_start3A_300] : memref<10240x144xf32, #tpu.memory_space<hbm>> -> memref<10240x144xf32, #tpu.memory_space<hbm>>
            tpu.enqueue_indirect_dma source(%dma_start3A_301 : memref<10240x144xf32, #tpu.memory_space<hbm>>) target(%run_scoped3A : memref<64x144xf32, #tpu.memory_space<vmem>>) offsets(%run_scoped3A_4 : memref<64xi32, #tpu.memory_space<vmem>>) semaphore(%run_scoped3A_8 : memref<!tpu.dma_semaphore, #tpu.memory_space<semaphore_mem>>)
            %dma_start3A_302 = arith.constant 0 : i32
            %dma_start3A_303 = arith.constant 0 : i32
            %dma_start3A_304 = tpu.memref_slice %arg5[%dma_start3A_302, %dma_start3A_303] : memref<10240x16xf32, #tpu.memory_space<hbm>> -> memref<10240x16xf32, #tpu.memory_space<hbm>>
            tpu.enqueue_indirect_dma source(%dma_start3A_304 : memref<10240x16xf32, #tpu.memory_space<hbm>>) target(%run_scoped3A_1 : memref<64x16xf32, #tpu.memory_space<vmem>>) offsets(%run_scoped3A_6 : memref<64xi32, #tpu.memory_space<vmem>>) semaphore(%run_scoped3A_8 : memref<!tpu.dma_semaphore, #tpu.memory_space<semaphore_mem>>)
          } else {
          }
        } else {
        }
        %dma_wait3A_199 = arith.constant 0 : i32
        %dma_wait3A_200 = arith.constant 0 : i32
        %dma_wait3A_201 = tpu.memref_slice %arg2[%dma_wait3A_199, %dma_wait3A_200] : memref<10240x144xf32, #tpu.memory_space<hbm>> -> memref<10240x144xf32, #tpu.memory_space<hbm>>
        tpu.wait_indirect_dma semaphore(%run_scoped3A_9 : memref<!tpu.dma_semaphore, #tpu.memory_space<semaphore_mem>>) src(%dma_wait3A_201 : memref<10240x144xf32, #tpu.memory_space<hbm>>) dst(%run_scoped3A_0 : memref<64x144xf32, #tpu.memory_space<vmem>>)
        %dma_wait3A_202 = arith.constant 0 : i32
        %dma_wait3A_203 = arith.constant 0 : i32
        %dma_wait3A_204 = tpu.memref_slice %arg4[%dma_wait3A_202, %dma_wait3A_203] : memref<10240x16xf32, #tpu.memory_space<hbm>> -> memref<10240x16xf32, #tpu.memory_space<hbm>>
        tpu.wait_indirect_dma semaphore(%run_scoped3A_9 : memref<!tpu.dma_semaphore, #tpu.memory_space<semaphore_mem>>) src(%dma_wait3A_204 : memref<10240x16xf32, #tpu.memory_space<hbm>>) dst(%run_scoped3A_2 : memref<64x16xf32, #tpu.memory_space<vmem>>)
        %parallel_loop3A_205 = arith.constant 0 : i32
        %parallel_loop3A_206 = arith.constant 64 : i32
        %parallel_loop3A_207 = arith.constant 1 : i32
        scf.for %parallel_loop3A_211 = %parallel_loop3A_205 to %parallel_loop3A_206 step %parallel_loop3A_207  : i32 {
          %parallel_loop3A_212 = arith.index_cast %parallel_loop3A_211 : i32 to index
          %parallel_loop3A_213 = arith.constant 128 : index
          %parallel_loop3A_214 = tpu.vector_load %run_scoped3A_0[%parallel_loop3A_212, %parallel_loop3A_213] {strides = array<i32>} : memref<64x144xf32, #tpu.memory_space<vmem>>, vector<1x16xf32>,
          %parallel_loop3A_215 = vector.shape_cast %parallel_loop3A_214 : vector<1x16xf32> to vector<16xf32>
          %parallel_loop3A_216 = arith.index_cast %parallel_loop3A_211 : i32 to index
          %parallel_loop3A_217 = arith.constant 0 : index
          %parallel_loop3A_218 = tpu.vector_load %run_scoped3A_2[%parallel_loop3A_216, %parallel_loop3A_217] {strides = array<i32>} : memref<64x16xf32, #tpu.memory_space<vmem>>, vector<1x16xf32>,
          %parallel_loop3A_219 = vector.shape_cast %parallel_loop3A_218 : vector<1x16xf32> to vector<16xf32>
          %parallel_loop3A_220 = arith.addf %parallel_loop3A_215, %parallel_loop3A_219 : vector<16xf32>
          %parallel_loop3A_221 = arith.constant 0.000000e+00 : f32
          %parallel_loop3A_222 = vector.broadcast %parallel_loop3A_221 : f32 to vector<16xf32>
          %parallel_loop3A_223 = arith.cmpf ogt, %parallel_loop3A_220, %parallel_loop3A_222 : vector<16xf32>
          %parallel_loop3A_224 = arith.constant 2.000000e-01 : f32
          %parallel_loop3A_225 = vector.broadcast %parallel_loop3A_224 : f32 to vector<16xf32>
          %parallel_loop3A_226 = arith.mulf %parallel_loop3A_225, %parallel_loop3A_220 : vector<16xf32>
          %parallel_loop3A_227 = arith.select %parallel_loop3A_223, %parallel_loop3A_220, %parallel_loop3A_226 : vector<16xi1>, vector<16xf32>
          %parallel_loop3A_228 = math.exp %parallel_loop3A_227 : vector<16xf32>
          %parallel_loop3A_229 = arith.index_cast %parallel_loop3A_211 : i32 to index
          %parallel_loop3A_230 = arith.constant 128 : index
          %parallel_loop3A_231 = tpu.vector_load %run_scoped3A_0[%parallel_loop3A_229, %parallel_loop3A_230] {strides = array<i32>} : memref<64x144xf32, #tpu.memory_space<vmem>>, vector<1x16xf32>,
          %parallel_loop3A_232 = vector.shape_cast %parallel_loop3A_231 : vector<1x16xf32> to vector<16xf32>
          %parallel_loop3A_233 = vector.shape_cast %parallel_loop3A_228 : vector<16xf32> to vector<1x16xf32>
          tpu.vector_store %run_scoped3A_0[%parallel_loop3A_229, %parallel_loop3A_230], %parallel_loop3A_233 {strides = array<i32>} : memref<64x144xf32, #tpu.memory_space<vmem>>, vector<1x16xf32>,
          %parallel_loop3A_234 = arith.index_cast %parallel_loop3A_211 : i32 to index
          %parallel_loop3A_235 = arith.constant 0 : index
          %parallel_loop3A_236 = tpu.vector_load %run_scoped3A_0[%parallel_loop3A_234, %parallel_loop3A_235] {strides = array<i32>} : memref<64x144xf32, #tpu.memory_space<vmem>>, vector<1x16xf32>,
          %parallel_loop3A_237 = vector.shape_cast %parallel_loop3A_236 : vector<1x16xf32> to vector<16xf32>
          %parallel_loop3A_238 = vector.extract_strided_slice %parallel_loop3A_228 {offsets = [0], sizes = [1], strides = [1]} : vector<16xf32> to vector<1xf32>
          %parallel_loop3A_239 = vector.extract %parallel_loop3A_238[0] : f32 from vector<1xf32>
          %parallel_loop3A_240 = vector.broadcast %parallel_loop3A_239 : f32 to vector<16xf32>
          %parallel_loop3A_241 = arith.mulf %parallel_loop3A_237, %parallel_loop3A_240 : vector<16xf32>
          %parallel_loop3A_242 = arith.index_cast %parallel_loop3A_211 : i32 to index
          %parallel_loop3A_243 = arith.constant 0 : index
          %parallel_loop3A_244 = tpu.vector_load %run_scoped3A_0[%parallel_loop3A_242, %parallel_loop3A_243] {strides = array<i32>} : memref<64x144xf32, #tpu.memory_space<vmem>>, vector<1x16xf32>,
          %parallel_loop3A_245 = vector.shape_cast %parallel_loop3A_244 : vector<1x16xf32> to vector<16xf32>
          %parallel_loop3A_246 = vector.shape_cast %parallel_loop3A_241 : vector<16xf32> to vector<1x16xf32>
          tpu.vector_store %run_scoped3A_0[%parallel_loop3A_242, %parallel_loop3A_243], %parallel_loop3A_246 {strides = array<i32>} : memref<64x144xf32, #tpu.memory_space<vmem>>, vector<1x16xf32>,
          %parallel_loop3A_247 = arith.index_cast %parallel_loop3A_211 : i32 to index
          %parallel_loop3A_248 = arith.constant 16 : index
          %parallel_loop3A_249 = tpu.vector_load %run_scoped3A_0[%parallel_loop3A_247, %parallel_loop3A_248] {strides = array<i32>} : memref<64x144xf32, #tpu.memory_space<vmem>>, vector<1x16xf32>,
          %parallel_loop3A_250 = vector.shape_cast %parallel_loop3A_249 : vector<1x16xf32> to vector<16xf32>
          %parallel_loop3A_251 = vector.extract_strided_slice %parallel_loop3A_228 {offsets = [1], sizes = [1], strides = [1]} : vector<16xf32> to vector<1xf32>
          %parallel_loop3A_252 = vector.extract %parallel_loop3A_251[0] : f32 from vector<1xf32>
          %parallel_loop3A_253 = vector.broadcast %parallel_loop3A_252 : f32 to vector<16xf32>
          %parallel_loop3A_254 = arith.mulf %parallel_loop3A_250, %parallel_loop3A_253 : vector<16xf32>
          %parallel_loop3A_255 = arith.index_cast %parallel_loop3A_211 : i32 to index
          %parallel_loop3A_256 = arith.constant 16 : index
          %parallel_loop3A_257 = tpu.vector_load %run_scoped3A_0[%parallel_loop3A_255, %parallel_loop3A_256] {strides = array<i32>} : memref<64x144xf32, #tpu.memory_space<vmem>>, vector<1x16xf32>,
          %parallel_loop3A_258 = vector.shape_cast %parallel_loop3A_257 : vector<1x16xf32> to vector<16xf32>
          %parallel_loop3A_259 = vector.shape_cast %parallel_loop3A_254 : vector<16xf32> to vector<1x16xf32>
          tpu.vector_store %run_scoped3A_0[%parallel_loop3A_255, %parallel_loop3A_256], %parallel_loop3A_259 {strides = array<i32>} : memref<64x144xf32, #tpu.memory_space<vmem>>, vector<1x16xf32>,
          %parallel_loop3A_260 = arith.index_cast %parallel_loop3A_211 : i32 to index
          %parallel_loop3A_261 = arith.constant 32 : index
          %parallel_loop3A_262 = tpu.vector_load %run_scoped3A_0[%parallel_loop3A_260, %parallel_loop3A_261] {strides = array<i32>} : memref<64x144xf32, #tpu.memory_space<vmem>>, vector<1x16xf32>,
          %parallel_loop3A_263 = vector.shape_cast %parallel_loop3A_262 : vector<1x16xf32> to vector<16xf32>
          %parallel_loop3A_264 = vector.extract_strided_slice %parallel_loop3A_228 {offsets = [2], sizes = [1], strides = [1]} : vector<16xf32> to vector<1xf32>
          %parallel_loop3A_265 = vector.extract %parallel_loop3A_264[0] : f32 from vector<1xf32>
          %parallel_loop3A_266 = vector.broadcast %parallel_loop3A_265 : f32 to vector<16xf32>
          %parallel_loop3A_267 = arith.mulf %parallel_loop3A_263, %parallel_loop3A_266 : vector<16xf32>
          %parallel_loop3A_268 = arith.index_cast %parallel_loop3A_211 : i32 to index
          %parallel_loop3A_269 = arith.constant 32 : index
          %parallel_loop3A_270 = tpu.vector_load %run_scoped3A_0[%parallel_loop3A_268, %parallel_loop3A_269] {strides = array<i32>} : memref<64x144xf32, #tpu.memory_space<vmem>>, vector<1x16xf32>,
          %parallel_loop3A_271 = vector.shape_cast %parallel_loop3A_270 : vector<1x16xf32> to vector<16xf32>
          %parallel_loop3A_272 = vector.shape_cast %parallel_loop3A_267 : vector<16xf32> to vector<1x16xf32>
          tpu.vector_store %run_scoped3A_0[%parallel_loop3A_268, %parallel_loop3A_269], %parallel_loop3A_272 {strides = array<i32>} : memref<64x144xf32, #tpu.memory_space<vmem>>, vector<1x16xf32>,
          %parallel_loop3A_273 = arith.index_cast %parallel_loop3A_211 : i32 to index
          %parallel_loop3A_274 = arith.constant 48 : index
          %parallel_loop3A_275 = tpu.vector_load %run_scoped3A_0[%parallel_loop3A_273, %parallel_loop3A_274] {strides = array<i32>} : memref<64x144xf32, #tpu.memory_space<vmem>>, vector<1x16xf32>,
          %parallel_loop3A_276 = vector.shape_cast %parallel_loop3A_275 : vector<1x16xf32> to vector<16xf32>
          %parallel_loop3A_277 = vector.extract_strided_slice %parallel_loop3A_228 {offsets = [3], sizes = [1], strides = [1]} : vector<16xf32> to vector<1xf32>
          %parallel_loop3A_278 = vector.extract %parallel_loop3A_277[0] : f32 from vector<1xf32>
          %parallel_loop3A_279 = vector.broadcast %parallel_loop3A_278 : f32 to vector<16xf32>
          %parallel_loop3A_280 = arith.mulf %parallel_loop3A_276, %parallel_loop3A_279 : vector<16xf32>
          %parallel_loop3A_281 = arith.index_cast %parallel_loop3A_211 : i32 to index
          %parallel_loop3A_282 = arith.constant 48 : index
          %parallel_loop3A_283 = tpu.vector_load %run_scoped3A_0[%parallel_loop3A_281, %parallel_loop3A_282] {strides = array<i32>} : memref<64x144xf32, #tpu.memory_space<vmem>>, vector<1x16xf32>,
          %parallel_loop3A_284 = vector.shape_cast %parallel_loop3A_283 : vector<1x16xf32> to vector<16xf32>
          %parallel_loop3A_285 = vector.shape_cast %parallel_loop3A_280 : vector<16xf32> to vector<1x16xf32>
          tpu.vector_store %run_scoped3A_0[%parallel_loop3A_281, %parallel_loop3A_282], %parallel_loop3A_285 {strides = array<i32>} : memref<64x144xf32, #tpu.memory_space<vmem>>, vector<1x16xf32>,
          %parallel_loop3A_286 = arith.index_cast %parallel_loop3A_211 : i32 to index
          %parallel_loop3A_287 = arith.constant 64 : index
          %parallel_loop3A_288 = tpu.vector_load %run_scoped3A_0[%parallel_loop3A_286, %parallel_loop3A_287] {strides = array<i32>} : memref<64x144xf32, #tpu.memory_space<vmem>>, vector<1x16xf32>,
          %parallel_loop3A_289 = vector.shape_cast %parallel_loop3A_288 : vector<1x16xf32> to vector<16xf32>
          %parallel_loop3A_290 = vector.extract_strided_slice %parallel_loop3A_228 {offsets = [4], sizes = [1], strides = [1]} : vector<16xf32> to vector<1xf32>
          %parallel_loop3A_291 = vector.extract %parallel_loop3A_290[0] : f32 from vector<1xf32>
          %parallel_loop3A_292 = vector.broadcast %parallel_loop3A_291 : f32 to vector<16xf32>
          %parallel_loop3A_293 = arith.mulf %parallel_loop3A_289, %parallel_loop3A_292 : vector<16xf32>
          %parallel_loop3A_294 = arith.index_cast %parallel_loop3A_211 : i32 to index
          %parallel_loop3A_295 = arith.constant 64 : index
          %parallel_loop3A_296 = tpu.vector_load %run_scoped3A_0[%parallel_loop3A_294, %parallel_loop3A_295] {strides = array<i32>} : memref<64x144xf32, #tpu.memory_space<vmem>>, vector<1x16xf32>,
          %parallel_loop3A_297 = vector.shape_cast %parallel_loop3A_296 : vector<1x16xf32> to vector<16xf32>
          %parallel_loop3A_298 = vector.shape_cast %parallel_loop3A_293 : vector<16xf32> to vector<1x16xf32>
          tpu.vector_store %run_scoped3A_0[%parallel_loop3A_294, %parallel_loop3A_295], %parallel_loop3A_298 {strides = array<i32>} : memref<64x144xf32, #tpu.memory_space<vmem>>, vector<1x16xf32>,
          %parallel_loop3A_299 = arith.index_cast %parallel_loop3A_211 : i32 to index
          %parallel_loop3A_300 = arith.constant 80 : index
          %parallel_loop3A_301 = tpu.vector_load %run_scoped3A_0[%parallel_loop3A_299, %parallel_loop3A_300] {strides = array<i32>} : memref<64x144xf32, #tpu.memory_space<vmem>>, vector<1x16xf32>,
          %parallel_loop3A_302 = vector.shape_cast %parallel_loop3A_301 : vector<1x16xf32> to vector<16xf32>
          %parallel_loop3A_303 = vector.extract_strided_slice %parallel_loop3A_228 {offsets = [5], sizes = [1], strides = [1]} : vector<16xf32> to vector<1xf32>
          %parallel_loop3A_304 = vector.extract %parallel_loop3A_303[0] : f32 from vector<1xf32>
          %parallel_loop3A_305 = vector.broadcast %parallel_loop3A_304 : f32 to vector<16xf32>
          %parallel_loop3A_306 = arith.mulf %parallel_loop3A_302, %parallel_loop3A_305 : vector<16xf32>
          %parallel_loop3A_307 = arith.index_cast %parallel_loop3A_211 : i32 to index
          %parallel_loop3A_308 = arith.constant 80 : index
          %parallel_loop3A_309 = tpu.vector_load %run_scoped3A_0[%parallel_loop3A_307, %parallel_loop3A_308] {strides = array<i32>} : memref<64x144xf32, #tpu.memory_space<vmem>>, vector<1x16xf32>,
          %parallel_loop3A_310 = vector.shape_cast %parallel_loop3A_309 : vector<1x16xf32> to vector<16xf32>
          %parallel_loop3A_311 = vector.shape_cast %parallel_loop3A_306 : vector<16xf32> to vector<1x16xf32>
          tpu.vector_store %run_scoped3A_0[%parallel_loop3A_307, %parallel_loop3A_308], %parallel_loop3A_311 {strides = array<i32>} : memref<64x144xf32, #tpu.memory_space<vmem>>, vector<1x16xf32>,
          %parallel_loop3A_312 = arith.index_cast %parallel_loop3A_211 : i32 to index
          %parallel_loop3A_313 = arith.constant 96 : index
          %parallel_loop3A_314 = tpu.vector_load %run_scoped3A_0[%parallel_loop3A_312, %parallel_loop3A_313] {strides = array<i32>} : memref<64x144xf32, #tpu.memory_space<vmem>>, vector<1x16xf32>,
          %parallel_loop3A_315 = vector.shape_cast %parallel_loop3A_314 : vector<1x16xf32> to vector<16xf32>
          %parallel_loop3A_316 = vector.extract_strided_slice %parallel_loop3A_228 {offsets = [6], sizes = [1], strides = [1]} : vector<16xf32> to vector<1xf32>
          %parallel_loop3A_317 = vector.extract %parallel_loop3A_316[0] : f32 from vector<1xf32>
          %parallel_loop3A_318 = vector.broadcast %parallel_loop3A_317 : f32 to vector<16xf32>
          %parallel_loop3A_319 = arith.mulf %parallel_loop3A_315, %parallel_loop3A_318 : vector<16xf32>
          %parallel_loop3A_320 = arith.index_cast %parallel_loop3A_211 : i32 to index
          %parallel_loop3A_321 = arith.constant 96 : index
          %parallel_loop3A_322 = tpu.vector_load %run_scoped3A_0[%parallel_loop3A_320, %parallel_loop3A_321] {strides = array<i32>} : memref<64x144xf32, #tpu.memory_space<vmem>>, vector<1x16xf32>,
          %parallel_loop3A_323 = vector.shape_cast %parallel_loop3A_322 : vector<1x16xf32> to vector<16xf32>
          %parallel_loop3A_324 = vector.shape_cast %parallel_loop3A_319 : vector<16xf32> to vector<1x16xf32>
          tpu.vector_store %run_scoped3A_0[%parallel_loop3A_320, %parallel_loop3A_321], %parallel_loop3A_324 {strides = array<i32>} : memref<64x144xf32, #tpu.memory_space<vmem>>, vector<1x16xf32>,
          %parallel_loop3A_325 = arith.index_cast %parallel_loop3A_211 : i32 to index
          %parallel_loop3A_326 = arith.constant 112 : index
          %parallel_loop3A_327 = tpu.vector_load %run_scoped3A_0[%parallel_loop3A_325, %parallel_loop3A_326] {strides = array<i32>} : memref<64x144xf32, #tpu.memory_space<vmem>>, vector<1x16xf32>,
          %parallel_loop3A_328 = vector.shape_cast %parallel_loop3A_327 : vector<1x16xf32> to vector<16xf32>
          %parallel_loop3A_329 = vector.extract_strided_slice %parallel_loop3A_228 {offsets = [7], sizes = [1], strides = [1]} : vector<16xf32> to vector<1xf32>
          %parallel_loop3A_330 = vector.extract %parallel_loop3A_329[0] : f32 from vector<1xf32>
          %parallel_loop3A_331 = vector.broadcast %parallel_loop3A_330 : f32 to vector<16xf32>
          %parallel_loop3A_332 = arith.mulf %parallel_loop3A_328, %parallel_loop3A_331 : vector<16xf32>
          %parallel_loop3A_333 = arith.index_cast %parallel_loop3A_211 : i32 to index
          %parallel_loop3A_334 = arith.constant 112 : index
          %parallel_loop3A_335 = tpu.vector_load %run_scoped3A_0[%parallel_loop3A_333, %parallel_loop3A_334] {strides = array<i32>} : memref<64x144xf32, #tpu.memory_space<vmem>>, vector<1x16xf32>,
          %parallel_loop3A_336 = vector.shape_cast %parallel_loop3A_335 : vector<1x16xf32> to vector<16xf32>
          %parallel_loop3A_337 = vector.shape_cast %parallel_loop3A_332 : vector<16xf32> to vector<1x16xf32>
          tpu.vector_store %run_scoped3A_0[%parallel_loop3A_333, %parallel_loop3A_334], %parallel_loop3A_337 {strides = array<i32>} : memref<64x144xf32, #tpu.memory_space<vmem>>, vector<1x16xf32>,
        } {sc.loop_unroll_factor = 4 : i64, sc.parallel_access}
        %dma_start3A_208 = arith.constant 0 : i32
        %dma_start3A_209 = arith.constant 0 : i32
        %dma_start3A_210 = tpu.memref_slice %arg10[%dma_start3A_208, %dma_start3A_209] : memref<10240x144xf32, #tpu.memory_space<vmem_shared>> -> memref<10240x144xf32, #tpu.memory_space<vmem_shared>>
        tpu.enqueue_indirect_dma source(%run_scoped3A_0 : memref<64x144xf32, #tpu.memory_space<vmem>>) target(%dma_start3A_210 : memref<10240x144xf32, #tpu.memory_space<vmem_shared>>) offsets(%run_scoped3A_7 : memref<64xi32, #tpu.memory_space<vmem>>) semaphore(%run_scoped3A_11 : memref<!tpu.dma_semaphore, #tpu.memory_space<semaphore_mem>>) {add = true}
      }
      %scan3A_150 = arith.constant 74 : i32
      %dma_wait3A = arith.constant 0 : i32
      %dma_wait3A_151 = arith.constant 0 : i32
      %dma_wait3A_152 = tpu.memref_slice %arg10[%dma_wait3A, %dma_wait3A_151] : memref<10240x144xf32, #tpu.memory_space<vmem_shared>> -> memref<10240x144xf32, #tpu.memory_space<vmem_shared>>
      tpu.wait_indirect_dma semaphore(%run_scoped3A_10 : memref<!tpu.dma_semaphore, #tpu.memory_space<semaphore_mem>>) src(%run_scoped3A : memref<64x144xf32, #tpu.memory_space<vmem>>) dst(%dma_wait3A_152 : memref<10240x144xf32, #tpu.memory_space<vmem_shared>>)
      %dma_wait3A_153 = arith.constant 0 : i32
      %dma_wait3A_154 = arith.constant 0 : i32
      %dma_wait3A_155 = tpu.memref_slice %arg10[%dma_wait3A_153, %dma_wait3A_154] : memref<10240x144xf32, #tpu.memory_space<vmem_shared>> -> memref<10240x144xf32, #tpu.memory_space<vmem_shared>>
      tpu.wait_indirect_dma semaphore(%run_scoped3A_11 : memref<!tpu.dma_semaphore, #tpu.memory_space<semaphore_mem>>) src(%run_scoped3A_0 : memref<64x144xf32, #tpu.memory_space<vmem>>) dst(%dma_wait3A_155 : memref<10240x144xf32, #tpu.memory_space<vmem_shared>>)
      %barrier3A_156 = arith.constant 0 : index
      tpu.barrier barrier_id(%barrier3A_156)
      %eq3A_157 = arith.constant 0 : i32
      %eq3A_158 = arith.cmpi eq, %arg0, %eq3A_157 : i32
      %convert_element_type3A_159 = arith.extui %eq3A_158 : i1 to i32
      %cond3A_160 = arith.constant 0 : i32
      %cond3A_161 = arith.cmpi ne, %convert_element_type3A_159, %cond3A_160 : i32
      scf.if %cond3A_161 {
        %mul3A_167 = arith.constant 640 : i32
        %mul3A_168 = arith.muli %arg1, %mul3A_167 : i32
        %add3A_169 = arith.constant 0 : i32
        %add3A_170 = arith.addi %mul3A_168, %add3A_169 : i32
        "tpu.region"() ({
          %run_scoped3A_207 = tpu.sem_alloc : memref<!tpu.dma_semaphore, #tpu.memory_space<semaphore_mem>>
          %dma_start3A = arith.constant 0 : i32
          %dma_start3A_208 = tpu.memref_slice %arg8[%add3A_170, %dma_start3A] : memref<10240x144xf32, #tpu.memory_space<hbm>> -> memref<64x144xf32, #tpu.memory_space<hbm>>
          %dma_start3A_209 = arith.constant 0 : i32
          %dma_start3A_210 = tpu.memref_slice %arg10[%add3A_170, %dma_start3A_209] : memref<10240x144xf32, #tpu.memory_space<vmem_shared>> -> memref<64x144xf32, #tpu.memory_space<vmem_shared>>
          tpu.enqueue_dma source(%dma_start3A_210 : memref<64x144xf32, #tpu.memory_space<vmem_shared>>) target(%dma_start3A_208 : memref<64x144xf32, #tpu.memory_space<hbm>>) target_semaphore(%run_scoped3A_207 : memref<!tpu.dma_semaphore, #tpu.memory_space<semaphore_mem>>)
          %dma_wait3A_211 = arith.constant 0 : i32
          %dma_wait3A_212 = tpu.memref_slice %arg8[%add3A_170, %dma_wait3A_211] : memref<10240x144xf32, #tpu.memory_space<hbm>> -> memref<64x144xf32, #tpu.memory_space<hbm>>
          %dma_wait3A_213 = arith.constant 0 : i32
          %dma_wait3A_214 = tpu.memref_slice %arg10[%add3A_170, %dma_wait3A_213] : memref<10240x144xf32, #tpu.memory_space<vmem_shared>> -> memref<64x144xf32, #tpu.memory_space<vmem_shared>>
          tpu.wait_dma2 semaphore(%run_scoped3A_207 : memref<!tpu.dma_semaphore, #tpu.memory_space<semaphore_mem>>) src(%dma_wait3A_214 : memref<64x144xf32, #tpu.memory_space<vmem_shared>>) dst(%dma_wait3A_212 : memref<64x144xf32, #tpu.memory_space<hbm>>)
          tpu.yield
        }) : () -> ()
        %mul3A_171 = arith.constant 640 : i32
        %mul3A_172 = arith.muli %arg1, %mul3A_171 : i32
        %add3A_173 = arith.constant 64 : i32
        %add3A_174 = arith.addi %mul3A_172, %add3A_173 : i32
        "tpu.region"() ({
          %run_scoped3A_207 = tpu.sem_alloc : memref<!tpu.dma_semaphore, #tpu.memory_space<semaphore_mem>>
          %dma_start3A = arith.constant 0 : i32
          %dma_start3A_208 = tpu.memref_slice %arg8[%add3A_174, %dma_start3A] : memref<10240x144xf32, #tpu.memory_space<hbm>> -> memref<64x144xf32, #tpu.memory_space<hbm>>
          %dma_start3A_209 = arith.constant 0 : i32
          %dma_start3A_210 = tpu.memref_slice %arg10[%add3A_174, %dma_start3A_209] : memref<10240x144xf32, #tpu.memory_space<vmem_shared>> -> memref<64x144xf32, #tpu.memory_space<vmem_shared>>
          tpu.enqueue_dma source(%dma_start3A_210 : memref<64x144xf32, #tpu.memory_space<vmem_shared>>) target(%dma_start3A_208 : memref<64x144xf32, #tpu.memory_space<hbm>>) target_semaphore(%run_scoped3A_207 : memref<!tpu.dma_semaphore, #tpu.memory_space<semaphore_mem>>)
          %dma_wait3A_211 = arith.constant 0 : i32
          %dma_wait3A_212 = tpu.memref_slice %arg8[%add3A_174, %dma_wait3A_211] : memref<10240x144xf32, #tpu.memory_space<hbm>> -> memref<64x144xf32, #tpu.memory_space<hbm>>
          %dma_wait3A_213 = arith.constant 0 : i32
          %dma_wait3A_214 = tpu.memref_slice %arg10[%add3A_174, %dma_wait3A_213] : memref<10240x144xf32, #tpu.memory_space<vmem_shared>> -> memref<64x144xf32, #tpu.memory_space<vmem_shared>>
          tpu.wait_dma2 semaphore(%run_scoped3A_207 : memref<!tpu.dma_semaphore, #tpu.memory_space<semaphore_mem>>) src(%dma_wait3A_214 : memref<64x144xf32, #tpu.memory_space<vmem_shared>>) dst(%dma_wait3A_212 : memref<64x144xf32, #tpu.memory_space<hbm>>)
          tpu.yield
        }) : () -> ()
        %mul3A_175 = arith.constant 640 : i32
        %mul3A_176 = arith.muli %arg1, %mul3A_175 : i32
        %add3A_177 = arith.constant 128 : i32
        %add3A_178 = arith.addi %mul3A_176, %add3A_177 : i32
        "tpu.region"() ({
          %run_scoped3A_207 = tpu.sem_alloc : memref<!tpu.dma_semaphore, #tpu.memory_space<semaphore_mem>>
          %dma_start3A = arith.constant 0 : i32
          %dma_start3A_208 = tpu.memref_slice %arg8[%add3A_178, %dma_start3A] : memref<10240x144xf32, #tpu.memory_space<hbm>> -> memref<64x144xf32, #tpu.memory_space<hbm>>
          %dma_start3A_209 = arith.constant 0 : i32
          %dma_start3A_210 = tpu.memref_slice %arg10[%add3A_178, %dma_start3A_209] : memref<10240x144xf32, #tpu.memory_space<vmem_shared>> -> memref<64x144xf32, #tpu.memory_space<vmem_shared>>
          tpu.enqueue_dma source(%dma_start3A_210 : memref<64x144xf32, #tpu.memory_space<vmem_shared>>) target(%dma_start3A_208 : memref<64x144xf32, #tpu.memory_space<hbm>>) target_semaphore(%run_scoped3A_207 : memref<!tpu.dma_semaphore, #tpu.memory_space<semaphore_mem>>)
          %dma_wait3A_211 = arith.constant 0 : i32
          %dma_wait3A_212 = tpu.memref_slice %arg8[%add3A_178, %dma_wait3A_211] : memref<10240x144xf32, #tpu.memory_space<hbm>> -> memref<64x144xf32, #tpu.memory_space<hbm>>
          %dma_wait3A_213 = arith.constant 0 : i32
          %dma_wait3A_214 = tpu.memref_slice %arg10[%add3A_178, %dma_wait3A_213] : memref<10240x144xf32, #tpu.memory_space<vmem_shared>> -> memref<64x144xf32, #tpu.memory_space<vmem_shared>>
          tpu.wait_dma2 semaphore(%run_scoped3A_207 : memref<!tpu.dma_semaphore, #tpu.memory_space<semaphore_mem>>) src(%dma_wait3A_214 : memref<64x144xf32, #tpu.memory_space<vmem_shared>>) dst(%dma_wait3A_212 : memref<64x144xf32, #tpu.memory_space<hbm>>)
          tpu.yield
        }) : () -> ()
        %mul3A_179 = arith.constant 640 : i32
        %mul3A_180 = arith.muli %arg1, %mul3A_179 : i32
        %add3A_181 = arith.constant 192 : i32
        %add3A_182 = arith.addi %mul3A_180, %add3A_181 : i32
        "tpu.region"() ({
          %run_scoped3A_207 = tpu.sem_alloc : memref<!tpu.dma_semaphore, #tpu.memory_space<semaphore_mem>>
          %dma_start3A = arith.constant 0 : i32
          %dma_start3A_208 = tpu.memref_slice %arg8[%add3A_182, %dma_start3A] : memref<10240x144xf32, #tpu.memory_space<hbm>> -> memref<64x144xf32, #tpu.memory_space<hbm>>
          %dma_start3A_209 = arith.constant 0 : i32
          %dma_start3A_210 = tpu.memref_slice %arg10[%add3A_182, %dma_start3A_209] : memref<10240x144xf32, #tpu.memory_space<vmem_shared>> -> memref<64x144xf32, #tpu.memory_space<vmem_shared>>
          tpu.enqueue_dma source(%dma_start3A_210 : memref<64x144xf32, #tpu.memory_space<vmem_shared>>) target(%dma_start3A_208 : memref<64x144xf32, #tpu.memory_space<hbm>>) target_semaphore(%run_scoped3A_207 : memref<!tpu.dma_semaphore, #tpu.memory_space<semaphore_mem>>)
          %dma_wait3A_211 = arith.constant 0 : i32
          %dma_wait3A_212 = tpu.memref_slice %arg8[%add3A_182, %dma_wait3A_211] : memref<10240x144xf32, #tpu.memory_space<hbm>> -> memref<64x144xf32, #tpu.memory_space<hbm>>
          %dma_wait3A_213 = arith.constant 0 : i32
          %dma_wait3A_214 = tpu.memref_slice %arg10[%add3A_182, %dma_wait3A_213] : memref<10240x144xf32, #tpu.memory_space<vmem_shared>> -> memref<64x144xf32, #tpu.memory_space<vmem_shared>>
          tpu.wait_dma2 semaphore(%run_scoped3A_207 : memref<!tpu.dma_semaphore, #tpu.memory_space<semaphore_mem>>) src(%dma_wait3A_214 : memref<64x144xf32, #tpu.memory_space<vmem_shared>>) dst(%dma_wait3A_212 : memref<64x144xf32, #tpu.memory_space<hbm>>)
          tpu.yield
        }) : () -> ()
        %mul3A_183 = arith.constant 640 : i32
        %mul3A_184 = arith.muli %arg1, %mul3A_183 : i32
        %add3A_185 = arith.constant 256 : i32
        %add3A_186 = arith.addi %mul3A_184, %add3A_185 : i32
        "tpu.region"() ({
          %run_scoped3A_207 = tpu.sem_alloc : memref<!tpu.dma_semaphore, #tpu.memory_space<semaphore_mem>>
          %dma_start3A = arith.constant 0 : i32
          %dma_start3A_208 = tpu.memref_slice %arg8[%add3A_186, %dma_start3A] : memref<10240x144xf32, #tpu.memory_space<hbm>> -> memref<64x144xf32, #tpu.memory_space<hbm>>
          %dma_start3A_209 = arith.constant 0 : i32
          %dma_start3A_210 = tpu.memref_slice %arg10[%add3A_186, %dma_start3A_209] : memref<10240x144xf32, #tpu.memory_space<vmem_shared>> -> memref<64x144xf32, #tpu.memory_space<vmem_shared>>
          tpu.enqueue_dma source(%dma_start3A_210 : memref<64x144xf32, #tpu.memory_space<vmem_shared>>) target(%dma_start3A_208 : memref<64x144xf32, #tpu.memory_space<hbm>>) target_semaphore(%run_scoped3A_207 : memref<!tpu.dma_semaphore, #tpu.memory_space<semaphore_mem>>)
          %dma_wait3A_211 = arith.constant 0 : i32
          %dma_wait3A_212 = tpu.memref_slice %arg8[%add3A_186, %dma_wait3A_211] : memref<10240x144xf32, #tpu.memory_space<hbm>> -> memref<64x144xf32, #tpu.memory_space<hbm>>
          %dma_wait3A_213 = arith.constant 0 : i32
          %dma_wait3A_214 = tpu.memref_slice %arg10[%add3A_186, %dma_wait3A_213] : memref<10240x144xf32, #tpu.memory_space<vmem_shared>> -> memref<64x144xf32, #tpu.memory_space<vmem_shared>>
          tpu.wait_dma2 semaphore(%run_scoped3A_207 : memref<!tpu.dma_semaphore, #tpu.memory_space<semaphore_mem>>) src(%dma_wait3A_214 : memref<64x144xf32, #tpu.memory_space<vmem_shared>>) dst(%dma_wait3A_212 : memref<64x144xf32, #tpu.memory_space<hbm>>)
          tpu.yield
        }) : () -> ()
        %mul3A_187 = arith.constant 640 : i32
        %mul3A_188 = arith.muli %arg1, %mul3A_187 : i32
        %add3A_189 = arith.constant 320 : i32
        %add3A_190 = arith.addi %mul3A_188, %add3A_189 : i32
        "tpu.region"() ({
          %run_scoped3A_207 = tpu.sem_alloc : memref<!tpu.dma_semaphore, #tpu.memory_space<semaphore_mem>>
          %dma_start3A = arith.constant 0 : i32
          %dma_start3A_208 = tpu.memref_slice %arg8[%add3A_190, %dma_start3A] : memref<10240x144xf32, #tpu.memory_space<hbm>> -> memref<64x144xf32, #tpu.memory_space<hbm>>
          %dma_start3A_209 = arith.constant 0 : i32
          %dma_start3A_210 = tpu.memref_slice %arg10[%add3A_190, %dma_start3A_209] : memref<10240x144xf32, #tpu.memory_space<vmem_shared>> -> memref<64x144xf32, #tpu.memory_space<vmem_shared>>
          tpu.enqueue_dma source(%dma_start3A_210 : memref<64x144xf32, #tpu.memory_space<vmem_shared>>) target(%dma_start3A_208 : memref<64x144xf32, #tpu.memory_space<hbm>>) target_semaphore(%run_scoped3A_207 : memref<!tpu.dma_semaphore, #tpu.memory_space<semaphore_mem>>)
          %dma_wait3A_211 = arith.constant 0 : i32
          %dma_wait3A_212 = tpu.memref_slice %arg8[%add3A_190, %dma_wait3A_211] : memref<10240x144xf32, #tpu.memory_space<hbm>> -> memref<64x144xf32, #tpu.memory_space<hbm>>
          %dma_wait3A_213 = arith.constant 0 : i32
          %dma_wait3A_214 = tpu.memref_slice %arg10[%add3A_190, %dma_wait3A_213] : memref<10240x144xf32, #tpu.memory_space<vmem_shared>> -> memref<64x144xf32, #tpu.memory_space<vmem_shared>>
          tpu.wait_dma2 semaphore(%run_scoped3A_207 : memref<!tpu.dma_semaphore, #tpu.memory_space<semaphore_mem>>) src(%dma_wait3A_214 : memref<64x144xf32, #tpu.memory_space<vmem_shared>>) dst(%dma_wait3A_212 : memref<64x144xf32, #tpu.memory_space<hbm>>)
          tpu.yield
        }) : () -> ()
        %mul3A_191 = arith.constant 640 : i32
        %mul3A_192 = arith.muli %arg1, %mul3A_191 : i32
        %add3A_193 = arith.constant 384 : i32
        %add3A_194 = arith.addi %mul3A_192, %add3A_193 : i32
        "tpu.region"() ({
          %run_scoped3A_207 = tpu.sem_alloc : memref<!tpu.dma_semaphore, #tpu.memory_space<semaphore_mem>>
          %dma_start3A = arith.constant 0 : i32
          %dma_start3A_208 = tpu.memref_slice %arg8[%add3A_194, %dma_start3A] : memref<10240x144xf32, #tpu.memory_space<hbm>> -> memref<64x144xf32, #tpu.memory_space<hbm>>
          %dma_start3A_209 = arith.constant 0 : i32
          %dma_start3A_210 = tpu.memref_slice %arg10[%add3A_194, %dma_start3A_209] : memref<10240x144xf32, #tpu.memory_space<vmem_shared>> -> memref<64x144xf32, #tpu.memory_space<vmem_shared>>
          tpu.enqueue_dma source(%dma_start3A_210 : memref<64x144xf32, #tpu.memory_space<vmem_shared>>) target(%dma_start3A_208 : memref<64x144xf32, #tpu.memory_space<hbm>>) target_semaphore(%run_scoped3A_207 : memref<!tpu.dma_semaphore, #tpu.memory_space<semaphore_mem>>)
          %dma_wait3A_211 = arith.constant 0 : i32
          %dma_wait3A_212 = tpu.memref_slice %arg8[%add3A_194, %dma_wait3A_211] : memref<10240x144xf32, #tpu.memory_space<hbm>> -> memref<64x144xf32, #tpu.memory_space<hbm>>
          %dma_wait3A_213 = arith.constant 0 : i32
          %dma_wait3A_214 = tpu.memref_slice %arg10[%add3A_194, %dma_wait3A_213] : memref<10240x144xf32, #tpu.memory_space<vmem_shared>> -> memref<64x144xf32, #tpu.memory_space<vmem_shared>>
          tpu.wait_dma2 semaphore(%run_scoped3A_207 : memref<!tpu.dma_semaphore, #tpu.memory_space<semaphore_mem>>) src(%dma_wait3A_214 : memref<64x144xf32, #tpu.memory_space<vmem_shared>>) dst(%dma_wait3A_212 : memref<64x144xf32, #tpu.memory_space<hbm>>)
          tpu.yield
        }) : () -> ()
        %mul3A_195 = arith.constant 640 : i32
        %mul3A_196 = arith.muli %arg1, %mul3A_195 : i32
        %add3A_197 = arith.constant 448 : i32
        %add3A_198 = arith.addi %mul3A_196, %add3A_197 : i32
        "tpu.region"() ({
          %run_scoped3A_207 = tpu.sem_alloc : memref<!tpu.dma_semaphore, #tpu.memory_space<semaphore_mem>>
          %dma_start3A = arith.constant 0 : i32
          %dma_start3A_208 = tpu.memref_slice %arg8[%add3A_198, %dma_start3A] : memref<10240x144xf32, #tpu.memory_space<hbm>> -> memref<64x144xf32, #tpu.memory_space<hbm>>
          %dma_start3A_209 = arith.constant 0 : i32
          %dma_start3A_210 = tpu.memref_slice %arg10[%add3A_198, %dma_start3A_209] : memref<10240x144xf32, #tpu.memory_space<vmem_shared>> -> memref<64x144xf32, #tpu.memory_space<vmem_shared>>
          tpu.enqueue_dma source(%dma_start3A_210 : memref<64x144xf32, #tpu.memory_space<vmem_shared>>) target(%dma_start3A_208 : memref<64x144xf32, #tpu.memory_space<hbm>>) target_semaphore(%run_scoped3A_207 : memref<!tpu.dma_semaphore, #tpu.memory_space<semaphore_mem>>)
          %dma_wait3A_211 = arith.constant 0 : i32
          %dma_wait3A_212 = tpu.memref_slice %arg8[%add3A_198, %dma_wait3A_211] : memref<10240x144xf32, #tpu.memory_space<hbm>> -> memref<64x144xf32, #tpu.memory_space<hbm>>
          %dma_wait3A_213 = arith.constant 0 : i32
          %dma_wait3A_214 = tpu.memref_slice %arg10[%add3A_198, %dma_wait3A_213] : memref<10240x144xf32, #tpu.memory_space<vmem_shared>> -> memref<64x144xf32, #tpu.memory_space<vmem_shared>>
          tpu.wait_dma2 semaphore(%run_scoped3A_207 : memref<!tpu.dma_semaphore, #tpu.memory_space<semaphore_mem>>) src(%dma_wait3A_214 : memref<64x144xf32, #tpu.memory_space<vmem_shared>>) dst(%dma_wait3A_212 : memref<64x144xf32, #tpu.memory_space<hbm>>)
          tpu.yield
        }) : () -> ()
        %mul3A_199 = arith.constant 640 : i32
        %mul3A_200 = arith.muli %arg1, %mul3A_199 : i32
        %add3A_201 = arith.constant 512 : i32
        %add3A_202 = arith.addi %mul3A_200, %add3A_201 : i32
        "tpu.region"() ({
          %run_scoped3A_207 = tpu.sem_alloc : memref<!tpu.dma_semaphore, #tpu.memory_space<semaphore_mem>>
          %dma_start3A = arith.constant 0 : i32
          %dma_start3A_208 = tpu.memref_slice %arg8[%add3A_202, %dma_start3A] : memref<10240x144xf32, #tpu.memory_space<hbm>> -> memref<64x144xf32, #tpu.memory_space<hbm>>
          %dma_start3A_209 = arith.constant 0 : i32
          %dma_start3A_210 = tpu.memref_slice %arg10[%add3A_202, %dma_start3A_209] : memref<10240x144xf32, #tpu.memory_space<vmem_shared>> -> memref<64x144xf32, #tpu.memory_space<vmem_shared>>
          tpu.enqueue_dma source(%dma_start3A_210 : memref<64x144xf32, #tpu.memory_space<vmem_shared>>) target(%dma_start3A_208 : memref<64x144xf32, #tpu.memory_space<hbm>>) target_semaphore(%run_scoped3A_207 : memref<!tpu.dma_semaphore, #tpu.memory_space<semaphore_mem>>)
          %dma_wait3A_211 = arith.constant 0 : i32
          %dma_wait3A_212 = tpu.memref_slice %arg8[%add3A_202, %dma_wait3A_211] : memref<10240x144xf32, #tpu.memory_space<hbm>> -> memref<64x144xf32, #tpu.memory_space<hbm>>
          %dma_wait3A_213 = arith.constant 0 : i32
          %dma_wait3A_214 = tpu.memref_slice %arg10[%add3A_202, %dma_wait3A_213] : memref<10240x144xf32, #tpu.memory_space<vmem_shared>> -> memref<64x144xf32, #tpu.memory_space<vmem_shared>>
          tpu.wait_dma2 semaphore(%run_scoped3A_207 : memref<!tpu.dma_semaphore, #tpu.memory_space<semaphore_mem>>) src(%dma_wait3A_214 : memref<64x144xf32, #tpu.memory_space<vmem_shared>>) dst(%dma_wait3A_212 : memref<64x144xf32, #tpu.memory_space<hbm>>)
          tpu.yield
        }) : () -> ()
        %mul3A_203 = arith.constant 640 : i32
        %mul3A_204 = arith.muli %arg1, %mul3A_203 : i32
        %add3A_205 = arith.constant 576 : i32
        %add3A_206 = arith.addi %mul3A_204, %add3A_205 : i32
        "tpu.region"() ({
          %run_scoped3A_207 = tpu.sem_alloc : memref<!tpu.dma_semaphore, #tpu.memory_space<semaphore_mem>>
          %dma_start3A = arith.constant 0 : i32
          %dma_start3A_208 = tpu.memref_slice %arg8[%add3A_206, %dma_start3A] : memref<10240x144xf32, #tpu.memory_space<hbm>> -> memref<64x144xf32, #tpu.memory_space<hbm>>
          %dma_start3A_209 = arith.constant 0 : i32
          %dma_start3A_210 = tpu.memref_slice %arg10[%add3A_206, %dma_start3A_209] : memref<10240x144xf32, #tpu.memory_space<vmem_shared>> -> memref<64x144xf32, #tpu.memory_space<vmem_shared>>
          tpu.enqueue_dma source(%dma_start3A_210 : memref<64x144xf32, #tpu.memory_space<vmem_shared>>) target(%dma_start3A_208 : memref<64x144xf32, #tpu.memory_space<hbm>>) target_semaphore(%run_scoped3A_207 : memref<!tpu.dma_semaphore, #tpu.memory_space<semaphore_mem>>)
          %dma_wait3A_211 = arith.constant 0 : i32
          %dma_wait3A_212 = tpu.memref_slice %arg8[%add3A_206, %dma_wait3A_211] : memref<10240x144xf32, #tpu.memory_space<hbm>> -> memref<64x144xf32, #tpu.memory_space<hbm>>
          %dma_wait3A_213 = arith.constant 0 : i32
          %dma_wait3A_214 = tpu.memref_slice %arg10[%add3A_206, %dma_wait3A_213] : memref<10240x144xf32, #tpu.memory_space<vmem_shared>> -> memref<64x144xf32, #tpu.memory_space<vmem_shared>>
          tpu.wait_dma2 semaphore(%run_scoped3A_207 : memref<!tpu.dma_semaphore, #tpu.memory_space<semaphore_mem>>) src(%dma_wait3A_214 : memref<64x144xf32, #tpu.memory_space<vmem_shared>>) dst(%dma_wait3A_212 : memref<64x144xf32, #tpu.memory_space<hbm>>)
          tpu.yield
        }) : () -> ()
      } else {
      }
      %eq3A_162 = arith.constant 1 : i32
      %eq3A_163 = arith.cmpi eq, %arg0, %eq3A_162 : i32
      %convert_element_type3A_164 = arith.extui %eq3A_163 : i1 to i32
      %cond3A_165 = arith.constant 0 : i32
      %cond3A_166 = arith.cmpi ne, %convert_element_type3A_164, %cond3A_165 : i32
      scf.if %cond3A_166 {
        %mul3A_167 = arith.constant 640 : i32
        %mul3A_168 = arith.muli %arg1, %mul3A_167 : i32
        %add3A_169 = arith.constant 0 : i32
        %add3A_170 = arith.addi %mul3A_168, %add3A_169 : i32
        "tpu.region"() ({
          %run_scoped3A_207 = tpu.sem_alloc : memref<!tpu.dma_semaphore, #tpu.memory_space<semaphore_mem>>
          %dma_start3A = arith.constant 0 : i32
          %dma_start3A_208 = tpu.memref_slice %arg9[%add3A_170, %dma_start3A] : memref<10240x144xf32, #tpu.memory_space<hbm>> -> memref<64x144xf32, #tpu.memory_space<hbm>>
          %dma_start3A_209 = arith.constant 0 : i32
          %dma_start3A_210 = tpu.memref_slice %arg10[%add3A_170, %dma_start3A_209] : memref<10240x144xf32, #tpu.memory_space<vmem_shared>> -> memref<64x144xf32, #tpu.memory_space<vmem_shared>>
          tpu.enqueue_dma source(%dma_start3A_210 : memref<64x144xf32, #tpu.memory_space<vmem_shared>>) target(%dma_start3A_208 : memref<64x144xf32, #tpu.memory_space<hbm>>) target_semaphore(%run_scoped3A_207 : memref<!tpu.dma_semaphore, #tpu.memory_space<semaphore_mem>>)
          %dma_wait3A_211 = arith.constant 0 : i32
          %dma_wait3A_212 = tpu.memref_slice %arg9[%add3A_170, %dma_wait3A_211] : memref<10240x144xf32, #tpu.memory_space<hbm>> -> memref<64x144xf32, #tpu.memory_space<hbm>>
          %dma_wait3A_213 = arith.constant 0 : i32
          %dma_wait3A_214 = tpu.memref_slice %arg10[%add3A_170, %dma_wait3A_213] : memref<10240x144xf32, #tpu.memory_space<vmem_shared>> -> memref<64x144xf32, #tpu.memory_space<vmem_shared>>
          tpu.wait_dma2 semaphore(%run_scoped3A_207 : memref<!tpu.dma_semaphore, #tpu.memory_space<semaphore_mem>>) src(%dma_wait3A_214 : memref<64x144xf32, #tpu.memory_space<vmem_shared>>) dst(%dma_wait3A_212 : memref<64x144xf32, #tpu.memory_space<hbm>>)
          tpu.yield
        }) : () -> ()
        %mul3A_171 = arith.constant 640 : i32
        %mul3A_172 = arith.muli %arg1, %mul3A_171 : i32
        %add3A_173 = arith.constant 64 : i32
        %add3A_174 = arith.addi %mul3A_172, %add3A_173 : i32
        "tpu.region"() ({
          %run_scoped3A_207 = tpu.sem_alloc : memref<!tpu.dma_semaphore, #tpu.memory_space<semaphore_mem>>
          %dma_start3A = arith.constant 0 : i32
          %dma_start3A_208 = tpu.memref_slice %arg9[%add3A_174, %dma_start3A] : memref<10240x144xf32, #tpu.memory_space<hbm>> -> memref<64x144xf32, #tpu.memory_space<hbm>>
          %dma_start3A_209 = arith.constant 0 : i32
          %dma_start3A_210 = tpu.memref_slice %arg10[%add3A_174, %dma_start3A_209] : memref<10240x144xf32, #tpu.memory_space<vmem_shared>> -> memref<64x144xf32, #tpu.memory_space<vmem_shared>>
          tpu.enqueue_dma source(%dma_start3A_210 : memref<64x144xf32, #tpu.memory_space<vmem_shared>>) target(%dma_start3A_208 : memref<64x144xf32, #tpu.memory_space<hbm>>) target_semaphore(%run_scoped3A_207 : memref<!tpu.dma_semaphore, #tpu.memory_space<semaphore_mem>>)
          %dma_wait3A_211 = arith.constant 0 : i32
          %dma_wait3A_212 = tpu.memref_slice %arg9[%add3A_174, %dma_wait3A_211] : memref<10240x144xf32, #tpu.memory_space<hbm>> -> memref<64x144xf32, #tpu.memory_space<hbm>>
          %dma_wait3A_213 = arith.constant 0 : i32
          %dma_wait3A_214 = tpu.memref_slice %arg10[%add3A_174, %dma_wait3A_213] : memref<10240x144xf32, #tpu.memory_space<vmem_shared>> -> memref<64x144xf32, #tpu.memory_space<vmem_shared>>
          tpu.wait_dma2 semaphore(%run_scoped3A_207 : memref<!tpu.dma_semaphore, #tpu.memory_space<semaphore_mem>>) src(%dma_wait3A_214 : memref<64x144xf32, #tpu.memory_space<vmem_shared>>) dst(%dma_wait3A_212 : memref<64x144xf32, #tpu.memory_space<hbm>>)
          tpu.yield
        }) : () -> ()
        %mul3A_175 = arith.constant 640 : i32
        %mul3A_176 = arith.muli %arg1, %mul3A_175 : i32
        %add3A_177 = arith.constant 128 : i32
        %add3A_178 = arith.addi %mul3A_176, %add3A_177 : i32
        "tpu.region"() ({
          %run_scoped3A_207 = tpu.sem_alloc : memref<!tpu.dma_semaphore, #tpu.memory_space<semaphore_mem>>
          %dma_start3A = arith.constant 0 : i32
          %dma_start3A_208 = tpu.memref_slice %arg9[%add3A_178, %dma_start3A] : memref<10240x144xf32, #tpu.memory_space<hbm>> -> memref<64x144xf32, #tpu.memory_space<hbm>>
          %dma_start3A_209 = arith.constant 0 : i32
          %dma_start3A_210 = tpu.memref_slice %arg10[%add3A_178, %dma_start3A_209] : memref<10240x144xf32, #tpu.memory_space<vmem_shared>> -> memref<64x144xf32, #tpu.memory_space<vmem_shared>>
          tpu.enqueue_dma source(%dma_start3A_210 : memref<64x144xf32, #tpu.memory_space<vmem_shared>>) target(%dma_start3A_208 : memref<64x144xf32, #tpu.memory_space<hbm>>) target_semaphore(%run_scoped3A_207 : memref<!tpu.dma_semaphore, #tpu.memory_space<semaphore_mem>>)
          %dma_wait3A_211 = arith.constant 0 : i32
          %dma_wait3A_212 = tpu.memref_slice %arg9[%add3A_178, %dma_wait3A_211] : memref<10240x144xf32, #tpu.memory_space<hbm>> -> memref<64x144xf32, #tpu.memory_space<hbm>>
          %dma_wait3A_213 = arith.constant 0 : i32
          %dma_wait3A_214 = tpu.memref_slice %arg10[%add3A_178, %dma_wait3A_213] : memref<10240x144xf32, #tpu.memory_space<vmem_shared>> -> memref<64x144xf32, #tpu.memory_space<vmem_shared>>
          tpu.wait_dma2 semaphore(%run_scoped3A_207 : memref<!tpu.dma_semaphore, #tpu.memory_space<semaphore_mem>>) src(%dma_wait3A_214 : memref<64x144xf32, #tpu.memory_space<vmem_shared>>) dst(%dma_wait3A_212 : memref<64x144xf32, #tpu.memory_space<hbm>>)
          tpu.yield
        }) : () -> ()
        %mul3A_179 = arith.constant 640 : i32
        %mul3A_180 = arith.muli %arg1, %mul3A_179 : i32
        %add3A_181 = arith.constant 192 : i32
        %add3A_182 = arith.addi %mul3A_180, %add3A_181 : i32
        "tpu.region"() ({
          %run_scoped3A_207 = tpu.sem_alloc : memref<!tpu.dma_semaphore, #tpu.memory_space<semaphore_mem>>
          %dma_start3A = arith.constant 0 : i32
          %dma_start3A_208 = tpu.memref_slice %arg9[%add3A_182, %dma_start3A] : memref<10240x144xf32, #tpu.memory_space<hbm>> -> memref<64x144xf32, #tpu.memory_space<hbm>>
          %dma_start3A_209 = arith.constant 0 : i32
          %dma_start3A_210 = tpu.memref_slice %arg10[%add3A_182, %dma_start3A_209] : memref<10240x144xf32, #tpu.memory_space<vmem_shared>> -> memref<64x144xf32, #tpu.memory_space<vmem_shared>>
          tpu.enqueue_dma source(%dma_start3A_210 : memref<64x144xf32, #tpu.memory_space<vmem_shared>>) target(%dma_start3A_208 : memref<64x144xf32, #tpu.memory_space<hbm>>) target_semaphore(%run_scoped3A_207 : memref<!tpu.dma_semaphore, #tpu.memory_space<semaphore_mem>>)
          %dma_wait3A_211 = arith.constant 0 : i32
          %dma_wait3A_212 = tpu.memref_slice %arg9[%add3A_182, %dma_wait3A_211] : memref<10240x144xf32, #tpu.memory_space<hbm>> -> memref<64x144xf32, #tpu.memory_space<hbm>>
          %dma_wait3A_213 = arith.constant 0 : i32
          %dma_wait3A_214 = tpu.memref_slice %arg10[%add3A_182, %dma_wait3A_213] : memref<10240x144xf32, #tpu.memory_space<vmem_shared>> -> memref<64x144xf32, #tpu.memory_space<vmem_shared>>
          tpu.wait_dma2 semaphore(%run_scoped3A_207 : memref<!tpu.dma_semaphore, #tpu.memory_space<semaphore_mem>>) src(%dma_wait3A_214 : memref<64x144xf32, #tpu.memory_space<vmem_shared>>) dst(%dma_wait3A_212 : memref<64x144xf32, #tpu.memory_space<hbm>>)
          tpu.yield
        }) : () -> ()
        %mul3A_183 = arith.constant 640 : i32
        %mul3A_184 = arith.muli %arg1, %mul3A_183 : i32
        %add3A_185 = arith.constant 256 : i32
        %add3A_186 = arith.addi %mul3A_184, %add3A_185 : i32
        "tpu.region"() ({
          %run_scoped3A_207 = tpu.sem_alloc : memref<!tpu.dma_semaphore, #tpu.memory_space<semaphore_mem>>
          %dma_start3A = arith.constant 0 : i32
          %dma_start3A_208 = tpu.memref_slice %arg9[%add3A_186, %dma_start3A] : memref<10240x144xf32, #tpu.memory_space<hbm>> -> memref<64x144xf32, #tpu.memory_space<hbm>>
          %dma_start3A_209 = arith.constant 0 : i32
          %dma_start3A_210 = tpu.memref_slice %arg10[%add3A_186, %dma_start3A_209] : memref<10240x144xf32, #tpu.memory_space<vmem_shared>> -> memref<64x144xf32, #tpu.memory_space<vmem_shared>>
          tpu.enqueue_dma source(%dma_start3A_210 : memref<64x144xf32, #tpu.memory_space<vmem_shared>>) target(%dma_start3A_208 : memref<64x144xf32, #tpu.memory_space<hbm>>) target_semaphore(%run_scoped3A_207 : memref<!tpu.dma_semaphore, #tpu.memory_space<semaphore_mem>>)
          %dma_wait3A_211 = arith.constant 0 : i32
          %dma_wait3A_212 = tpu.memref_slice %arg9[%add3A_186, %dma_wait3A_211] : memref<10240x144xf32, #tpu.memory_space<hbm>> -> memref<64x144xf32, #tpu.memory_space<hbm>>
          %dma_wait3A_213 = arith.constant 0 : i32
          %dma_wait3A_214 = tpu.memref_slice %arg10[%add3A_186, %dma_wait3A_213] : memref<10240x144xf32, #tpu.memory_space<vmem_shared>> -> memref<64x144xf32, #tpu.memory_space<vmem_shared>>
          tpu.wait_dma2 semaphore(%run_scoped3A_207 : memref<!tpu.dma_semaphore, #tpu.memory_space<semaphore_mem>>) src(%dma_wait3A_214 : memref<64x144xf32, #tpu.memory_space<vmem_shared>>) dst(%dma_wait3A_212 : memref<64x144xf32, #tpu.memory_space<hbm>>)
          tpu.yield
        }) : () -> ()
        %mul3A_187 = arith.constant 640 : i32
        %mul3A_188 = arith.muli %arg1, %mul3A_187 : i32
        %add3A_189 = arith.constant 320 : i32
        %add3A_190 = arith.addi %mul3A_188, %add3A_189 : i32
        "tpu.region"() ({
          %run_scoped3A_207 = tpu.sem_alloc : memref<!tpu.dma_semaphore, #tpu.memory_space<semaphore_mem>>
          %dma_start3A = arith.constant 0 : i32
          %dma_start3A_208 = tpu.memref_slice %arg9[%add3A_190, %dma_start3A] : memref<10240x144xf32, #tpu.memory_space<hbm>> -> memref<64x144xf32, #tpu.memory_space<hbm>>
          %dma_start3A_209 = arith.constant 0 : i32
          %dma_start3A_210 = tpu.memref_slice %arg10[%add3A_190, %dma_start3A_209] : memref<10240x144xf32, #tpu.memory_space<vmem_shared>> -> memref<64x144xf32, #tpu.memory_space<vmem_shared>>
          tpu.enqueue_dma source(%dma_start3A_210 : memref<64x144xf32, #tpu.memory_space<vmem_shared>>) target(%dma_start3A_208 : memref<64x144xf32, #tpu.memory_space<hbm>>) target_semaphore(%run_scoped3A_207 : memref<!tpu.dma_semaphore, #tpu.memory_space<semaphore_mem>>)
          %dma_wait3A_211 = arith.constant 0 : i32
          %dma_wait3A_212 = tpu.memref_slice %arg9[%add3A_190, %dma_wait3A_211] : memref<10240x144xf32, #tpu.memory_space<hbm>> -> memref<64x144xf32, #tpu.memory_space<hbm>>
          %dma_wait3A_213 = arith.constant 0 : i32
          %dma_wait3A_214 = tpu.memref_slice %arg10[%add3A_190, %dma_wait3A_213] : memref<10240x144xf32, #tpu.memory_space<vmem_shared>> -> memref<64x144xf32, #tpu.memory_space<vmem_shared>>
          tpu.wait_dma2 semaphore(%run_scoped3A_207 : memref<!tpu.dma_semaphore, #tpu.memory_space<semaphore_mem>>) src(%dma_wait3A_214 : memref<64x144xf32, #tpu.memory_space<vmem_shared>>) dst(%dma_wait3A_212 : memref<64x144xf32, #tpu.memory_space<hbm>>)
          tpu.yield
        }) : () -> ()
        %mul3A_191 = arith.constant 640 : i32
        %mul3A_192 = arith.muli %arg1, %mul3A_191 : i32
        %add3A_193 = arith.constant 384 : i32
        %add3A_194 = arith.addi %mul3A_192, %add3A_193 : i32
        "tpu.region"() ({
          %run_scoped3A_207 = tpu.sem_alloc : memref<!tpu.dma_semaphore, #tpu.memory_space<semaphore_mem>>
          %dma_start3A = arith.constant 0 : i32
          %dma_start3A_208 = tpu.memref_slice %arg9[%add3A_194, %dma_start3A] : memref<10240x144xf32, #tpu.memory_space<hbm>> -> memref<64x144xf32, #tpu.memory_space<hbm>>
          %dma_start3A_209 = arith.constant 0 : i32
          %dma_start3A_210 = tpu.memref_slice %arg10[%add3A_194, %dma_start3A_209] : memref<10240x144xf32, #tpu.memory_space<vmem_shared>> -> memref<64x144xf32, #tpu.memory_space<vmem_shared>>
          tpu.enqueue_dma source(%dma_start3A_210 : memref<64x144xf32, #tpu.memory_space<vmem_shared>>) target(%dma_start3A_208 : memref<64x144xf32, #tpu.memory_space<hbm>>) target_semaphore(%run_scoped3A_207 : memref<!tpu.dma_semaphore, #tpu.memory_space<semaphore_mem>>)
          %dma_wait3A_211 = arith.constant 0 : i32
          %dma_wait3A_212 = tpu.memref_slice %arg9[%add3A_194, %dma_wait3A_211] : memref<10240x144xf32, #tpu.memory_space<hbm>> -> memref<64x144xf32, #tpu.memory_space<hbm>>
          %dma_wait3A_213 = arith.constant 0 : i32
          %dma_wait3A_214 = tpu.memref_slice %arg10[%add3A_194, %dma_wait3A_213] : memref<10240x144xf32, #tpu.memory_space<vmem_shared>> -> memref<64x144xf32, #tpu.memory_space<vmem_shared>>
          tpu.wait_dma2 semaphore(%run_scoped3A_207 : memref<!tpu.dma_semaphore, #tpu.memory_space<semaphore_mem>>) src(%dma_wait3A_214 : memref<64x144xf32, #tpu.memory_space<vmem_shared>>) dst(%dma_wait3A_212 : memref<64x144xf32, #tpu.memory_space<hbm>>)
          tpu.yield
        }) : () -> ()
        %mul3A_195 = arith.constant 640 : i32
        %mul3A_196 = arith.muli %arg1, %mul3A_195 : i32
        %add3A_197 = arith.constant 448 : i32
        %add3A_198 = arith.addi %mul3A_196, %add3A_197 : i32
        "tpu.region"() ({
          %run_scoped3A_207 = tpu.sem_alloc : memref<!tpu.dma_semaphore, #tpu.memory_space<semaphore_mem>>
          %dma_start3A = arith.constant 0 : i32
          %dma_start3A_208 = tpu.memref_slice %arg9[%add3A_198, %dma_start3A] : memref<10240x144xf32, #tpu.memory_space<hbm>> -> memref<64x144xf32, #tpu.memory_space<hbm>>
          %dma_start3A_209 = arith.constant 0 : i32
          %dma_start3A_210 = tpu.memref_slice %arg10[%add3A_198, %dma_start3A_209] : memref<10240x144xf32, #tpu.memory_space<vmem_shared>> -> memref<64x144xf32, #tpu.memory_space<vmem_shared>>
          tpu.enqueue_dma source(%dma_start3A_210 : memref<64x144xf32, #tpu.memory_space<vmem_shared>>) target(%dma_start3A_208 : memref<64x144xf32, #tpu.memory_space<hbm>>) target_semaphore(%run_scoped3A_207 : memref<!tpu.dma_semaphore, #tpu.memory_space<semaphore_mem>>)
          %dma_wait3A_211 = arith.constant 0 : i32
          %dma_wait3A_212 = tpu.memref_slice %arg9[%add3A_198, %dma_wait3A_211] : memref<10240x144xf32, #tpu.memory_space<hbm>> -> memref<64x144xf32, #tpu.memory_space<hbm>>
          %dma_wait3A_213 = arith.constant 0 : i32
          %dma_wait3A_214 = tpu.memref_slice %arg10[%add3A_198, %dma_wait3A_213] : memref<10240x144xf32, #tpu.memory_space<vmem_shared>> -> memref<64x144xf32, #tpu.memory_space<vmem_shared>>
          tpu.wait_dma2 semaphore(%run_scoped3A_207 : memref<!tpu.dma_semaphore, #tpu.memory_space<semaphore_mem>>) src(%dma_wait3A_214 : memref<64x144xf32, #tpu.memory_space<vmem_shared>>) dst(%dma_wait3A_212 : memref<64x144xf32, #tpu.memory_space<hbm>>)
          tpu.yield
        }) : () -> ()
        %mul3A_199 = arith.constant 640 : i32
        %mul3A_200 = arith.muli %arg1, %mul3A_199 : i32
        %add3A_201 = arith.constant 512 : i32
        %add3A_202 = arith.addi %mul3A_200, %add3A_201 : i32
        "tpu.region"() ({
          %run_scoped3A_207 = tpu.sem_alloc : memref<!tpu.dma_semaphore, #tpu.memory_space<semaphore_mem>>
          %dma_start3A = arith.constant 0 : i32
          %dma_start3A_208 = tpu.memref_slice %arg9[%add3A_202, %dma_start3A] : memref<10240x144xf32, #tpu.memory_space<hbm>> -> memref<64x144xf32, #tpu.memory_space<hbm>>
          %dma_start3A_209 = arith.constant 0 : i32
          %dma_start3A_210 = tpu.memref_slice %arg10[%add3A_202, %dma_start3A_209] : memref<10240x144xf32, #tpu.memory_space<vmem_shared>> -> memref<64x144xf32, #tpu.memory_space<vmem_shared>>
          tpu.enqueue_dma source(%dma_start3A_210 : memref<64x144xf32, #tpu.memory_space<vmem_shared>>) target(%dma_start3A_208 : memref<64x144xf32, #tpu.memory_space<hbm>>) target_semaphore(%run_scoped3A_207 : memref<!tpu.dma_semaphore, #tpu.memory_space<semaphore_mem>>)
          %dma_wait3A_211 = arith.constant 0 : i32
          %dma_wait3A_212 = tpu.memref_slice %arg9[%add3A_202, %dma_wait3A_211] : memref<10240x144xf32, #tpu.memory_space<hbm>> -> memref<64x144xf32, #tpu.memory_space<hbm>>
          %dma_wait3A_213 = arith.constant 0 : i32
          %dma_wait3A_214 = tpu.memref_slice %arg10[%add3A_202, %dma_wait3A_213] : memref<10240x144xf32, #tpu.memory_space<vmem_shared>> -> memref<64x144xf32, #tpu.memory_space<vmem_shared>>
          tpu.wait_dma2 semaphore(%run_scoped3A_207 : memref<!tpu.dma_semaphore, #tpu.memory_space<semaphore_mem>>) src(%dma_wait3A_214 : memref<64x144xf32, #tpu.memory_space<vmem_shared>>) dst(%dma_wait3A_212 : memref<64x144xf32, #tpu.memory_space<hbm>>)
          tpu.yield
        }) : () -> ()
        %mul3A_203 = arith.constant 640 : i32
        %mul3A_204 = arith.muli %arg1, %mul3A_203 : i32
        %add3A_205 = arith.constant 576 : i32
        %add3A_206 = arith.addi %mul3A_204, %add3A_205 : i32
        "tpu.region"() ({
          %run_scoped3A_207 = tpu.sem_alloc : memref<!tpu.dma_semaphore, #tpu.memory_space<semaphore_mem>>
          %dma_start3A = arith.constant 0 : i32
          %dma_start3A_208 = tpu.memref_slice %arg9[%add3A_206, %dma_start3A] : memref<10240x144xf32, #tpu.memory_space<hbm>> -> memref<64x144xf32, #tpu.memory_space<hbm>>
          %dma_start3A_209 = arith.constant 0 : i32
          %dma_start3A_210 = tpu.memref_slice %arg10[%add3A_206, %dma_start3A_209] : memref<10240x144xf32, #tpu.memory_space<vmem_shared>> -> memref<64x144xf32, #tpu.memory_space<vmem_shared>>
          tpu.enqueue_dma source(%dma_start3A_210 : memref<64x144xf32, #tpu.memory_space<vmem_shared>>) target(%dma_start3A_208 : memref<64x144xf32, #tpu.memory_space<hbm>>) target_semaphore(%run_scoped3A_207 : memref<!tpu.dma_semaphore, #tpu.memory_space<semaphore_mem>>)
          %dma_wait3A_211 = arith.constant 0 : i32
          %dma_wait3A_212 = tpu.memref_slice %arg9[%add3A_206, %dma_wait3A_211] : memref<10240x144xf32, #tpu.memory_space<hbm>> -> memref<64x144xf32, #tpu.memory_space<hbm>>
          %dma_wait3A_213 = arith.constant 0 : i32
          %dma_wait3A_214 = tpu.memref_slice %arg10[%add3A_206, %dma_wait3A_213] : memref<10240x144xf32, #tpu.memory_space<vmem_shared>> -> memref<64x144xf32, #tpu.memory_space<vmem_shared>>
          tpu.wait_dma2 semaphore(%run_scoped3A_207 : memref<!tpu.dma_semaphore, #tpu.memory_space<semaphore_mem>>) src(%dma_wait3A_214 : memref<64x144xf32, #tpu.memory_space<vmem_shared>>) dst(%dma_wait3A_212 : memref<64x144xf32, #tpu.memory_space<hbm>>)
          tpu.yield
        }) : () -> ()
      } else {
      }
      tpu.yield
    }) : () -> ()
    return
  }
}

module attributes {stable_mosaic.version = 14 : i64} {
  func.func @_tca_body(%arg0: i32, %arg1: memref<1024x128xf32, #tpu.memory_space<vmem>>, %arg2: memref<1024x128xf32, #tpu.memory_space<vmem>>, %arg3: memref<1024x128xf32, #tpu.memory_space<vmem>>, %arg4: memref<128x128xf32, #tpu.memory_space<vmem>>, %arg5: memref<1x128xf32, #tpu.memory_space<vmem>>, %arg6: memref<128x128xf32, #tpu.memory_space<vmem>>, %arg7: memref<1x128xf32, #tpu.memory_space<vmem>>, %arg8: memref<128x128xf32, #tpu.memory_space<vmem>>, %arg9: memref<1x128xf32, #tpu.memory_space<vmem>>, %arg10: memref<128x16xf32, #tpu.memory_space<vmem>>, %arg11: memref<128x16xf32, #tpu.memory_space<vmem>>, %arg12: memref<128x16xf32, #tpu.memory_space<vmem>>, %arg13: memref<128x16xf32, #tpu.memory_space<vmem>>, %arg14: memref<1024x144xf32, #tpu.memory_space<vmem>>, %arg15: memref<1024x144xf32, #tpu.memory_space<vmem>>, %arg16: memref<1024x16xf32, #tpu.memory_space<vmem>>, %arg17: memref<1024x16xf32, #tpu.memory_space<vmem>>) attributes {dimension_semantics = [#tpu.dimension_semantics<arbitrary>], iteration_bounds = array<i64: 10>, scalar_prefetch = 0 : i64, scratch_operands = 0 : i64, tpu.core_type = #tpu.core_type<tc>, window_params = [{transform_indices = @transform_0, window_bounds = array<i64: 1024, 128>}, {transform_indices = @transform_1, window_bounds = array<i64: 1024, 128>}, {transform_indices = @transform_2, window_bounds = array<i64: 1024, 128>}, {pipeline_mode = #tpu.pipeline_mode<synchronous>, transform_indices = @transform_3, window_bounds = array<i64: 128, 128>}, {pipeline_mode = #tpu.pipeline_mode<synchronous>, transform_indices = @transform_4, window_bounds = array<i64: 1, 128>}, {pipeline_mode = #tpu.pipeline_mode<synchronous>, transform_indices = @transform_5, window_bounds = array<i64: 128, 128>}, {pipeline_mode = #tpu.pipeline_mode<synchronous>, transform_indices = @transform_6, window_bounds = array<i64: 1, 128>}, {pipeline_mode = #tpu.pipeline_mode<synchronous>, transform_indices = @transform_7, window_bounds = array<i64: 128, 128>}, {pipeline_mode = #tpu.pipeline_mode<synchronous>, transform_indices = @transform_8, window_bounds = array<i64: 1, 128>}, {pipeline_mode = #tpu.pipeline_mode<synchronous>, transform_indices = @transform_9, window_bounds = array<i64: 128, 16>}, {pipeline_mode = #tpu.pipeline_mode<synchronous>, transform_indices = @transform_10, window_bounds = array<i64: 128, 16>}, {pipeline_mode = #tpu.pipeline_mode<synchronous>, transform_indices = @transform_11, window_bounds = array<i64: 128, 16>}, {pipeline_mode = #tpu.pipeline_mode<synchronous>, transform_indices = @transform_12, window_bounds = array<i64: 128, 16>}, {transform_indices = @transform_13, window_bounds = array<i64: 1024, 144>}, {transform_indices = @transform_14, window_bounds = array<i64: 1024, 144>}, {transform_indices = @transform_15, window_bounds = array<i64: 1024, 16>}, {transform_indices = @transform_16, window_bounds = array<i64: 1024, 16>}]} {
    %get3A = arith.constant 0 : index
    %get3A_0 = arith.constant 0 : index
    %get3A_1 = vector.load %arg1[%get3A, %get3A_0] : memref<1024x128xf32, #tpu.memory_space<vmem>>, vector<1024x128xf32>
    %get3A_2 = arith.constant 0 : index
    %get3A_3 = arith.constant 0 : index
    %get3A_4 = vector.load %arg4[%get3A_2, %get3A_3] : memref<128x128xf32, #tpu.memory_space<vmem>>, vector<128x128xf32>
    %dot_general3A = arith.constant dense<0.000000e+00> : vector<1024x128xf32>
    %dot_general3A_5 = tpu.matmul %get3A_1, %get3A_4, %dot_general3A {dimension_numbers = #tpu.dot_dimension_numbers<[1], [0], [0], [1], [0, 0, 1, 1], [], []>, transpose_lhs_hint = false} : vector<1024x128xf32>, vector<128x128xf32>, vector<1024x128xf32> -> vector<1024x128xf32>
    %get3A_6 = arith.constant 0 : index
    %get3A_7 = arith.constant 0 : index
    %get3A_8 = vector.load %arg5[%get3A_6, %get3A_7] : memref<1x128xf32, #tpu.memory_space<vmem>>, vector<1x128xf32>
    %add3A = vector.broadcast %get3A_8 : vector<1x128xf32> to vector<1024x128xf32>
    %add3A_9 = arith.addf %dot_general3A_5, %add3A : vector<1024x128xf32>
    %get3A_10 = arith.constant 0 : index
    %get3A_11 = arith.constant 0 : index
    %get3A_12 = vector.load %arg2[%get3A_10, %get3A_11] : memref<1024x128xf32, #tpu.memory_space<vmem>>, vector<1024x128xf32>
    %get3A_13 = arith.constant 0 : index
    %get3A_14 = arith.constant 0 : index
    %get3A_15 = vector.load %arg6[%get3A_13, %get3A_14] : memref<128x128xf32, #tpu.memory_space<vmem>>, vector<128x128xf32>
    %dot_general3A_16 = arith.constant dense<0.000000e+00> : vector<1024x128xf32>
    %dot_general3A_17 = tpu.matmul %get3A_12, %get3A_15, %dot_general3A_16 {dimension_numbers = #tpu.dot_dimension_numbers<[1], [0], [0], [1], [0, 0, 1, 1], [], []>, transpose_lhs_hint = false} : vector<1024x128xf32>, vector<128x128xf32>, vector<1024x128xf32> -> vector<1024x128xf32>
    %get3A_18 = arith.constant 0 : index
    %get3A_19 = arith.constant 0 : index
    %get3A_20 = vector.load %arg7[%get3A_18, %get3A_19] : memref<1x128xf32, #tpu.memory_space<vmem>>, vector<1x128xf32>
    %add3A_21 = vector.broadcast %get3A_20 : vector<1x128xf32> to vector<1024x128xf32>
    %add3A_22 = arith.addf %dot_general3A_17, %add3A_21 : vector<1024x128xf32>
    %get3A_23 = arith.constant 0 : index
    %get3A_24 = arith.constant 0 : index
    %get3A_25 = vector.load %arg3[%get3A_23, %get3A_24] : memref<1024x128xf32, #tpu.memory_space<vmem>>, vector<1024x128xf32>
    %get3A_26 = arith.constant 0 : index
    %get3A_27 = arith.constant 0 : index
    %get3A_28 = vector.load %arg8[%get3A_26, %get3A_27] : memref<128x128xf32, #tpu.memory_space<vmem>>, vector<128x128xf32>
    %dot_general3A_29 = arith.constant dense<0.000000e+00> : vector<1024x128xf32>
    %dot_general3A_30 = tpu.matmul %get3A_25, %get3A_28, %dot_general3A_29 {dimension_numbers = #tpu.dot_dimension_numbers<[1], [0], [0], [1], [0, 0, 1, 1], [], []>, transpose_lhs_hint = false} : vector<1024x128xf32>, vector<128x128xf32>, vector<1024x128xf32> -> vector<1024x128xf32>
    %get3A_31 = arith.constant 0 : index
    %get3A_32 = arith.constant 0 : index
    %get3A_33 = vector.load %arg9[%get3A_31, %get3A_32] : memref<1x128xf32, #tpu.memory_space<vmem>>, vector<1x128xf32>
    %add3A_34 = vector.broadcast %get3A_33 : vector<1x128xf32> to vector<1024x128xf32>
    %add3A_35 = arith.addf %dot_general3A_30, %add3A_34 : vector<1024x128xf32>
    %get3A_36 = arith.constant 0 : index
    %get3A_37 = arith.constant 0 : index
    %get3A_38 = vector.load %arg10[%get3A_36, %get3A_37] : memref<128x16xf32, #tpu.memory_space<vmem>>, vector<128x16xf32>
    %dot_general3A_39 = arith.constant dense<0.000000e+00> : vector<1024x16xf32>
    %dot_general3A_40 = tpu.matmul %add3A_9, %get3A_38, %dot_general3A_39 {dimension_numbers = #tpu.dot_dimension_numbers<[1], [0], [0], [1], [0, 0, 1, 1], [], []>, transpose_lhs_hint = false} : vector<1024x128xf32>, vector<128x16xf32>, vector<1024x16xf32> -> vector<1024x16xf32>
    %concatenate3A = tpu.concatenate %add3A_9, %dot_general3A_40 in 1 : vector<1024x128xf32>, vector<1024x16xf32> -> vector<1024x144xf32>
    %swap3A = arith.constant 0 : index
    %swap3A_41 = arith.constant 0 : index
    %swap3A_42 = vector.load %arg14[%swap3A, %swap3A_41] : memref<1024x144xf32, #tpu.memory_space<vmem>>, vector<1024x144xf32>
    tpu.vector_store %arg14[%swap3A, %swap3A_41], %concatenate3A {strides = array<i32>} : memref<1024x144xf32, #tpu.memory_space<vmem>>, vector<1024x144xf32>,
    %get3A_43 = arith.constant 0 : index
    %get3A_44 = arith.constant 0 : index
    %get3A_45 = vector.load %arg11[%get3A_43, %get3A_44] : memref<128x16xf32, #tpu.memory_space<vmem>>, vector<128x16xf32>
    %dot_general3A_46 = arith.constant dense<0.000000e+00> : vector<1024x16xf32>
    %dot_general3A_47 = tpu.matmul %add3A_22, %get3A_45, %dot_general3A_46 {dimension_numbers = #tpu.dot_dimension_numbers<[1], [0], [0], [1], [0, 0, 1, 1], [], []>, transpose_lhs_hint = false} : vector<1024x128xf32>, vector<128x16xf32>, vector<1024x16xf32> -> vector<1024x16xf32>
    %concatenate3A_48 = tpu.concatenate %add3A_22, %dot_general3A_47 in 1 : vector<1024x128xf32>, vector<1024x16xf32> -> vector<1024x144xf32>
    %swap3A_49 = arith.constant 0 : index
    %swap3A_50 = arith.constant 0 : index
    %swap3A_51 = vector.load %arg15[%swap3A_49, %swap3A_50] : memref<1024x144xf32, #tpu.memory_space<vmem>>, vector<1024x144xf32>
    tpu.vector_store %arg15[%swap3A_49, %swap3A_50], %concatenate3A_48 {strides = array<i32>} : memref<1024x144xf32, #tpu.memory_space<vmem>>, vector<1024x144xf32>,
    %get3A_52 = arith.constant 0 : index
    %get3A_53 = arith.constant 0 : index
    %get3A_54 = vector.load %arg12[%get3A_52, %get3A_53] : memref<128x16xf32, #tpu.memory_space<vmem>>, vector<128x16xf32>
    %dot_general3A_55 = arith.constant dense<0.000000e+00> : vector<1024x16xf32>
    %dot_general3A_56 = tpu.matmul %add3A_35, %get3A_54, %dot_general3A_55 {dimension_numbers = #tpu.dot_dimension_numbers<[1], [0], [0], [1], [0, 0, 1, 1], [], []>, transpose_lhs_hint = false} : vector<1024x128xf32>, vector<128x16xf32>, vector<1024x16xf32> -> vector<1024x16xf32>
    %swap3A_57 = arith.constant 0 : index
    %swap3A_58 = arith.constant 0 : index
    %swap3A_59 = vector.load %arg16[%swap3A_57, %swap3A_58] : memref<1024x16xf32, #tpu.memory_space<vmem>>, vector<1024x16xf32>
    tpu.vector_store %arg16[%swap3A_57, %swap3A_58], %dot_general3A_56 {strides = array<i32>} : memref<1024x16xf32, #tpu.memory_space<vmem>>, vector<1024x16xf32>,
    %get3A_60 = arith.constant 0 : index
    %get3A_61 = arith.constant 0 : index
    %get3A_62 = vector.load %arg13[%get3A_60, %get3A_61] : memref<128x16xf32, #tpu.memory_space<vmem>>, vector<128x16xf32>
    %dot_general3A_63 = arith.constant dense<0.000000e+00> : vector<1024x16xf32>
    %dot_general3A_64 = tpu.matmul %add3A_35, %get3A_62, %dot_general3A_63 {dimension_numbers = #tpu.dot_dimension_numbers<[1], [0], [0], [1], [0, 0, 1, 1], [], []>, transpose_lhs_hint = false} : vector<1024x128xf32>, vector<128x16xf32>, vector<1024x16xf32> -> vector<1024x16xf32>
    %swap3A_65 = arith.constant 0 : index
    %swap3A_66 = arith.constant 0 : index
    %swap3A_67 = vector.load %arg17[%swap3A_65, %swap3A_66] : memref<1024x16xf32, #tpu.memory_space<vmem>>, vector<1024x16xf32>
    tpu.vector_store %arg17[%swap3A_65, %swap3A_66], %dot_general3A_64 {strides = array<i32>} : memref<1024x16xf32, #tpu.memory_space<vmem>>, vector<1024x16xf32>,
    return
  }
  func.func @transform_0(%arg0: i32) -> (i32, i32) {
    %c0_i32 = arith.constant 0 : i32
    %c0_i32_0 = arith.constant 0 : i32
    return %arg0, %c0_i32 : i32, i32
  }
  func.func @transform_1(%arg0: i32) -> (i32, i32) {
    %c0_i32 = arith.constant 0 : i32
    %c0_i32_0 = arith.constant 0 : i32
    return %arg0, %c0_i32 : i32, i32
  }
  func.func @transform_2(%arg0: i32) -> (i32, i32) {
    %c0_i32 = arith.constant 0 : i32
    %c0_i32_0 = arith.constant 0 : i32
    return %arg0, %c0_i32 : i32, i32
  }
  func.func @transform_3(%arg0: i32) -> (i32, i32) {
    %c0_i32 = arith.constant 0 : i32
    %c0_i32_0 = arith.constant 0 : i32
    %c0_i32_1 = arith.constant 0 : i32
    return %c0_i32, %c0_i32_0 : i32, i32
  }
  func.func @transform_4(%arg0: i32) -> (i32, i32) {
    %c0_i32 = arith.constant 0 : i32
    %c0_i32_0 = arith.constant 0 : i32
    %c0_i32_1 = arith.constant 0 : i32
    return %c0_i32, %c0_i32_0 : i32, i32
  }
  func.func @transform_5(%arg0: i32) -> (i32, i32) {
    %c0_i32 = arith.constant 0 : i32
    %c0_i32_0 = arith.constant 0 : i32
    %c0_i32_1 = arith.constant 0 : i32
    return %c0_i32, %c0_i32_0 : i32, i32
  }
  func.func @transform_6(%arg0: i32) -> (i32, i32) {
    %c0_i32 = arith.constant 0 : i32
    %c0_i32_0 = arith.constant 0 : i32
    %c0_i32_1 = arith.constant 0 : i32
    return %c0_i32, %c0_i32_0 : i32, i32
  }
  func.func @transform_7(%arg0: i32) -> (i32, i32) {
    %c0_i32 = arith.constant 0 : i32
    %c0_i32_0 = arith.constant 0 : i32
    %c0_i32_1 = arith.constant 0 : i32
    return %c0_i32, %c0_i32_0 : i32, i32
  }
  func.func @transform_8(%arg0: i32) -> (i32, i32) {
    %c0_i32 = arith.constant 0 : i32
    %c0_i32_0 = arith.constant 0 : i32
    %c0_i32_1 = arith.constant 0 : i32
    return %c0_i32, %c0_i32_0 : i32, i32
  }
  func.func @transform_9(%arg0: i32) -> (i32, i32) {
    %c0_i32 = arith.constant 0 : i32
    %c0_i32_0 = arith.constant 0 : i32
    %c0_i32_1 = arith.constant 0 : i32
    return %c0_i32, %c0_i32_0 : i32, i32
  }
  func.func @transform_10(%arg0: i32) -> (i32, i32) {
    %c0_i32 = arith.constant 0 : i32
    %c0_i32_0 = arith.constant 0 : i32
    %c0_i32_1 = arith.constant 0 : i32
    return %c0_i32, %c0_i32_0 : i32, i32
  }
  func.func @transform_11(%arg0: i32) -> (i32, i32) {
    %c0_i32 = arith.constant 0 : i32
    %c0_i32_0 = arith.constant 0 : i32
    %c0_i32_1 = arith.constant 0 : i32
    return %c0_i32, %c0_i32_0 : i32, i32
  }
  func.func @transform_12(%arg0: i32) -> (i32, i32) {
    %c0_i32 = arith.constant 0 : i32
    %c0_i32_0 = arith.constant 0 : i32
    %c0_i32_1 = arith.constant 0 : i32
    return %c0_i32, %c0_i32_0 : i32, i32
  }
  func.func @transform_13(%arg0: i32) -> (i32, i32) {
    %c0_i32 = arith.constant 0 : i32
    %c0_i32_0 = arith.constant 0 : i32
    return %arg0, %c0_i32 : i32, i32
  }
  func.func @transform_14(%arg0: i32) -> (i32, i32) {
    %c0_i32 = arith.constant 0 : i32
    %c0_i32_0 = arith.constant 0 : i32
    return %arg0, %c0_i32 : i32, i32
  }
  func.func @transform_15(%arg0: i32) -> (i32, i32) {
    %c0_i32 = arith.constant 0 : i32
    %c0_i32_0 = arith.constant 0 : i32
    return %arg0, %c0_i32 : i32, i32
  }
  func.func @transform_16(%arg0: i32) -> (i32, i32) {
    %c0_i32 = arith.constant 0 : i32
    %c0_i32_0 = arith.constant 0 : i32
    return %arg0, %c0_i32 : i32, i32
  }
}

module attributes {stable_mosaic.version = 14 : i64} {
  func.func @_tcb1_body(%arg0: i32, %arg1: memref<1024x144xf32, #tpu.memory_space<vmem>>, %arg2: memref<1024x144xf32, #tpu.memory_space<vmem>>, %arg3: memref<128x128xf32, #tpu.memory_space<vmem>>, %arg4: memref<1x128xf32, #tpu.memory_space<vmem>>, %arg5: memref<8x128xf32, #tpu.memory_space<vmem>>, %arg6: memref<1024x128xf32, #tpu.memory_space<vmem>>, %arg7: memref<1024x128xf32, #tpu.memory_space<vmem>>, %arg8: memref<1x128xf32, #tpu.memory_space<vmem>>, %arg9: memref<1x128xf32, #tpu.memory_space<vmem>>) attributes {dimension_semantics = [#tpu.dimension_semantics<arbitrary>], iteration_bounds = array<i64: 10>, scalar_prefetch = 0 : i64, scratch_operands = 0 : i64, tpu.core_type = #tpu.core_type<tc>, window_params = [{transform_indices = @transform_0, window_bounds = array<i64: 1024, 144>}, {transform_indices = @transform_1, window_bounds = array<i64: 1024, 144>}, {pipeline_mode = #tpu.pipeline_mode<synchronous>, transform_indices = @transform_2, window_bounds = array<i64: 128, 128>}, {pipeline_mode = #tpu.pipeline_mode<synchronous>, transform_indices = @transform_3, window_bounds = array<i64: 1, 128>}, {pipeline_mode = #tpu.pipeline_mode<synchronous>, transform_indices = @transform_4, window_bounds = array<i64: 8, 128>}, {transform_indices = @transform_5, window_bounds = array<i64: 1024, 128>}, {transform_indices = @transform_6, window_bounds = array<i64: 1024, 128>}, {pipeline_mode = #tpu.pipeline_mode<synchronous>, transform_indices = @transform_7, window_bounds = array<i64: 1, 128>}, {pipeline_mode = #tpu.pipeline_mode<synchronous>, transform_indices = @transform_8, window_bounds = array<i64: 1, 128>}]} {
    %mul3A = arith.constant 1024 : i32
    %mul3A_0 = arith.muli %arg0, %mul3A : i32
    %iota3A = tpu.iota {dimensions = array<i32: 0>} : vector<1024x1xi32>
    %add3A = vector.broadcast %mul3A_0 : i32 to vector<1024x1xi32>
    %add3A_1 = arith.addi %add3A, %iota3A : vector<1024x1xi32>
    %lt3A = arith.constant 10000 : i32
    %lt3A_2 = vector.broadcast %lt3A : i32 to vector<1024x1xi32>
    %lt3A_3 = arith.cmpi slt, %add3A_1, %lt3A_2 : vector<1024x1xi32>
    %get3A = arith.constant 0 : index
    %get3A_4 = arith.constant 0 : index
    %get3A_5 = vector.load %arg1[%get3A, %get3A_4] : memref<1024x144xf32, #tpu.memory_space<vmem>>, vector<1024x128xf32>
    %get3A_6 = arith.constant 0 : index
    %get3A_7 = arith.constant 128 : index
    %get3A_8 = vector.load %arg1[%get3A_6, %get3A_7] : memref<1024x144xf32, #tpu.memory_space<vmem>>, vector<1024x8xf32>
    %get3A_9 = arith.constant 0 : index
    %get3A_10 = arith.constant 0 : index
    %get3A_11 = vector.load %arg5[%get3A_9, %get3A_10] : memref<8x128xf32, #tpu.memory_space<vmem>>, vector<8x128xf32>
    %dot_general3A = arith.constant dense<0.000000e+00> : vector<1024x128xf32>
    %dot_general3A_12 = tpu.matmul %get3A_8, %get3A_11, %dot_general3A {dimension_numbers = #tpu.dot_dimension_numbers<[1], [0], [0], [1], [0, 0, 1, 1], [], []>, transpose_lhs_hint = false} : vector<1024x8xf32>, vector<8x128xf32>, vector<1024x128xf32> -> vector<1024x128xf32>
    %add3A_13 = arith.constant 1.000000e-16 : f32
    %add3A_14 = vector.broadcast %add3A_13 : f32 to vector<1024x128xf32>
    %add3A_15 = arith.addf %dot_general3A_12, %add3A_14 : vector<1024x128xf32>
    %div3A = arith.divf %get3A_5, %add3A_15 : vector<1024x128xf32>
    %max3A = arith.constant 0.000000e+00 : f32
    %max3A_16 = vector.broadcast %max3A : f32 to vector<1024x128xf32>
    %max3A_17 = arith.maximumf %div3A, %max3A_16 : vector<1024x128xf32>
    %swap3A = arith.constant 0 : index
    %swap3A_18 = arith.constant 0 : index
    %swap3A_19 = vector.load %arg6[%swap3A, %swap3A_18] : memref<1024x128xf32, #tpu.memory_space<vmem>>, vector<1024x128xf32>
    tpu.vector_store %arg6[%swap3A, %swap3A_18], %max3A_17 {strides = array<i32>} : memref<1024x128xf32, #tpu.memory_space<vmem>>, vector<1024x128xf32>,
    %get3A_20 = arith.constant 0 : index
    %get3A_21 = arith.constant 0 : index
    %get3A_22 = vector.load %arg3[%get3A_20, %get3A_21] : memref<128x128xf32, #tpu.memory_space<vmem>>, vector<128x128xf32>
    %dot_general3A_23 = arith.constant dense<0.000000e+00> : vector<1024x128xf32>
    %dot_general3A_24 = tpu.matmul %max3A_17, %get3A_22, %dot_general3A_23 {dimension_numbers = #tpu.dot_dimension_numbers<[1], [0], [0], [1], [0, 0, 1, 1], [], []>, transpose_lhs_hint = false} : vector<1024x128xf32>, vector<128x128xf32>, vector<1024x128xf32> -> vector<1024x128xf32>
    %get3A_25 = arith.constant 0 : index
    %get3A_26 = arith.constant 0 : index
    %get3A_27 = vector.load %arg4[%get3A_25, %get3A_26] : memref<1x128xf32, #tpu.memory_space<vmem>>, vector<1x128xf32>
    %add3A_28 = vector.broadcast %get3A_27 : vector<1x128xf32> to vector<1024x128xf32>
    %add3A_29 = arith.addf %dot_general3A_24, %add3A_28 : vector<1024x128xf32>
    %tanh3A = math.tanh %add3A_29 : vector<1024x128xf32>
    %jit3A = arith.constant 0.000000e+00 : f32
    %broadcast_in_dim3A = vector.shape_cast %lt3A_3 : vector<1024x1xi1> to vector<1024x1xi1>
    %broadcast_in_dim3A_30 = vector.broadcast %broadcast_in_dim3A : vector<1024x1xi1> to vector<1024x128xi1>
    %broadcast_in_dim3A_31 = vector.broadcast %jit3A : f32 to vector<1024x128xf32>
    %select_n3A = arith.select %broadcast_in_dim3A_30, %tanh3A, %broadcast_in_dim3A_31 : vector<1024x128xi1>, vector<1024x128xf32>
    %reduce_sum3A = arith.constant dense<0.000000e+00> : vector<128xf32>
    %reduce_sum3A_32 = vector.multi_reduction <add>, %select_n3A, %reduce_sum3A [0] : vector<1024x128xf32> to vector<128xf32>
    %broadcast_in_dim3A_33 = vector.shape_cast %reduce_sum3A_32 : vector<128xf32> to vector<1x128xf32>
    %eq3A = arith.constant 0 : i32
    %eq3A_34 = arith.cmpi eq, %arg0, %eq3A : i32
    %convert_element_type3A = arith.extui %eq3A_34 : i1 to i32
    %cond3A = arith.constant 0 : i32
    %cond3A_35 = arith.cmpi ne, %convert_element_type3A, %cond3A : i32
    scf.if %cond3A_35 {
      %swap3A_90 = arith.constant 0 : index
      %swap3A_91 = arith.constant 0 : index
      %swap3A_92 = vector.load %arg8[%swap3A_90, %swap3A_91] : memref<1x128xf32, #tpu.memory_space<vmem>>, vector<1x128xf32>
      tpu.vector_store %arg8[%swap3A_90, %swap3A_91], %broadcast_in_dim3A_33 {strides = array<i32>} : memref<1x128xf32, #tpu.memory_space<vmem>>, vector<1x128xf32>,
    } else {
    }
    %ne3A = arith.constant 0 : i32
    %ne3A_36 = arith.cmpi ne, %arg0, %ne3A : i32
    %convert_element_type3A_37 = arith.extui %ne3A_36 : i1 to i32
    %cond3A_38 = arith.constant 0 : i32
    %cond3A_39 = arith.cmpi ne, %convert_element_type3A_37, %cond3A_38 : i32
    scf.if %cond3A_39 {
      %get3A_90 = arith.constant 0 : index
      %get3A_91 = arith.constant 0 : index
      %get3A_92 = vector.load %arg8[%get3A_90, %get3A_91] : memref<1x128xf32, #tpu.memory_space<vmem>>, vector<1x128xf32>
      %add3A_93 = arith.addf %get3A_92, %broadcast_in_dim3A_33 : vector<1x128xf32>
      %swap3A_94 = arith.constant 0 : index
      %swap3A_95 = arith.constant 0 : index
      %swap3A_96 = vector.load %arg8[%swap3A_94, %swap3A_95] : memref<1x128xf32, #tpu.memory_space<vmem>>, vector<1x128xf32>
      tpu.vector_store %arg8[%swap3A_94, %swap3A_95], %add3A_93 {strides = array<i32>} : memref<1x128xf32, #tpu.memory_space<vmem>>, vector<1x128xf32>,
    } else {
    }
    %get3A_40 = arith.constant 0 : index
    %get3A_41 = arith.constant 0 : index
    %get3A_42 = vector.load %arg2[%get3A_40, %get3A_41] : memref<1024x144xf32, #tpu.memory_space<vmem>>, vector<1024x128xf32>
    %get3A_43 = arith.constant 0 : index
    %get3A_44 = arith.constant 128 : index
    %get3A_45 = vector.load %arg2[%get3A_43, %get3A_44] : memref<1024x144xf32, #tpu.memory_space<vmem>>, vector<1024x8xf32>
    %get3A_46 = arith.constant 0 : index
    %get3A_47 = arith.constant 0 : index
    %get3A_48 = vector.load %arg5[%get3A_46, %get3A_47] : memref<8x128xf32, #tpu.memory_space<vmem>>, vector<8x128xf32>
    %dot_general3A_49 = arith.constant dense<0.000000e+00> : vector<1024x128xf32>
    %dot_general3A_50 = tpu.matmul %get3A_45, %get3A_48, %dot_general3A_49 {dimension_numbers = #tpu.dot_dimension_numbers<[1], [0], [0], [1], [0, 0, 1, 1], [], []>, transpose_lhs_hint = false} : vector<1024x8xf32>, vector<8x128xf32>, vector<1024x128xf32> -> vector<1024x128xf32>
    %add3A_51 = arith.constant 1.000000e-16 : f32
    %add3A_52 = vector.broadcast %add3A_51 : f32 to vector<1024x128xf32>
    %add3A_53 = arith.addf %dot_general3A_50, %add3A_52 : vector<1024x128xf32>
    %div3A_54 = arith.divf %get3A_42, %add3A_53 : vector<1024x128xf32>
    %max3A_55 = arith.constant 0.000000e+00 : f32
    %max3A_56 = vector.broadcast %max3A_55 : f32 to vector<1024x128xf32>
    %max3A_57 = arith.maximumf %div3A_54, %max3A_56 : vector<1024x128xf32>
    %swap3A_58 = arith.constant 0 : index
    %swap3A_59 = arith.constant 0 : index
    %swap3A_60 = vector.load %arg7[%swap3A_58, %swap3A_59] : memref<1024x128xf32, #tpu.memory_space<vmem>>, vector<1024x128xf32>
    tpu.vector_store %arg7[%swap3A_58, %swap3A_59], %max3A_57 {strides = array<i32>} : memref<1024x128xf32, #tpu.memory_space<vmem>>, vector<1024x128xf32>,
    %get3A_61 = arith.constant 0 : index
    %get3A_62 = arith.constant 0 : index
    %get3A_63 = vector.load %arg3[%get3A_61, %get3A_62] : memref<128x128xf32, #tpu.memory_space<vmem>>, vector<128x128xf32>
    %dot_general3A_64 = arith.constant dense<0.000000e+00> : vector<1024x128xf32>
    %dot_general3A_65 = tpu.matmul %max3A_57, %get3A_63, %dot_general3A_64 {dimension_numbers = #tpu.dot_dimension_numbers<[1], [0], [0], [1], [0, 0, 1, 1], [], []>, transpose_lhs_hint = false} : vector<1024x128xf32>, vector<128x128xf32>, vector<1024x128xf32> -> vector<1024x128xf32>
    %get3A_66 = arith.constant 0 : index
    %get3A_67 = arith.constant 0 : index
    %get3A_68 = vector.load %arg4[%get3A_66, %get3A_67] : memref<1x128xf32, #tpu.memory_space<vmem>>, vector<1x128xf32>
    %add3A_69 = vector.broadcast %get3A_68 : vector<1x128xf32> to vector<1024x128xf32>
    %add3A_70 = arith.addf %dot_general3A_65, %add3A_69 : vector<1024x128xf32>
    %tanh3A_71 = math.tanh %add3A_70 : vector<1024x128xf32>
    %jit3A_72 = arith.constant 0.000000e+00 : f32
    %broadcast_in_dim3A_73 = vector.shape_cast %lt3A_3 : vector<1024x1xi1> to vector<1024x1xi1>
    %broadcast_in_dim3A_74 = vector.broadcast %broadcast_in_dim3A_73 : vector<1024x1xi1> to vector<1024x128xi1>
    %broadcast_in_dim3A_75 = vector.broadcast %jit3A_72 : f32 to vector<1024x128xf32>
    %select_n3A_76 = arith.select %broadcast_in_dim3A_74, %tanh3A_71, %broadcast_in_dim3A_75 : vector<1024x128xi1>, vector<1024x128xf32>
    %reduce_sum3A_77 = arith.constant dense<0.000000e+00> : vector<128xf32>
    %reduce_sum3A_78 = vector.multi_reduction <add>, %select_n3A_76, %reduce_sum3A_77 [0] : vector<1024x128xf32> to vector<128xf32>
    %broadcast_in_dim3A_79 = vector.shape_cast %reduce_sum3A_78 : vector<128xf32> to vector<1x128xf32>
    %eq3A_80 = arith.constant 0 : i32
    %eq3A_81 = arith.cmpi eq, %arg0, %eq3A_80 : i32
    %convert_element_type3A_82 = arith.extui %eq3A_81 : i1 to i32
    %cond3A_83 = arith.constant 0 : i32
    %cond3A_84 = arith.cmpi ne, %convert_element_type3A_82, %cond3A_83 : i32
    scf.if %cond3A_84 {
      %swap3A_90 = arith.constant 0 : index
      %swap3A_91 = arith.constant 0 : index
      %swap3A_92 = vector.load %arg9[%swap3A_90, %swap3A_91] : memref<1x128xf32, #tpu.memory_space<vmem>>, vector<1x128xf32>
      tpu.vector_store %arg9[%swap3A_90, %swap3A_91], %broadcast_in_dim3A_79 {strides = array<i32>} : memref<1x128xf32, #tpu.memory_space<vmem>>, vector<1x128xf32>,
    } else {
    }
    %ne3A_85 = arith.constant 0 : i32
    %ne3A_86 = arith.cmpi ne, %arg0, %ne3A_85 : i32
    %convert_element_type3A_87 = arith.extui %ne3A_86 : i1 to i32
    %cond3A_88 = arith.constant 0 : i32
    %cond3A_89 = arith.cmpi ne, %convert_element_type3A_87, %cond3A_88 : i32
    scf.if %cond3A_89 {
      %get3A_90 = arith.constant 0 : index
      %get3A_91 = arith.constant 0 : index
      %get3A_92 = vector.load %arg9[%get3A_90, %get3A_91] : memref<1x128xf32, #tpu.memory_space<vmem>>, vector<1x128xf32>
      %add3A_93 = arith.addf %get3A_92, %broadcast_in_dim3A_79 : vector<1x128xf32>
      %swap3A_94 = arith.constant 0 : index
      %swap3A_95 = arith.constant 0 : index
      %swap3A_96 = vector.load %arg9[%swap3A_94, %swap3A_95] : memref<1x128xf32, #tpu.memory_space<vmem>>, vector<1x128xf32>
      tpu.vector_store %arg9[%swap3A_94, %swap3A_95], %add3A_93 {strides = array<i32>} : memref<1x128xf32, #tpu.memory_space<vmem>>, vector<1x128xf32>,
    } else {
    }
    return
  }
  func.func @transform_0(%arg0: i32) -> (i32, i32) {
    %c0_i32 = arith.constant 0 : i32
    %c0_i32_0 = arith.constant 0 : i32
    return %arg0, %c0_i32 : i32, i32
  }
  func.func @transform_1(%arg0: i32) -> (i32, i32) {
    %c0_i32 = arith.constant 0 : i32
    %c0_i32_0 = arith.constant 0 : i32
    return %arg0, %c0_i32 : i32, i32
  }
  func.func @transform_2(%arg0: i32) -> (i32, i32) {
    %c0_i32 = arith.constant 0 : i32
    %c0_i32_0 = arith.constant 0 : i32
    %c0_i32_1 = arith.constant 0 : i32
    return %c0_i32, %c0_i32_0 : i32, i32
  }
  func.func @transform_3(%arg0: i32) -> (i32, i32) {
    %c0_i32 = arith.constant 0 : i32
    %c0_i32_0 = arith.constant 0 : i32
    %c0_i32_1 = arith.constant 0 : i32
    return %c0_i32, %c0_i32_0 : i32, i32
  }
  func.func @transform_4(%arg0: i32) -> (i32, i32) {
    %c0_i32 = arith.constant 0 : i32
    %c0_i32_0 = arith.constant 0 : i32
    %c0_i32_1 = arith.constant 0 : i32
    return %c0_i32, %c0_i32_0 : i32, i32
  }
  func.func @transform_5(%arg0: i32) -> (i32, i32) {
    %c0_i32 = arith.constant 0 : i32
    %c0_i32_0 = arith.constant 0 : i32
    return %arg0, %c0_i32 : i32, i32
  }
  func.func @transform_6(%arg0: i32) -> (i32, i32) {
    %c0_i32 = arith.constant 0 : i32
    %c0_i32_0 = arith.constant 0 : i32
    return %arg0, %c0_i32 : i32, i32
  }
  func.func @transform_7(%arg0: i32) -> (i32, i32) {
    %c0_i32 = arith.constant 0 : i32
    %c0_i32_0 = arith.constant 0 : i32
    %c0_i32_1 = arith.constant 0 : i32
    return %c0_i32, %c0_i32_0 : i32, i32
  }
  func.func @transform_8(%arg0: i32) -> (i32, i32) {
    %c0_i32 = arith.constant 0 : i32
    %c0_i32_0 = arith.constant 0 : i32
    %c0_i32_1 = arith.constant 0 : i32
    return %c0_i32, %c0_i32_0 : i32, i32
  }
}

module attributes {stable_mosaic.version = 14 : i64} {
  func.func @_tcb2_body(%arg0: i32, %arg1: memref<1024x128xf32, #tpu.memory_space<vmem>>, %arg2: memref<1024x128xf32, #tpu.memory_space<vmem>>, %arg3: memref<1x128xf32, #tpu.memory_space<vmem>>, %arg4: memref<1x128xf32, #tpu.memory_space<vmem>>, %arg5: memref<1x128xf32, #tpu.memory_space<vmem>>, %arg6: memref<128x16xf32, #tpu.memory_space<vmem>>, %arg7: memref<1x16xf32, #tpu.memory_space<vmem>>, %arg8: memref<1024x16xf32, #tpu.memory_space<vmem>>) attributes {dimension_semantics = [#tpu.dimension_semantics<arbitrary>], iteration_bounds = array<i64: 10>, scalar_prefetch = 0 : i64, scratch_operands = 0 : i64, tpu.core_type = #tpu.core_type<tc>, window_params = [{transform_indices = @transform_0, window_bounds = array<i64: 1024, 128>}, {transform_indices = @transform_1, window_bounds = array<i64: 1024, 128>}, {pipeline_mode = #tpu.pipeline_mode<synchronous>, transform_indices = @transform_2, window_bounds = array<i64: 1, 128>}, {pipeline_mode = #tpu.pipeline_mode<synchronous>, transform_indices = @transform_3, window_bounds = array<i64: 1, 128>}, {pipeline_mode = #tpu.pipeline_mode<synchronous>, transform_indices = @transform_4, window_bounds = array<i64: 1, 128>}, {pipeline_mode = #tpu.pipeline_mode<synchronous>, transform_indices = @transform_5, window_bounds = array<i64: 128, 16>}, {pipeline_mode = #tpu.pipeline_mode<synchronous>, transform_indices = @transform_6, window_bounds = array<i64: 1, 16>}, {transform_indices = @transform_7, window_bounds = array<i64: 1024, 16>}]} {
    %get3A = arith.constant 0 : index
    %get3A_0 = arith.constant 0 : index
    %get3A_1 = vector.load %arg3[%get3A, %get3A_0] : memref<1x128xf32, #tpu.memory_space<vmem>>, vector<1x128xf32>
    %get3A_2 = arith.constant 0 : index
    %get3A_3 = arith.constant 0 : index
    %get3A_4 = vector.load %arg5[%get3A_2, %get3A_3] : memref<1x128xf32, #tpu.memory_space<vmem>>, vector<1x128xf32>
    %mul3A = arith.mulf %get3A_1, %get3A_4 : vector<1x128xf32>
    %reduce_sum3A = vector.shape_cast %mul3A : vector<1x128xf32> to vector<1x1x128xf32>
    %reduce_sum3A_5 = arith.constant dense<0.000000e+00> : vector<1xf32>
    %reduce_sum3A_6 = vector.multi_reduction <add>, %reduce_sum3A, %reduce_sum3A_5 [1, 2] : vector<1x1x128xf32> to vector<1xf32>
    %reduce_sum3A_7 = vector.shape_cast %reduce_sum3A_6 : vector<1xf32> to vector<1x1x1xf32>
    %reduce_sum3A_8 = vector.extract %reduce_sum3A_7[0, 0, 0] : f32 from vector<1x1x1xf32>
    %div3A = arith.constant 1.000000e+04 : f32
    %div3A_9 = arith.divf %reduce_sum3A_8, %div3A : f32
    %get3A_10 = arith.constant 0 : index
    %get3A_11 = arith.constant 0 : index
    %get3A_12 = vector.load %arg4[%get3A_10, %get3A_11] : memref<1x128xf32, #tpu.memory_space<vmem>>, vector<1x128xf32>
    %get3A_13 = arith.constant 0 : index
    %get3A_14 = arith.constant 0 : index
    %get3A_15 = vector.load %arg5[%get3A_13, %get3A_14] : memref<1x128xf32, #tpu.memory_space<vmem>>, vector<1x128xf32>
    %mul3A_16 = arith.mulf %get3A_12, %get3A_15 : vector<1x128xf32>
    %reduce_sum3A_17 = vector.shape_cast %mul3A_16 : vector<1x128xf32> to vector<1x1x128xf32>
    %reduce_sum3A_18 = arith.constant dense<0.000000e+00> : vector<1xf32>
    %reduce_sum3A_19 = vector.multi_reduction <add>, %reduce_sum3A_17, %reduce_sum3A_18 [1, 2] : vector<1x1x128xf32> to vector<1xf32>
    %reduce_sum3A_20 = vector.shape_cast %reduce_sum3A_19 : vector<1xf32> to vector<1x1x1xf32>
    %reduce_sum3A_21 = vector.extract %reduce_sum3A_20[0, 0, 0] : f32 from vector<1x1x1xf32>
    %div3A_22 = arith.constant 1.000000e+04 : f32
    %div3A_23 = arith.divf %reduce_sum3A_21, %div3A_22 : f32
    %max3A = arith.maximumf %div3A_9, %div3A_23 : f32
    %sub3A = arith.subf %div3A_9, %max3A : f32
    %exp3A = math.exp %sub3A : f32
    %sub3A_24 = arith.subf %div3A_23, %max3A : f32
    %exp3A_25 = math.exp %sub3A_24 : f32
    %add3A = arith.addf %exp3A, %exp3A_25 : f32
    %div3A_26 = arith.divf %exp3A, %add3A : f32
    %add3A_27 = arith.addf %exp3A, %exp3A_25 : f32
    %div3A_28 = arith.divf %exp3A_25, %add3A_27 : f32
    %get3A_29 = arith.constant 0 : index
    %get3A_30 = arith.constant 0 : index
    %get3A_31 = vector.load %arg1[%get3A_29, %get3A_30] : memref<1024x128xf32, #tpu.memory_space<vmem>>, vector<1024x128xf32>
    %mul3A_32 = vector.broadcast %div3A_26 : f32 to vector<1024x128xf32>
    %mul3A_33 = arith.mulf %mul3A_32, %get3A_31 : vector<1024x128xf32>
    %get3A_34 = arith.constant 0 : index
    %get3A_35 = arith.constant 0 : index
    %get3A_36 = vector.load %arg2[%get3A_34, %get3A_35] : memref<1024x128xf32, #tpu.memory_space<vmem>>, vector<1024x128xf32>
    %mul3A_37 = vector.broadcast %div3A_28 : f32 to vector<1024x128xf32>
    %mul3A_38 = arith.mulf %mul3A_37, %get3A_36 : vector<1024x128xf32>
    %add3A_39 = arith.addf %mul3A_33, %mul3A_38 : vector<1024x128xf32>
    %get3A_40 = arith.constant 0 : index
    %get3A_41 = arith.constant 0 : index
    %get3A_42 = vector.load %arg6[%get3A_40, %get3A_41] : memref<128x16xf32, #tpu.memory_space<vmem>>, vector<128x16xf32>
    %dot_general3A = arith.constant dense<0.000000e+00> : vector<1024x16xf32>
    %dot_general3A_43 = tpu.matmul %add3A_39, %get3A_42, %dot_general3A {dimension_numbers = #tpu.dot_dimension_numbers<[1], [0], [0], [1], [0, 0, 1, 1], [], []>, transpose_lhs_hint = false} : vector<1024x128xf32>, vector<128x16xf32>, vector<1024x16xf32> -> vector<1024x16xf32>
    %get3A_44 = arith.constant 0 : index
    %get3A_45 = arith.constant 0 : index
    %get3A_46 = vector.load %arg7[%get3A_44, %get3A_45] : memref<1x16xf32, #tpu.memory_space<vmem>>, vector<1x16xf32>
    %add3A_47 = vector.broadcast %get3A_46 : vector<1x16xf32> to vector<1024x16xf32>
    %add3A_48 = arith.addf %dot_general3A_43, %add3A_47 : vector<1024x16xf32>
    %swap3A = arith.constant 0 : index
    %swap3A_49 = arith.constant 0 : index
    %swap3A_50 = vector.load %arg8[%swap3A, %swap3A_49] : memref<1024x16xf32, #tpu.memory_space<vmem>>, vector<1024x16xf32>
    tpu.vector_store %arg8[%swap3A, %swap3A_49], %add3A_48 {strides = array<i32>} : memref<1024x16xf32, #tpu.memory_space<vmem>>, vector<1024x16xf32>,
    return
  }
  func.func @transform_0(%arg0: i32) -> (i32, i32) {
    %c0_i32 = arith.constant 0 : i32
    %c0_i32_0 = arith.constant 0 : i32
    return %arg0, %c0_i32 : i32, i32
  }
  func.func @transform_1(%arg0: i32) -> (i32, i32) {
    %c0_i32 = arith.constant 0 : i32
    %c0_i32_0 = arith.constant 0 : i32
    return %arg0, %c0_i32 : i32, i32
  }
  func.func @transform_2(%arg0: i32) -> (i32, i32) {
    %c0_i32 = arith.constant 0 : i32
    %c0_i32_0 = arith.constant 0 : i32
    %c0_i32_1 = arith.constant 0 : i32
    return %c0_i32, %c0_i32_0 : i32, i32
  }
  func.func @transform_3(%arg0: i32) -> (i32, i32) {
    %c0_i32 = arith.constant 0 : i32
    %c0_i32_0 = arith.constant 0 : i32
    %c0_i32_1 = arith.constant 0 : i32
    return %c0_i32, %c0_i32_0 : i32, i32
  }
  func.func @transform_4(%arg0: i32) -> (i32, i32) {
    %c0_i32 = arith.constant 0 : i32
    %c0_i32_0 = arith.constant 0 : i32
    %c0_i32_1 = arith.constant 0 : i32
    return %c0_i32, %c0_i32_0 : i32, i32
  }
  func.func @transform_5(%arg0: i32) -> (i32, i32) {
    %c0_i32 = arith.constant 0 : i32
    %c0_i32_0 = arith.constant 0 : i32
    %c0_i32_1 = arith.constant 0 : i32
    return %c0_i32, %c0_i32_0 : i32, i32
  }
  func.func @transform_6(%arg0: i32) -> (i32, i32) {
    %c0_i32 = arith.constant 0 : i32
    %c0_i32_0 = arith.constant 0 : i32
    %c0_i32_1 = arith.constant 0 : i32
    return %c0_i32, %c0_i32_0 : i32, i32
  }
  func.func @transform_7(%arg0: i32) -> (i32, i32) {
    %c0_i32 = arith.constant 0 : i32
    %c0_i32_0 = arith.constant 0 : i32
    return %arg0, %c0_i32 : i32, i32
  }
}

</mosaic_0001>

<sc_bundles>
// kernel: kernel.6.cloned.1.call-start
scs
__scs_entry_jumppad:
0x0: {  	(pc) =	sbr.rel $0x88, $3  }
0x1: {  	(tag) =	ssettag $0x0;
	lr =	simm.s32 $0x1  }
0x2: {  	[smem:$0x3F8D] =	sst lr;
	_ =	strace $0xD0000000  }
0x3: {  	_ = 	snop  }
0x4: {  	_ = 	snop  }
0x5: {  	_ = 	snop  }
0x6: {  	_ = 	snop  }
0x7: {  	_ = 	snop  }
__scs_overlays_trampoline_lowered:
0x8: {  	[smem:$0x3F9C] =	sst s0  }
0x9: {  	[smem:$0x3F9D] =	sst s1  }
0xa: {  	[smem:$0x3F9E] =	sst s2  }
0xb: {  	[smem:$0x3F9F] =	sst s3  }
0xc: {  	[smem:$0x3FA0] =	sst s4  }
0xd: {  	[smem:$0x3FA1] =	sst s5  }
0xe: {  	[smem:$0x3FA2] =	sst s6  }
0xf: {  	[smem:$0x3FA3] =	sst s7  }
0x10: {  	[smem:$0x3FA4] =	sst s8  }
0x11: {  	[smem:$0x3FA5] =	sst s9;
	s0 =	simm.s32 @!p0 $0x0  }
0x12: {  	s1 =	sld [smem:$0x3F8B];
	s0 =	simm.s32 @p0 $0x1  }
0x13: {  	[smem:$0x3FA6] =	sst s0;
	s0 =	simm.s32 @!p1 $0x0  }
0x14: {  	s2 =	sld [smem:$0x3F8A];
	s0 =	simm.s32 @p1 $0x1  }
0x15: {  	[smem:$0x3FA7] =	sst s0;
	s0 =	simm.s32 @!p2 $0x0  }
0x16: {  	s3 =	sld [smem:$0x3FDB];
	s0 =	simm.s32 @p2 $0x1  }
0x17: {  	s4 =	simm.s32 $0x1BF5;
	[smem:$0x3FA9] =	sst s0  }
0x18: {  	s0 =	sld [smem:$0x3F8C];
	_ =	swait.ge [sflag:s4], $0x0  }
0x19: {  	s7 =	sld [smem:$0x3F8D]  }
0x1a: {  	s8 =	sadd.s32 $0xFFFFE003, lr  }
0x1b: {  	s9 =	sadd.s32 $0xFFFFFEF7, lr;
	s5 =	simm.s32 $0xFFFFFFFF;
	p2 =	slt.u32 s8, $0xFFFFF086  }
0x1c: {  	p1 =	slt.u32 s9, $0xF7A;
	s5 =	simm.s32 @!p2 $0x0  }
0x1d: {  	s5 =	simm.s32 @p1 $0x1;
	p0 =	seq.s32 s7, s2  }
0x1e: {  	s7 =	smul.u32 @!p0 $0xF7A, s2;
	p2 =	seq.s32 @!p0 s5, $0x0  }
0x1f: {  	s9 =	smul.u32 $0xF7A, s1;
	s8 =	simm.s32 @!p0 $0x1BF5;
	p2 =	por !p2, p0  }
0x20: {  	[sflag:s8] =	ssyncset.s32 @!p0 $0xFFFFF086;
	s6 =	sadd.s32 @!p0 s3, s7;
	s7 =	simm.s32 @!p0 $0x108  }
0x21: {  	s3 =	sadd.s32 s3, s9;
	s6 =	sadd.s32 @!p0 $0x88, s6;
	s7 =	simm.s32 @p2 $0x1082  }
0x22: {  	[simem:s7], [sflag:s8] =	dma.local @!p0 [hbm:s6], $0xF7A  }
0x23: {  	s9 =	sor.u32 $0xD0000000, s2;
	s6 =	simm.s32 $0x108;
	_ =	swait.ge @!p0 [sflag:s8], $0x0  }
0x24: {  	s3 =	sadd.s32 $0x88, s3;
	s6 =	simm.s32 @!p1 $0x1082;
	[sflag:s4] =	ssyncset.s32 $0xFFFFF086  }
0x25: {  	[simem:s6], [sflag:s4] =	dma.local [hbm:s3], $0xF7A  }
0x26: {  	[smem:$0x3F8D] =	sst s1;
	(tag) =	ssettag s2;
	_ =	strace s9  }
0x27: {  	s1 =	sld [smem:$0x3F9D]  }
0x28: {  	s2 =	sld [smem:$0x3F9E]  }
0x29: {  	s4 =	sld [smem:$0x3FA0]  }
0x2a: {  	p0 =	seq.s32 s5, $0x0;
	s5 =	sld [smem:$0x3FA1]  }
0x2b: {  	s6 =	sld [smem:$0x3FA2]  }
0x2c: {  	s7 =	sld [smem:$0x3FA3]  }
0x2d: {  	s3 =	simm.s32 $0x108;
	s8 =	sld [smem:$0x3FA4]  }
0x2e: {  	s3 =	simm.s32 @!p0 $0x1082;
	s9 =	sld [smem:$0x3FA5]  }
0x2f: {  	lr =	sadd.s32 s0, s3;
	s0 =	sld [smem:$0x3F9C]  }
0x30: {  	s3 =	sld [smem:$0x3F9F]  }
0x31: {  	[smem:$0x3FA8] =	sst s10  }
0x32: {  	s10 =	sld [smem:$0x3FA6];
	_ =	sdelay $0x3  }
0x33: {  	p0 =	seq.s32 s10, $0x1;
	s10 =	sld [smem:$0x3FA8];
	_ =	sdelay $0x3  }
0x34: {  	[smem:$0x3FA8] =	sst s10  }
0x35: {  	s10 =	sld [smem:$0x3FA7];
	_ =	sdelay $0x3  }
0x36: {  	p1 =	seq.s32 s10, $0x1;
	s10 =	sld [smem:$0x3FA8];
	_ =	sdelay $0x3  }
0x37: {  	[smem:$0x3FA8] =	sst s10  }
0x38: {  	s10 =	sld [smem:$0x3FA9]  }
0x39: {  	_ = 	snop;
	(pc) =	sbr.ind lr, $3  }
0x3a: {  	_ = 	snop  }
0x3b: {  	_ = 	snop  }
0x3c: {  	p2 =	seq.s32 s10, $0x1;
	s10 =	sld [smem:$0x3FA8]  }
0x3d: {  	_ =	shalt  }
0x3e: {  	_ =	shalt  }
0x3f: {  	_ =	shalt  }
0x40: {  	_ =	shalt  }
0x41: {  	_ =	shalt  }
0x42: {  	_ =	shalt  }
0x43: {  	_ =	shalt  }
0x44: {  	_ =	shalt  }
0x45: {  	_ =	shalt  }
0x46: {  	_ =	shalt  }
0x47: {  	_ =	shalt  }
0x48: {  	_ =	shalt  }
0x49: {  	_ =	shalt  }
0x4a: {  	_ =	shalt  }
0x4b: {  	_ =	shalt  }
0x4c: {  	_ =	shalt  }
0x4d: {  	_ =	shalt  }
0x4e: {  	_ =	shalt  }
0x4f: {  	_ =	shalt  }
0x50: {  	_ =	shalt  }
0x51: {  	_ =	shalt  }
0x52: {  	_ =	shalt  }
0x53: {  	_ =	shalt  }
0x54: {  	_ =	shalt  }
0x55: {  	_ =	shalt  }
0x56: {  	_ =	shalt  }
0x57: {  	_ =	shalt  }
0x58: {  	_ =	shalt  }
0x59: {  	_ =	shalt  }
0x5a: {  	_ =	shalt  }
0x5b: {  	_ =	shalt  }
0x5c: {  	_ =	shalt  }
0x5d: {  	_ =	shalt  }
0x5e: {  	_ =	shalt  }
0x5f: {  	_ =	shalt  }
0x60: {  	_ =	shalt  }
0x61: {  	_ =	shalt  }
0x62: {  	_ =	shalt  }
0x63: {  	_ =	shalt  }
0x64: {  	_ =	shalt  }
0x65: {  	_ =	shalt  }
0x66: {  	_ =	shalt  }
0x67: {  	_ =	shalt  }
0x68: {  	_ =	shalt  }
0x69: {  	_ =	shalt  }
0x6a: {  	_ =	shalt  }
0x6b: {  	_ =	shalt  }
0x6c: {  	_ =	shalt  }
0x6d: {  	_ =	shalt  }
0x6e: {  	_ =	shalt  }
0x6f: {  	_ =	shalt  }
0x70: {  	_ =	shalt  }
0x71: {  	_ =	shalt  }
0x72: {  	_ =	shalt  }
0x73: {  	_ =	shalt  }
0x74: {  	_ =	shalt  }
0x75: {  	_ =	shalt  }
0x76: {  	_ =	shalt  }
0x77: {  	_ =	shalt  }
0x78: {  	_ =	shalt  }
0x79: {  	_ =	shalt  }
0x7a: {  	_ =	shalt  }
0x7b: {  	_ =	shalt  }
0x7c: {  	_ =	shalt  }
0x7d: {  	_ =	shalt  }
0x7e: {  	_ =	shalt  }
0x7f: {  	_ =	shalt  }
0x80: {  	_ =	shalt  }
0x81: {  	_ =	shalt  }
0x82: {  	_ =	shalt  }
0x83: {  	_ =	shalt  }
0x84: {  	_ =	shalt  }
0x85: {  	_ =	shalt  }
0x86: {  	_ =	shalt  }
0x87: {  	_ =	shalt  }
.Lfunc_end0:
.L_simem_size_0:
called_computation_lowered:
.L_overlay_start_0:
0x88: {  	s2 =	sld [smem:$0x3FD9]  }
0x89: {  	s3 =	sld [smem:$0x3FFE];
	_ =	sdelay $0x1  }
0x8a: {  	s1 =	srdreg.scid  }
0x8b: {  	s0 =	sand.u32 $0x1, s1  }
0x8c: {  	s17 =	sshll.u32 s0, $0xA;
	s2 =	sadd.s32 s3, s2  }
0x8d: {  	s2 =	sadd.s32 s2, s17  }
0x8e: {  	[smem:$0x3FB4] =	sst s2  }
0x8f: {  	_ = 	snop  }
0x90: {  	s2 =	sld [smem:$0x3FD0];
	(tm) =	ssettm $0x1  }
0x91: {  	s18 =	sld [smem:$0x3FFB];
	_ =	sdelay $0x3  }
0x92: {  	_ =	strace s18  }
0x93: {  	s3 =	sld [smem:$0x3FFC];
	_ =	sdelay $0x3  }
0x94: {  	_ =	strace s3  }
0x95: {  	s3 =	sld [smem:$0x3FFD];
	_ =	sdelay $0x3  }
0x96: {  	_ =	strace s3  }
0x97: {  	_ =	strace $0x8FFFFFFF  }
0x98: {  	s19 =	sld [smem:$0x3FDB];
	_ =	sdelay $0x1  }
0x99: {  	s4 =	simm.s32 $_scs_section_size  }
0x9a: {  	s5 =	simm.s32 $_size__tile_overlayer_lowered;
	s6 =	simm.s32 $_tile_overlayer_lowered  }
0x9b: {  	s22 =	simm.s32 $0x1BFF;
	s21 =	sshll.u32 s6, $0x1;
	s3 =	sadd.s32 s4, s19  }
0x9c: {  	s7 =	simm.s32 $0x0;
	s20 =	sshll.u32 s5, $0x1;
	s5 =	sadd.s32 s21, s3  }
0x9d: {  	[timem:s7], [sflag:s22] =	dma.local [hbm:s5], s20  }
0x9e: {  	_ =	swait.ge [sflag:s22], s20  }
0x9f: {  	s4 =	ssub.s32 $0x0, s20;
	[sflag:s22] =	ssyncset.done $0x0  }
0xa0: {  	[sflag:s22] =	ssyncadd.s32 s4;
	_ =	sdelay $0x1  }
0xa1: {  	s23 =	simm.s32 $0x1B8B  }
0xa2: {  	_ =	swait.ge [sflag:s23], $0x1  }
0xa3: {  	[sflag:s23] =	ssyncset.done $0x0  }
0xa4: {  	s25 =	simm.s32 $0x1B8E;
	s24 =	sld [smem:$0x3FFE];
	[sflag:s23] =	ssyncadd.s32 $0xFFFFFFFF  }
0xa5: {  	s26 =	simm.s32 $execute0_lowered;
	[smem:$0x3FD2] =	sst s25  }
0xa6: {  	s5 =	sshll.u32 s26, $0x1;
	_ =	strace $0x80000046;
	[dreg:$0x1] =	wrdreg $0xFFFFFFFF  }
0xa7: {  	s28 =	simm.s32 $_size_execute0_lowered;
	s3 =	sadd.s32 s3, s5;
	[dreg:$0x0] =	wrdreg $0x0  }
0xa8: {  	s5 =	sshll.u32 s28, $0x1;
	[dreg:$0x2] =	wrdreg s3  }
0xa9: {  	[dreg:$0x3] =	wrdreg s5  }
0xaa: {  	[dreg:$0x4] =	wrdreg $0xC0  }
0xab: {  	_ =	task [dreg:s7], $0x5FFFF  }
0xac: {  	[dreg:$0x1] =	wrdreg $0xFFFFFFFF  }
0xad: {  	[dreg:$0x0] =	wrdreg $0x60  }
0xae: {  	[dreg:$0x2] =	wrdreg s24  }
0xaf: {  	[dreg:$0x3] =	wrdreg s2  }
0xb0: {  	[dreg:$0x4] =	wrdreg $0x0  }
0xb1: {  	[dreg:$0x5] =	wrdreg $0x9  }
0xb2: {  	_ =	task.clear_ibuf [dreg:s7], $0x6FFFF;
	_ =	strace $0x90000046  }
0xb3: {  	s29 =	simm.s32 $0x9;
	_ =	strace $0x80000048  }
0xb4: {  	_ =	swait.ge [sflag:s29], $0x1  }
0xb5: {  	[sflag:s29] =	ssyncadd.s32 $0xFFFFFFFF  }
0xb6: {  	_ =	strace $0x90000048  }
0xb7: {  	_ =	sfence  }
0xb8: {  	s30 =	sld [smem:$0x0];
	_ =	sdelay $0x2  }
0xb9: {  	s31 =	sshll.u32 s1, $0xD;
	s1 =	sshrl.u32 s1, $0x2  }
0xba: {  	s3 =	sand.u32 $0x4000, s31;
	s1 =	sadd.s32 s1, s30  }
0xbb: {  	s0 =	sor.u32 s3, s0;
	s1 =	sshll.u32 s1, $0x11  }
0xbc: {  	s0 =	sor.u32 s1, s0  }
0xbd: {  	s0 =	sadd.s32 $0x8F2B, s0  }
0xbe: {  	[sflag:s0] =	ssyncadd.remote.s32 $0x1  }
0xbf: {  	_ =	sfence.sel $0xFFFF  }
0xc0: {  	[dreg:$0x0] =	wrdreg $0xFFFFFFFF;
	(pc) =	sbr.abs _section_cstart, $3  }
0xc1: {  	[dreg:$0x1] =	wrdreg $0xFFFFFFFF  }
0xc2: {  	_ =	task.clear_ibuf [dreg:s7], $0x2FFFF;
	_ =	strace $0x9FFFFFFF  }
0xc3: {  	(tm) =	ssettm $0x7FFFFFFF  }
tec
execute0_lowered:
.L_overlay_start_1:
0x0: {  	(tag) =	ssettag $0x1  }
0x1: {  	s0 =	srdreg.scid;
	s25 =	stileid.u32  }
0x2: {  	s2 =	rddreg [dreg:$0x0];
	s1 =	sand.u32 $0x1, s0;
	s3 =	smul.u32 $0x16800, s25  }
0x3: {  	s4 =	sadd.s32 $0x6BC00, s2;
	s5 =	sadd.s32 $0x3EC00, s2;
	s0 =	ssub.s32 $0x2, s1  }
0x4: {  	p0 =	seq.s32 s1, $0x0;
	s6 =	sshrl.u32 s0, $0x1;
	s15 =	sshrl.u32 s3, $0x3  }
0x5: {  	s7 =	sadd.s32 $0x4800, s3;
	s10 =	sadd.s32 $0xB400, s3;
	s16 =	sadd.s32 s5, s15  }
0x6: {  	s17 =	sshrl.u32 s7, $0x3;
	s15 =	sadd.s32 s4, s15;
	[dreg:$0x4] =	wrdreg s16  }
0x7: {  	s20 =	sshrl.u32 s10, $0x3;
	s23 =	sadd.s32 s5, s17;
	[dreg:$0xe] =	wrdreg s15  }
0x8: {  	s0 =	ssub.s32 s0, s6;
	s24 =	sadd.s32 s5, s20;
	[dreg:$0x6] =	wrdreg s23  }
0x9: {  	s6 =	sadd.s32 $0x2400, s3;
	s17 =	sadd.s32 s4, s17;
	[dreg:$0x9] =	wrdreg s24  }
0xa: {  	s16 =	sshrl.u32 s6, $0x3;
	s20 =	sadd.s32 s4, s20;
	[dreg:$0x10] =	wrdreg s17  }
0xb: {  	s13 =	sadd.s32 $0x12000, s3;
	s18 =	sadd.s32 s5, s16;
	[dreg:$0x13] =	wrdreg s20  }
0xc: {  	s23 =	sshrl.u32 s13, $0x3;
	s16 =	sadd.s32 s4, s16;
	[dreg:$0x5] =	wrdreg s18  }
0xd: {  	s8 =	sadd.s32 $0x6C00, s3;
	s26 =	sadd.s32 s5, s23;
	[dreg:$0xf] =	wrdreg s16  }
0xe: {  	s18 =	sshrl.u32 s8, $0x3;
	s23 =	sadd.s32 s4, s23;
	[dreg:$0xc] =	wrdreg s26  }
0xf: {  	s9 =	sadd.s32 $0x9000, s3;
	s19 =	sadd.s32 s5, s18;
	[dreg:$0x16] =	wrdreg s23  }
0x10: {  	s18 =	sadd.s32 s4, s18;
	[dreg:$0x7] =	wrdreg s19;
	s19 =	sshrl.u32 s9, $0x3  }
0x11: {  	s11 =	sadd.s32 $0xD800, s3;
	[dreg:$0x11] =	wrdreg s18;
	s21 =	sadd.s32 s5, s19  }
0x12: {  	s19 =	sadd.s32 s4, s19;
	[dreg:$0x8] =	wrdreg s21;
	s21 =	sshrl.u32 s11, $0x3  }
0x13: {  	s12 =	sadd.s32 $0xFC00, s3;
	[dreg:$0x12] =	wrdreg s19;
	s22 =	sadd.s32 s5, s21  }
0x14: {  	s14 =	sadd.s32 $0x14400, s3;
	s21 =	sadd.s32 s4, s21;
	[dreg:$0xa] =	wrdreg s22  }
0x15: {  	s22 =	sshrl.u32 s12, $0x3;
	[dreg:$0x14] =	wrdreg s21;
	s21 =	simm.s32 $0x0  }
0x16: {  	s26 =	sshrl.u32 s14, $0x3;
	s24 =	sadd.s32 s5, s22;
	[smem:$0x7FF] =	sst s21  }
0x17: {  	s15 =	sadd.s32 $0x3A200, s2;
	s5 =	sadd.s32 s5, s26;
	[dreg:$0xb] =	wrdreg s24  }
0x18: {  	s0 =	smax.u32 s0, $0x1;
	s22 =	sadd.s32 s4, s22;
	[dreg:$0xd] =	wrdreg s5  }
0x19: {  	s17 =	simm.s32 $0x4;
	s4 =	sadd.s32 s4, s26;
	[dreg:$0x15] =	wrdreg s22  }
0x1a: {  	s26 =	smul.u32 $0x4A0, s25;
	s25 =	sadd.s32 $0x30200, s2;
	s5 =	rddreg [dreg:$0x1]  }
0x1b: {  	[dreg:$0x17] =	wrdreg s4;
	s22 =	sadd.s32 $0xCB200, s2;
	s15 =	smov.u32 @p0 s5  }
0x1c: {  	s5 =	sadd.s32 $0x3200, s2;
	s4 =	sadd.s32 s15, s26;
	s26 =	rddreg [dreg:$0x2]  }
0x1d: {  	s22 =	smov.u32 @p0 s5;
	s15 =	simm.s32 $0x2;
	[dreg:$0x18] =	wrdreg s4  }
0x1e: {  	s4 =	sadd.s32 $0x35200, s2;
	s28 =	sadd.s32 s3, s26;
	s29 =	sadd.s32 s6, s26  }
0x1f: {  	s30 =	sadd.s32 s7, s26;
	s31 =	sadd.s32 s8, s26;
	s24 =	sadd.s32 s9, s26  }
0x20: {  	s2 =	sadd.s32 s11, s26;
	s3 =	sadd.s32 s12, s26;
	s5 =	sadd.s32 s14, s26  }
0x21: {  	s7 =	simm.s32 $0x6;
	s8 =	simm.s32 $0x40;
	s9 =	simm.s32 $0x1DD80  }
0x22: {  	s11 =	simm.s32 $0x18C00;
	s12 =	simm.s32 $0x1DDC0;
	s14 =	simm.s32 $0x1  }
0x23: {  	s25 =	smov.u32 @p0 s4;
	p0 =	sne.s32 s1, $0x0;
	_ =	strace $0x80000047  }
0x24: {  	s1 =	sadd.s32 s10, s26;
	s4 =	sadd.s32 s13, s26;
	[dreg:$0x19] =	wrdreg s0  }
0x25: {  	v0 =	vimm.f32 $0.0e+00;
	s0 =	simm.s32 $0x16800;
	s10 =	simm.s32 $0x1DD40;
	s13 =	simm.s32 $0x1B400  }
.LBB2_1:
0x26: {  	s6 =	simm.s32 $0x0;
	s16 =	simm.s32 $0x240  }
.LBB2_2:
0x27: {  	p1 =	sne.s32 s16, $0x8DC0;
	[tilespmem:s6+$0x16880] =	vst v0  }
0x28: {  	[tilespmem:s6+$0x16800] =	vst v0  }
0x29: {  	[tilespmem:s6+$0x16810] =	vst v0  }
0x2a: {  	[tilespmem:s6+$0x16820] =	vst v0  }
.Ltmp0:
0x2b: {  	[tilespmem:s6+$0x16830] =	vst v0;
	(pc) =	sbr.rel @p1 .LBB2_2-.Ltmp0, $4  }
0x2c: {  	[tilespmem:s6+$0x16840] =	vst v0  }
0x2d: {  	[tilespmem:s6+$0x16850] =	vst v0  }
0x2e: {  	[tilespmem:s6+$0x16860] =	vst v0  }
0x2f: {  	[tilespmem:s6+$0x16870] =	vst v0;
	s6 =	sshra.s32 s16, $0x2;
	s16 =	sadd.s32 $0x240, s16  }
0x30: {  	[tilespmem:s6+$0x16880] =	vst v0  }
0x31: {  	[tilespmem:s6+$0x16800] =	vst v0  }
0x32: {  	[tilespmem:s6+$0x16810] =	vst v0  }
0x33: {  	[tilespmem:s6+$0x16820] =	vst v0  }
0x34: {  	[tilespmem:s6+$0x16830] =	vst v0  }
0x35: {  	[tilespmem:s6+$0x16840] =	vst v0  }
0x36: {  	[tilespmem:s6+$0x16850] =	vst v0  }
0x37: {  	[tilespmem:s6+$0x16860] =	vst v0  }
0x38: {  	[tilespmem:s6+$0x16870] =	vst v0  }
0x39: {  	[spmem:s28] =	stream.linear.scatter [tilespmem:s0], [sflag:$0x6], $0x2400, $0x38;
	[tilespmem:$0x1DE00] =	vst v63  }
0x3a: {  	_ =	swait.ge [sflag:s7], $0x2400  }
0x3b: {  	[sflag:s7] =	ssyncset.done $0x0  }
0x3c: {  	[sflag:s7] =	ssyncadd.s32 $0xFFFFDC00  }
0x3d: {  	[spmem:s29] =	stream.linear.scatter [tilespmem:s0], [sflag:$0x6], $0x2400, $0x38;
	[tilespmem:$0x1DE00] =	vst v63  }
0x3e: {  	_ =	swait.ge [sflag:s7], $0x2400  }
0x3f: {  	[sflag:s7] =	ssyncset.done $0x0  }
0x40: {  	[sflag:s7] =	ssyncadd.s32 $0xFFFFDC00  }
0x41: {  	[spmem:s30] =	stream.linear.scatter [tilespmem:s0], [sflag:$0x6], $0x2400, $0x38;
	[tilespmem:$0x1DE00] =	vst v63  }
0x42: {  	_ =	swait.ge [sflag:s7], $0x2400  }
0x43: {  	[sflag:s7] =	ssyncset.done $0x0  }
0x44: {  	[sflag:s7] =	ssyncadd.s32 $0xFFFFDC00  }
0x45: {  	[spmem:s31] =	stream.linear.scatter [tilespmem:s0], [sflag:$0x6], $0x2400, $0x38;
	[tilespmem:$0x1DE00] =	vst v63  }
0x46: {  	_ =	swait.ge [sflag:s7], $0x2400  }
0x47: {  	[sflag:s7] =	ssyncset.done $0x0  }
0x48: {  	[sflag:s7] =	ssyncadd.s32 $0xFFFFDC00  }
0x49: {  	[spmem:s24] =	stream.linear.scatter [tilespmem:s0], [sflag:$0x6], $0x2400, $0x38;
	[tilespmem:$0x1DE00] =	vst v63  }
0x4a: {  	_ =	swait.ge [sflag:s7], $0x2400  }
0x4b: {  	[sflag:s7] =	ssyncset.done $0x0  }
0x4c: {  	[sflag:s7] =	ssyncadd.s32 $0xFFFFDC00  }
0x4d: {  	[spmem:s1] =	stream.linear.scatter [tilespmem:s0], [sflag:$0x6], $0x2400, $0x38;
	[tilespmem:$0x1DE00] =	vst v63  }
0x4e: {  	_ =	swait.ge [sflag:s7], $0x2400  }
0x4f: {  	[sflag:s7] =	ssyncset.done $0x0  }
0x50: {  	[sflag:s7] =	ssyncadd.s32 $0xFFFFDC00  }
0x51: {  	[spmem:s2] =	stream.linear.scatter [tilespmem:s0], [sflag:$0x6], $0x2400, $0x38;
	[tilespmem:$0x1DE00] =	vst v63  }
0x52: {  	_ =	swait.ge [sflag:s7], $0x2400  }
0x53: {  	[sflag:s7] =	ssyncset.done $0x0  }
0x54: {  	[sflag:s7] =	ssyncadd.s32 $0xFFFFDC00  }
0x55: {  	[spmem:s3] =	stream.linear.scatter [tilespmem:s0], [sflag:$0x6], $0x2400, $0x38;
	[tilespmem:$0x1DE00] =	vst v63  }
0x56: {  	_ =	swait.ge [sflag:s7], $0x2400  }
0x57: {  	[sflag:s7] =	ssyncset.done $0x0  }
0x58: {  	[sflag:s7] =	ssyncadd.s32 $0xFFFFDC00  }
0x59: {  	[spmem:s4] =	stream.linear.scatter [tilespmem:s0], [sflag:$0x6], $0x2400, $0x38;
	[tilespmem:$0x1DE00] =	vst v63  }
0x5a: {  	_ =	swait.ge [sflag:s7], $0x2400  }
0x5b: {  	[sflag:s7] =	ssyncset.done $0x0  }
0x5c: {  	[sflag:s7] =	ssyncadd.s32 $0xFFFFDC00  }
0x5d: {  	[spmem:s5] =	stream.linear.scatter [tilespmem:s0], [sflag:$0x6], $0x2400, $0x38;
	[tilespmem:$0x1DE00] =	vst v63  }
0x5e: {  	_ =	swait.ge [sflag:s7], $0x2400  }
0x5f: {  	[sflag:s7] =	ssyncset.done $0x0  }
0x60: {  	[sflag:s7] =	ssyncadd.s32 $0xFFFFDC00  }
0x61: {  	[bflag:$0x0] =	sbarrier.arrive $0xFFFF  }
0x62: {  	s18 =	simm.s32 $0x0;
	s16 =	simm.s32 $0x1B800;
	s19 =	rddreg [dreg:$0x18]  }
0x63: {  	[tilespmem:s16], [sflag:$0x6] =	stream.linear.gather [hbm4b:s19+s18], $0x2500, $0x38;
	[tilespmem:$0x1DE00] =	vst v63  }
0x64: {  	_ =	swait.ge [sflag:s7], $0x2500  }
0x65: {  	[sflag:s7] =	ssyncset.done $0x0  }
0x66: {  	[sflag:s7] =	ssyncadd.s32 $0xFFFFDB00  }
0x67: {  	v1 =	vld [tilespmem:$0x1B800];
	_ =	sdelay $0x1  }
0x68: {  	v2 =	vld [tilespmem:$0x1B810];
	_ =	sdelay $0x1  }
0x69: {  	v3 =	vld [tilespmem:$0x1B820]  }
0x6a: {  	v4 =	vand.u32 $0xFFFF, v1  }
0x6b: {  	v63 =	vld [tilespmem:$0x1B830];
	v1 =	vshrl.u32 v1, $0x10;
	[tilespmem:$0x1DD00] =	vst v4  }
0x6c: {  	[tilespmem:$0x1DD80] =	vst v1;
	v1 =	vand.u32 $0xFFFF, v2  }
0x6d: {  	[tilespmem:$0x1DD10] =	vst v1;
	v1 =	vshrl.u32 v2, $0x10  }
0x6e: {  	[tilespmem:$0x1DD90] =	vst v1;
	v1 =	vand.u32 $0xFFFF, v3  }
0x6f: {  	[tilespmem:$0x1DD20] =	vst v1;
	v1 =	vshrl.u32 v3, $0x10  }
0x70: {  	[tilespmem:$0x1DDA0] =	vst v1;
	v1 =	vand.u32 $0xFFFF, v63  }
0x71: {  	[tilespmem:$0x1DD30] =	vst v1;
	v1 =	vshrl.u32 v63, $0x10  }
0x72: {  	s20 =	simm.s32 $0x1DD00;
	[tilespmem:$0x1DDB0] =	vst v1  }
0x73: {  	[tilespmem:s0], [sflag:$0x1] =	stream.indirect.gather [hbm4b:s22+s8], $0x90, s20, s8, $0xb8;
	[tilespmem:$0x1DE00] =	vst v63  }
0x74: {  	s23 =	simm.s32 $0x1B000  }
0x75: {  	[tilespmem:s23], [sflag:$0x1] =	stream.indirect.gather [hbm4b:s25+s8], $0x10, s9, s8, $0xb8;
	[tilespmem:$0x1DE00] =	vst v63  }
.LBB2_4:
0x76: {  	p1 =	seq.s32 s18, $0x0  }
0x77: {  	s6 =	simm.s32 @!p1 $0x4  }
0x78: {  	_ =	swait.ge @!p1 [sflag:s6], $0x2400  }
0x79: {  	s16 =	sshll.u32 s18, $0x9;
	[sflag:s6] =	ssyncset.done @!p1 $0x0  }
0x7a: {  	s19 =	sshra.s32 s16, $0x2;
	[sflag:s6] =	ssyncadd.s32 @!p1 $0xFFFFDC00  }
0x7b: {  	v1 =	vld [tilespmem:s19+$0x1B840];
	_ =	sdelay $0x1  }
0x7c: {  	v2 =	vld [tilespmem:s19+$0x1B850];
	_ =	sdelay $0x1  }
0x7d: {  	v3 =	vld [tilespmem:s19+$0x1B860]  }
0x7e: {  	v4 =	vand.u32 $0xFFFF, v1  }
0x7f: {  	v1 =	vshrl.u32 v1, $0x10;
	[tilespmem:$0x1DD40] =	vst v4;
	v4 =	vld [tilespmem:s19+$0x1B870]  }
0x80: {  	[tilespmem:$0x1DDC0] =	vst v1;
	v1 =	vand.u32 $0xFFFF, v2  }
0x81: {  	[tilespmem:$0x1DD50] =	vst v1;
	v1 =	vshrl.u32 v2, $0x10  }
0x82: {  	[tilespmem:$0x1DDD0] =	vst v1;
	v1 =	vand.u32 $0xFFFF, v3  }
0x83: {  	[tilespmem:$0x1DD60] =	vst v1;
	v1 =	vshrl.u32 v3, $0x10  }
0x84: {  	[tilespmem:$0x1DDE0] =	vst v1;
	v1 =	vand.u32 $0xFFFF, v4  }
0x85: {  	[tilespmem:$0x1DD70] =	vst v1;
	v1 =	vshrl.u32 v4, $0x10  }
0x86: {  	[tilespmem:$0x1DDF0] =	vst v1  }
0x87: {  	[tilespmem:s11], [sflag:$0x2] =	stream.indirect.gather [hbm4b:s22+s8], $0x90, s10, s8, $0xb8;
	[tilespmem:$0x1DE00] =	vst v63  }
0x88: {  	_ = 	snop  }
0x89: {  	[tilespmem:s13], [sflag:$0x2] =	stream.indirect.gather [hbm4b:s25+s8], $0x10, s12, s8, $0xb8;
	[tilespmem:$0x1DE00] =	vst v63  }
0x8a: {  	_ =	swait.ge [sflag:s14], $0x2400  }
0x8b: {  	[sflag:s14] =	ssyncset.done $0x0  }
0x8c: {  	[sflag:s14] =	ssyncadd.s32 $0xFFFFDC00  }
0x8d: {  	_ =	swait.ge [sflag:s14], $0x400  }
0x8e: {  	[sflag:s14] =	ssyncset.done $0x0  }
0x8f: {  	s20 =	simm.s32 $0x16920;
	[sflag:s14] =	ssyncadd.s32 $0xFFFFFC00  }
0x90: {  	s23 =	simm.s32 $0x1B020;
	v1 =	vld [tilespmem:s20+$0x110]  }
0x91: {  	v2 =	vld [tilespmem:s23+$0x10]  }
0x92: {  	v4 =	vld [tilespmem:s20+$0xFFFFFFF0]  }
0x93: {  	v5 =	vld [tilespmem:s23+$0xFFFFFFF0]  }
0x94: {  	v6 =	vld [tilespmem:s20+$0x80]  }
0x95: {  	v10 =	vld [tilespmem:s23+$0x0]  }
0x96: {  	v3 =	vld [tilespmem:s23+$0xFFFFFFE0];
	v1 =	vadd.f32 v2, v1  }
0x97: {  	v35 =	vld [tilespmem:s20+$0xFFFFFEE0]  }
0x98: {  	v7 =	vld [tilespmem:s20+$0xFFFFFEF0];
	v4 =	vadd.f32 v5, v4;
	v9 =	vmul.f32 $2.000000030e-01, v1  }
0x99: {  	v8 =	vld [tilespmem:s20+$0xFFFFFF00];
	vm0 =	vgt.f32 v1, $0.0e+00  }
0x9a: {  	v2 =	vld [tilespmem:s20+$0xFFFFFF60];
	v5 =	vadd.f32 v10, v6;
	v6 =	vmul.f32 $2.000000030e-01, v4;
	v1 =	vsel vm0, v1, v9  }
0x9b: {  	v11 =	vld [tilespmem:s20+$0xFFFFFF30];
	vm14 =	vgt.f32 v4, $0.0e+00;
	v1 =	vmul.f32 $1.442695020e+00, v1  }
0x9c: {  	v12 =	vld [tilespmem:s20+$0xFFFFFF40];
	v4 =	vsel vm14, v4, v6  }
0x9d: {  	v13 =	vld [tilespmem:s20+$0xFFFFFF50];
	v4 =	vmul.f32 $1.442695020e+00, v4;
	(erf) = vpow2.f32 v1  }
0x9e: {  	v14 =	vld [tilespmem:s20+$0xFFFFFF70]  }
0x9f: {  	v15 =	vld [tilespmem:s20+$0xFFFFFF80];
	v2 =	vadd.f32 v3, v2;
	(erf) = vpow2.f32 v4  }
0xa0: {  	v16 =	vld [tilespmem:s20+$0xFFFFFF90];
	v3 =	vmul.f32 $2.000000030e-01, v5  }
0xa1: {  	v17 =	vld [tilespmem:s20+$0xFFFFFFA0];
	vm1 =	vgt.f32 v5, $0.0e+00;
	v1 =	vmul.f32 $2.000000030e-01, v2  }
0xa2: {  	v19 =	vld [tilespmem:s20+$0xFFFFFFB0];
	vm15 =	vgt.f32 v2, $0.0e+00;
	v3 =	vsel vm1, v5, v3  }
0xa3: {  	v18 =	vld [tilespmem:s20+$0xFFFFFFC0];
	v1 =	vsel vm15, v2, v1;
	v2 =	vmul.f32 $1.442695020e+00, v3  }
0xa4: {  	v20 =	vld [tilespmem:s20+$0xFFFFFFD0];
	v1 =	vmul.f32 $1.442695020e+00, v1  }
0xa5: {  	v21 =	vld [tilespmem:s20+$0xFFFFFFE0];
	(erf) = vpow2.f32 v2  }
0xa6: {  	v25 =	vld [tilespmem:s20+$0x0];
	(erf) = vpow2.f32 v1;
	v36 =	vpop (erf)  }
0xa7: {  	v27 =	vld [tilespmem:s20+$0x10];
	v2 =	vbroadcast v36, $0x0;
	v6 =	vbroadcast v36, $0x7  }
0xa8: {  	v5 =	vld [tilespmem:s20+$0x100];
	v4 =	vbroadcast v36, $0x1;
	v1 =	vbroadcast v36, $0x2;
	v34 =	vpop (erf)  }
0xa9: {  	v28 =	vld [tilespmem:s20+$0x20];
	v3 =	vbroadcast v36, $0x3;
	v42 =	vbroadcast v34, $0x0  }
0xaa: {  	v32 =	vld [tilespmem:s20+$0x30];
	v40 =	vbroadcast v34, $0x1;
	v44 =	vbroadcast v34, $0x2  }
0xab: {  	v37 =	vld [tilespmem:s20+$0x40];
	v41 =	vbroadcast v34, $0x3;
	v54 =	vbroadcast v34, $0x4  }
0xac: {  	v33 =	vld [tilespmem:s20+$0x50];
	v51 =	vbroadcast v34, $0x5;
	v52 =	vbroadcast v34, $0x6  }
0xad: {  	v26 =	vld [tilespmem:s20+$0x60];
	v50 =	vbroadcast v34, $0x7;
	v22 =	vmul.f32 v5, v6  }
0xae: {  	v23 =	vld [tilespmem:s20+$0xA0];
	v6 =	vbroadcast v36, $0x4;
	v5 =	vbroadcast v36, $0x5;
	v38 =	vpop (erf)  }
0xaf: {  	v24 =	vld [tilespmem:s20+$0xB0];
	[tilespmem:s20+$0x110] =	vst v36;
	v36 =	vbroadcast v36, $0x6;
	v53 =	vbroadcast v38, $0x0  }
0xb0: {  	v29 =	vld [tilespmem:s20+$0x70];
	v49 =	vbroadcast v38, $0x1;
	v48 =	vbroadcast v38, $0x2  }
0xb1: {  	v30 =	vld [tilespmem:s20+$0xC0];
	v46 =	vbroadcast v38, $0x3;
	v47 =	vbroadcast v38, $0x4  }
0xb2: {  	v10 =	vld [tilespmem:s20+$0xFFFFFF20];
	v31 =	vpop (erf);
	v45 =	vbroadcast v38, $0x5;
	v43 =	vbroadcast v38, $0x6  }
0xb3: {  	v9 =	vld [tilespmem:s20+$0xFFFFFF10];
	v62 =	vbroadcast v31, $0x0;
	v58 =	vbroadcast v31, $0x1  }
0xb4: {  	[tilespmem:s20+$0xFFFFFFF0] =	vst v34;
	v34 =	vld [tilespmem:s20+$0xE0];
	v61 =	vbroadcast v31, $0x2;
	v57 =	vbroadcast v31, $0x3  }
0xb5: {  	[tilespmem:s20+$0x100] =	vst v22;
	v22 =	vld [tilespmem:s20+$0x90];
	v60 =	vbroadcast v31, $0x4;
	v56 =	vbroadcast v31, $0x5  }
0xb6: {  	v59 =	vbroadcast v31, $0x6;
	v55 =	vbroadcast v31, $0x7;
	[tilespmem:s20+$0xFFFFFF60] =	vst v31;
	v31 =	vld [tilespmem:s20+$0xD0]  }
0xb7: {  	s16 =	simm.s32 $0x16B60;
	s6 =	simm.s32 $0x0;
	v39 =	vbroadcast v38, $0x7;
	[tilespmem:s20+$0x80] =	vst v38;
	v38 =	vmul.f32 v62, v35;
	v35 =	vld [tilespmem:s20+$0xF0]  }
.LBB2_5:
0xb8: {  	v62 =	vld [tilespmem:s16+$0x110];
	v7 =	vmul.f32 v58, v7;
	v8 =	vmul.f32 v61, v8;
	s23 =	sadd.s32 $0x40, s23  }
0xb9: {  	s6 =	sadd.s32 $0x4, s6;
	v9 =	vmul.f32 v9, v57;
	v10 =	vmul.f32 v10, v60;
	v58 =	vld [tilespmem:s23+$0x10];
	[tilespmem:s20+$0xFFFFFEE0] =	vst v38  }
0xba: {  	p1 =	slt.u32 s6, $0x3C;
	v57 =	vld [tilespmem:s23+$0xFFFFFFE0];
	[tilespmem:s20+$0xFFFFFEF0] =	vst v7;
	v7 =	vmul.f32 v11, v56;
	v11 =	vmul.f32 v12, v59  }
0xbb: {  	v12 =	vld [tilespmem:s16+$0xFFFFFFF0];
	[tilespmem:s20+$0xFFFFFF00] =	vst v8;
	v8 =	vmul.f32 v13, v55;
	v13 =	vmul.f32 v42, v14  }
0xbc: {  	v14 =	vld [tilespmem:s23+$0xFFFFFFF0];
	[tilespmem:s20+$0xFFFFFF10] =	vst v9;
	v9 =	vmul.f32 v40, v15;
	v15 =	vmul.f32 v44, v16  }
0xbd: {  	v17 =	vmul.f32 v17, v41;
	v19 =	vmul.f32 v19, v54;
	v16 =	vld [tilespmem:s16+$0x80];
	[tilespmem:s20+$0xFFFFFF20] =	vst v10  }
0xbe: {  	v18 =	vmul.f32 v18, v51;
	v20 =	vmul.f32 v20, v52;
	v10 =	vld [tilespmem:s23+$0x0];
	v40 =	vadd.f32 v58, v62;
	[tilespmem:s20+$0xFFFFFF30] =	vst v7  }
0xbf: {  	v21 =	vmul.f32 v21, v50;
	v25 =	vmul.f32 v53, v25;
	v41 =	vld [tilespmem:s16+$0xFFFFFF60];
	[tilespmem:s20+$0xFFFFFF40] =	vst v11  }
0xc0: {  	v27 =	vmul.f32 v49, v27;
	v38 =	vld [tilespmem:s16+$0xFFFFFEE0];
	v11 =	vmul.f32 $2.000000030e-01, v40;
	[tilespmem:s20+$0xFFFFFF50] =	vst v8  }
0xc1: {  	v28 =	vmul.f32 v48, v28;
	vm0 =	vgt.f32 v40, $0.0e+00;
	v7 =	vld [tilespmem:s16+$0xFFFFFEF0];
	v14 =	vadd.f32 v14, v12;
	[tilespmem:s20+$0xFFFFFF70] =	vst v13  }
0xc2: {  	v32 =	vmul.f32 v32, v46;
	v37 =	vmul.f32 v37, v47;
	v8 =	vld [tilespmem:s16+$0xFFFFFF00];
	v11 =	vsel vm0, v40, v11;
	[tilespmem:s20+$0xFFFFFF80] =	vst v9  }
0xc3: {  	v9 =	vld [tilespmem:s16+$0xFFFFFF10];
	v13 =	vmul.f32 $2.000000030e-01, v14;
	v16 =	vadd.f32 v10, v16;
	v12 =	vmul.f32 $1.442695020e+00, v11;
	[tilespmem:s20+$0xFFFFFF90] =	vst v15  }
0xc4: {  	v33 =	vmul.f32 v33, v45;
	vm0 =	vgt.f32 v14, $0.0e+00;
	v15 =	vadd.f32 v57, v41;
	v10 =	vld [tilespmem:s16+$0xFFFFFF20];
	[tilespmem:s20+$0xFFFFFFA0] =	vst v17  }
0xc5: {  	v11 =	vld [tilespmem:s16+$0xFFFFFF30];
	vm1 =	vgt.f32 v16, $0.0e+00;
	v17 =	vmul.f32 $2.000000030e-01, v16;
	(erf) = vpow2.f32 v12;
	[tilespmem:s20+$0xFFFFFFB0] =	vst v19  }
0xc6: {  	v14 =	vsel vm0, v14, v13;
	vm2 =	vgt.f32 v15, $0.0e+00;
	v19 =	vmul.f32 $2.000000030e-01, v15;
	v12 =	vld [tilespmem:s16+$0xFFFFFF40];
	[tilespmem:s20+$0xFFFFFFC0] =	vst v18  }
0xc7: {  	v26 =	vmul.f32 v26, v43;
	v18 =	vmul.f32 $1.442695020e+00, v14;
	v13 =	vld [tilespmem:s16+$0xFFFFFF50];
	v16 =	vsel vm1, v16, v17;
	[tilespmem:s20+$0xFFFFFFD0] =	vst v20  }
0xc8: {  	v29 =	vmul.f32 v29, v39;
	v15 =	vsel vm2, v15, v19;
	v14 =	vld [tilespmem:s16+$0xFFFFFF70];
	v17 =	vmul.f32 $1.442695020e+00, v16;
	[tilespmem:s20+$0xFFFFFFE0] =	vst v21  }
0xc9: {  	v19 =	vmul.f32 $1.442695020e+00, v15;
	v15 =	vld [tilespmem:s16+$0xFFFFFF80];
	(erf) = vpow2.f32 v18;
	[tilespmem:s20+$0x0] =	vst v25  }
0xca: {  	v22 =	vmul.f32 v2, v22;
	v16 =	vld [tilespmem:s16+$0xFFFFFF90];
	(erf) = vpow2.f32 v17;
	[tilespmem:s20+$0x10] =	vst v27  }
0xcb: {  	v23 =	vmul.f32 v4, v23;
	v17 =	vld [tilespmem:s16+$0xFFFFFFA0];
	(erf) = vpow2.f32 v19;
	[tilespmem:s20+$0x20] =	vst v28  }
0xcc: {  	v24 =	vmul.f32 v1, v24;
	v30 =	vmul.f32 v30, v3;
	v27 =	vld [tilespmem:s16+$0x100];
	[tilespmem:s20+$0x30] =	vst v32  }
0xcd: {  	v31 =	vmul.f32 v31, v6;
	v34 =	vmul.f32 v34, v5;
	v19 =	vld [tilespmem:s16+$0xFFFFFFB0];
	[tilespmem:s20+$0x40] =	vst v37  }
0xce: {  	v35 =	vmul.f32 v35, v36;
	v18 =	vld [tilespmem:s16+$0xFFFFFFC0];
	v62 =	vpop (erf);
	[tilespmem:s20+$0x50] =	vst v33  }
0xcf: {  	v20 =	vld [tilespmem:s16+$0xFFFFFFD0];
	v2 =	vbroadcast v62, $0x0;
	v5 =	vbroadcast v62, $0x7;
	[tilespmem:s20+$0x60] =	vst v26  }
0xd0: {  	v4 =	vbroadcast v62, $0x1;
	v1 =	vbroadcast v62, $0x2;
	v21 =	vld [tilespmem:s16+$0xFFFFFFE0];
	[tilespmem:s20+$0x70] =	vst v29  }
0xd1: {  	v3 =	vbroadcast v62, $0x3;
	v25 =	vld [tilespmem:s16+$0x0];
	v26 =	vmul.f32 v27, v5;
	[tilespmem:s20+$0x90] =	vst v22  }
0xd2: {  	v6 =	vbroadcast v62, $0x4;
	v5 =	vbroadcast v62, $0x5;
	v27 =	vld [tilespmem:s16+$0x10];
	v36 =	vpop (erf);
	[tilespmem:s20+$0xA0] =	vst v23  }
0xd3: {  	v42 =	vbroadcast v36, $0x0;
	v40 =	vbroadcast v36, $0x1;
	v28 =	vld [tilespmem:s16+$0x20];
	[tilespmem:s16+$0x100] =	vst v26;
	v39 =	vpop (erf)  }
0xd4: {  	v44 =	vbroadcast v36, $0x2;
	v41 =	vbroadcast v36, $0x3;
	v32 =	vld [tilespmem:s16+$0x30];
	v22 =	vpop (erf);
	[tilespmem:s20+$0xB0] =	vst v24  }
0xd5: {  	v63 =	vbroadcast v22, $0x0;
	v58 =	vbroadcast v22, $0x1;
	v37 =	vld [tilespmem:s16+$0x40];
	[tilespmem:s20+$0xC0] =	vst v30  }
0xd6: {  	v61 =	vbroadcast v22, $0x2;
	v57 =	vbroadcast v22, $0x3;
	v33 =	vld [tilespmem:s16+$0x50];
	[tilespmem:s20+$0xD0] =	vst v31  }
0xd7: {  	v60 =	vbroadcast v22, $0x4;
	v56 =	vbroadcast v22, $0x5;
	v26 =	vld [tilespmem:s16+$0x60];
	[tilespmem:s20+$0xE0] =	vst v34  }
0xd8: {  	v59 =	vbroadcast v22, $0x6;
	v55 =	vbroadcast v22, $0x7;
	v29 =	vld [tilespmem:s16+$0x70];
	[tilespmem:s20+$0xF0] =	vst v35;
	s20 =	smov.u32 s16  }
0xd9: {  	v54 =	vbroadcast v36, $0x4;
	v51 =	vbroadcast v36, $0x5;
	[tilespmem:s16+$0xFFFFFF60] =	vst v22;
	v22 =	vld [tilespmem:s16+$0x90]  }
0xda: {  	v52 =	vbroadcast v36, $0x6;
	v50 =	vbroadcast v36, $0x7;
	[tilespmem:s16+$0xFFFFFFF0] =	vst v36;
	v23 =	vld [tilespmem:s16+$0xA0]  }
.Ltmp1:
0xdb: {  	v53 =	vbroadcast v39, $0x0;
	v49 =	vbroadcast v39, $0x1;
	[tilespmem:s16+$0x80] =	vst v39;
	v24 =	vld [tilespmem:s16+$0xB0];
	(pc) =	sbr.rel @p1 .LBB2_5-.Ltmp1, $4  }
0xdc: {  	v48 =	vbroadcast v39, $0x2;
	v46 =	vbroadcast v39, $0x3;
	[tilespmem:s16+$0x110] =	vst v62;
	v30 =	vld [tilespmem:s16+$0xC0]  }
0xdd: {  	v47 =	vbroadcast v39, $0x4;
	v45 =	vbroadcast v39, $0x5;
	v31 =	vld [tilespmem:s16+$0xD0]  }
0xde: {  	v43 =	vbroadcast v39, $0x6;
	v39 =	vbroadcast v39, $0x7;
	v34 =	vld [tilespmem:s16+$0xE0]  }
0xdf: {  	v38 =	vmul.f32 v63, v38;
	v36 =	vbroadcast v62, $0x6;
	s16 =	sadd.s32 $0x240, s16;
	v35 =	vld [tilespmem:s20+$0xF0]  }
0xe0: {  	v7 =	vmul.f32 v58, v7  }
0xe1: {  	v8 =	vmul.f32 v61, v8;
	[tilespmem:s20+$0xFFFFFEE0] =	vst v38  }
0xe2: {  	v9 =	vmul.f32 v9, v57;
	[tilespmem:s20+$0xFFFFFEF0] =	vst v7  }
0xe3: {  	v2 =	vmul.f32 v2, v22;
	[tilespmem:s20+$0xFFFFFF00] =	vst v8  }
0xe4: {  	v4 =	vmul.f32 v4, v23;
	[tilespmem:s20+$0xFFFFFF10] =	vst v9  }
0xe5: {  	v1 =	vmul.f32 v1, v24;
	[tilespmem:s20+$0x90] =	vst v2  }
0xe6: {  	v7 =	vmul.f32 v10, v60;
	[tilespmem:s20+$0xA0] =	vst v4  }
0xe7: {  	v8 =	vmul.f32 v11, v56;
	[tilespmem:s20+$0xB0] =	vst v1  }
0xe8: {  	v9 =	vmul.f32 v12, v59;
	[tilespmem:s20+$0xFFFFFF20] =	vst v7  }
0xe9: {  	v2 =	vmul.f32 v30, v3;
	[tilespmem:s20+$0xFFFFFF30] =	vst v8  }
0xea: {  	v3 =	vmul.f32 v31, v6;
	[tilespmem:s20+$0xFFFFFF40] =	vst v9  }
0xeb: {  	v1 =	vmul.f32 v34, v5;
	[tilespmem:s20+$0xC0] =	vst v2  }
0xec: {  	v7 =	vmul.f32 v13, v55;
	[tilespmem:s20+$0xD0] =	vst v3  }
0xed: {  	v8 =	vmul.f32 v42, v14;
	[tilespmem:s20+$0xE0] =	vst v1  }
0xee: {  	v9 =	vmul.f32 v40, v15;
	[tilespmem:s20+$0xFFFFFF50] =	vst v7  }
0xef: {  	v2 =	vmul.f32 v35, v36;
	[tilespmem:s20+$0xFFFFFF70] =	vst v8  }
0xf0: {  	v7 =	vmul.f32 v44, v16;
	[tilespmem:s20+$0xFFFFFF80] =	vst v9  }
0xf1: {  	v8 =	vmul.f32 v17, v41;
	[tilespmem:s20+$0xF0] =	vst v2  }
0xf2: {  	v9 =	vmul.f32 v19, v54;
	[tilespmem:s20+$0xFFFFFF90] =	vst v7  }
0xf3: {  	v7 =	vmul.f32 v18, v51;
	[tilespmem:s20+$0xFFFFFFA0] =	vst v8  }
0xf4: {  	v8 =	vmul.f32 v20, v52;
	[tilespmem:s20+$0xFFFFFFB0] =	vst v9  }
0xf5: {  	v9 =	vmul.f32 v21, v50;
	[tilespmem:s20+$0xFFFFFFC0] =	vst v7  }
0xf6: {  	v7 =	vmul.f32 v53, v25;
	[tilespmem:s20+$0xFFFFFFD0] =	vst v8  }
0xf7: {  	v8 =	vmul.f32 v49, v27;
	[tilespmem:s20+$0xFFFFFFE0] =	vst v9  }
0xf8: {  	v9 =	vmul.f32 v48, v28;
	[tilespmem:s20+$0x0] =	vst v7  }
0xf9: {  	v7 =	vmul.f32 v32, v46;
	[tilespmem:s20+$0x10] =	vst v8  }
0xfa: {  	v8 =	vmul.f32 v37, v47;
	[tilespmem:s20+$0x20] =	vst v9  }
0xfb: {  	v9 =	vmul.f32 v33, v45;
	[tilespmem:s20+$0x30] =	vst v7  }
0xfc: {  	v7 =	vmul.f32 v26, v43;
	[tilespmem:s20+$0x40] =	vst v8  }
0xfd: {  	v8 =	vmul.f32 v29, v39;
	[tilespmem:s20+$0x50] =	vst v9  }
0xfe: {  	p1 =	seq.s32 s18, $0x49;
	[tilespmem:s20+$0x60] =	vst v7  }
0xff: {  	s6 =	simm.s32 @!p1 $0x3;
	[tilespmem:s20+$0x70] =	vst v8  }
0x100: {  	[spmem:s26] =	stream.indirect.scatter.add.f32 [tilespmem:s0], [sflag:$0x3], $0x90, s9, s8, $0xb8;
	[tilespmem:$0x1DE00] =	vst v63  }
0x101: {  	_ =	swait.ge @!p1 [sflag:s6], $0x2400  }
0x102: {  	[sflag:s6] =	ssyncset.done @!p1 $0x0  }
0x103: {  	[sflag:s6] =	ssyncadd.s32 @!p1 $0xFFFFDC00  }
0x104: {  	v1 =	vld @!p1 [tilespmem:s19+$0x1B880];
	_ =	sdelay $0x1  }
0x105: {  	v2 =	vld @!p1 [tilespmem:s19+$0x1B890];
	_ =	sdelay $0x1  }
0x106: {  	v3 =	vld @!p1 [tilespmem:s19+$0x1B8A0]  }
0x107: {  	v4 =	vand.u32 @!p1 $0xFFFF, v1  }
0x108: {  	v1 =	vshrl.u32 @!p1 v1, $0x10;
	[tilespmem:$0x1DD00] =	vst @!p1 v4;
	v4 =	vld @!p1 [tilespmem:s19+$0x1B8B0]  }
0x109: {  	[tilespmem:$0x1DD80] =	vst @!p1 v1;
	v1 =	vand.u32 @!p1 $0xFFFF, v2  }
0x10a: {  	[tilespmem:$0x1DD10] =	vst @!p1 v1;
	v1 =	vshrl.u32 @!p1 v2, $0x10  }
0x10b: {  	[tilespmem:$0x1DD90] =	vst @!p1 v1;
	v1 =	vand.u32 @!p1 $0xFFFF, v3  }
0x10c: {  	[tilespmem:$0x1DD20] =	vst @!p1 v1;
	v1 =	vshrl.u32 @!p1 v3, $0x10  }
0x10d: {  	[tilespmem:$0x1DDA0] =	vst @!p1 v1;
	v1 =	vand.u32 @!p1 $0xFFFF, v4  }
0x10e: {  	[tilespmem:$0x1DD30] =	vst @!p1 v1;
	v1 =	vshrl.u32 @!p1 v4, $0x10  }
0x10f: {  	s16 =	simm.s32 @!p1 $0x1DD00;
	s6 =	simm.s32 @!p1 $0x40;
	s19 =	simm.s32 @!p1 $0x16800;
	[tilespmem:$0x1DDB0] =	vst @!p1 v1  }
0x110: {  	[tilespmem:s19], [sflag:$0x1] =	stream.indirect.gather @!p1 [hbm4b:s22+s6], $0x90, s16, s6, $0xb8;
	[tilespmem:$0x1DE00] =	vst v63  }
0x111: {  	s16 =	simm.s32 @!p1 $0x1DD80;
	s19 =	simm.s32 @!p1 $0x1B000  }
0x112: {  	[tilespmem:s19], [sflag:$0x1] =	stream.indirect.gather @!p1 [hbm4b:s25+s6], $0x10, s16, s6, $0xb8;
	[tilespmem:$0x1DE00] =	vst v63  }
0x113: {  	_ =	swait.ge [sflag:s15], $0x2400  }
0x114: {  	[sflag:s15] =	ssyncset.done $0x0  }
0x115: {  	[sflag:s15] =	ssyncadd.s32 $0xFFFFDC00  }
0x116: {  	_ =	swait.ge [sflag:s15], $0x400  }
0x117: {  	[sflag:s15] =	ssyncset.done $0x0  }
0x118: {  	s19 =	simm.s32 $0x18D20;
	[sflag:s15] =	ssyncadd.s32 $0xFFFFFC00  }
0x119: {  	s20 =	simm.s32 $0x1B420;
	v1 =	vld [tilespmem:s19+$0x110]  }
0x11a: {  	v2 =	vld [tilespmem:s20+$0x10]  }
0x11b: {  	v4 =	vld [tilespmem:s19+$0xFFFFFFF0]  }
0x11c: {  	v5 =	vld [tilespmem:s20+$0xFFFFFFF0]  }
0x11d: {  	v6 =	vld [tilespmem:s19+$0x80]  }
0x11e: {  	v10 =	vld [tilespmem:s20+$0x0]  }
0x11f: {  	v3 =	vld [tilespmem:s20+$0xFFFFFFE0];
	v1 =	vadd.f32 v2, v1  }
0x120: {  	v35 =	vld [tilespmem:s19+$0xFFFFFEE0]  }
0x121: {  	v7 =	vld [tilespmem:s19+$0xFFFFFEF0];
	v4 =	vadd.f32 v5, v4;
	v9 =	vmul.f32 $2.000000030e-01, v1  }
0x122: {  	v8 =	vld [tilespmem:s19+$0xFFFFFF00];
	vm0 =	vgt.f32 v1, $0.0e+00  }
0x123: {  	v2 =	vld [tilespmem:s19+$0xFFFFFF60];
	v5 =	vadd.f32 v10, v6;
	v6 =	vmul.f32 $2.000000030e-01, v4;
	v1 =	vsel vm0, v1, v9  }
0x124: {  	v11 =	vld [tilespmem:s19+$0xFFFFFF30];
	vm14 =	vgt.f32 v4, $0.0e+00;
	v1 =	vmul.f32 $1.442695020e+00, v1  }
0x125: {  	v12 =	vld [tilespmem:s19+$0xFFFFFF40];
	v4 =	vsel vm14, v4, v6  }
0x126: {  	v13 =	vld [tilespmem:s19+$0xFFFFFF50];
	v4 =	vmul.f32 $1.442695020e+00, v4;
	(erf) = vpow2.f32 v1  }
0x127: {  	v14 =	vld [tilespmem:s19+$0xFFFFFF70]  }
0x128: {  	v15 =	vld [tilespmem:s19+$0xFFFFFF80];
	v2 =	vadd.f32 v3, v2;
	(erf) = vpow2.f32 v4  }
0x129: {  	v16 =	vld [tilespmem:s19+$0xFFFFFF90];
	v3 =	vmul.f32 $2.000000030e-01, v5  }
0x12a: {  	v17 =	vld [tilespmem:s19+$0xFFFFFFA0];
	vm1 =	vgt.f32 v5, $0.0e+00;
	v1 =	vmul.f32 $2.000000030e-01, v2  }
0x12b: {  	v19 =	vld [tilespmem:s19+$0xFFFFFFB0];
	vm15 =	vgt.f32 v2, $0.0e+00;
	v3 =	vsel vm1, v5, v3  }
0x12c: {  	v18 =	vld [tilespmem:s19+$0xFFFFFFC0];
	v1 =	vsel vm15, v2, v1;
	v2 =	vmul.f32 $1.442695020e+00, v3  }
0x12d: {  	v20 =	vld [tilespmem:s19+$0xFFFFFFD0];
	v1 =	vmul.f32 $1.442695020e+00, v1  }
0x12e: {  	v21 =	vld [tilespmem:s19+$0xFFFFFFE0];
	(erf) = vpow2.f32 v2  }
0x12f: {  	v25 =	vld [tilespmem:s19+$0x0];
	(erf) = vpow2.f32 v1;
	v36 =	vpop (erf)  }
0x130: {  	v27 =	vld [tilespmem:s19+$0x10];
	v2 =	vbroadcast v36, $0x0;
	v6 =	vbroadcast v36, $0x7  }
0x131: {  	v5 =	vld [tilespmem:s19+$0x100];
	v4 =	vbroadcast v36, $0x1;
	v1 =	vbroadcast v36, $0x2;
	v34 =	vpop (erf)  }
0x132: {  	v28 =	vld [tilespmem:s19+$0x20];
	v3 =	vbroadcast v36, $0x3;
	v42 =	vbroadcast v34, $0x0  }
0x133: {  	v32 =	vld [tilespmem:s19+$0x30];
	v40 =	vbroadcast v34, $0x1;
	v44 =	vbroadcast v34, $0x2  }
0x134: {  	v37 =	vld [tilespmem:s19+$0x40];
	v41 =	vbroadcast v34, $0x3;
	v54 =	vbroadcast v34, $0x4  }
0x135: {  	v33 =	vld [tilespmem:s19+$0x50];
	v51 =	vbroadcast v34, $0x5;
	v52 =	vbroadcast v34, $0x6  }
0x136: {  	v26 =	vld [tilespmem:s19+$0x60];
	v50 =	vbroadcast v34, $0x7;
	v22 =	vmul.f32 v5, v6  }
0x137: {  	v23 =	vld [tilespmem:s19+$0xA0];
	v6 =	vbroadcast v36, $0x4;
	v5 =	vbroadcast v36, $0x5;
	v38 =	vpop (erf)  }
0x138: {  	v24 =	vld [tilespmem:s19+$0xB0];
	[tilespmem:s19+$0x110] =	vst v36;
	v36 =	vbroadcast v36, $0x6;
	v53 =	vbroadcast v38, $0x0  }
0x139: {  	v29 =	vld [tilespmem:s19+$0x70];
	v49 =	vbroadcast v38, $0x1;
	v48 =	vbroadcast v38, $0x2  }
0x13a: {  	v30 =	vld [tilespmem:s19+$0xC0];
	v46 =	vbroadcast v38, $0x3;
	v47 =	vbroadcast v38, $0x4  }
0x13b: {  	v10 =	vld [tilespmem:s19+$0xFFFFFF20];
	v31 =	vpop (erf);
	v45 =	vbroadcast v38, $0x5;
	v43 =	vbroadcast v38, $0x6  }
0x13c: {  	v9 =	vld [tilespmem:s19+$0xFFFFFF10];
	v62 =	vbroadcast v31, $0x0;
	v58 =	vbroadcast v31, $0x1  }
0x13d: {  	[tilespmem:s19+$0xFFFFFFF0] =	vst v34;
	v34 =	vld [tilespmem:s19+$0xE0];
	v61 =	vbroadcast v31, $0x2;
	v57 =	vbroadcast v31, $0x3  }
0x13e: {  	[tilespmem:s19+$0x100] =	vst v22;
	v22 =	vld [tilespmem:s19+$0x90];
	v60 =	vbroadcast v31, $0x4;
	v56 =	vbroadcast v31, $0x5  }
0x13f: {  	v59 =	vbroadcast v31, $0x6;
	v55 =	vbroadcast v31, $0x7;
	[tilespmem:s19+$0xFFFFFF60] =	vst v31;
	v31 =	vld [tilespmem:s19+$0xD0]  }
0x140: {  	s6 =	simm.s32 $0x0;
	s16 =	simm.s32 $0x18F60;
	v39 =	vbroadcast v38, $0x7;
	[tilespmem:s19+$0x80] =	vst v38;
	v38 =	vmul.f32 v62, v35;
	v35 =	vld [tilespmem:s19+$0xF0]  }
.LBB2_7:
0x141: {  	v62 =	vld [tilespmem:s16+$0x110];
	v7 =	vmul.f32 v58, v7;
	v8 =	vmul.f32 v61, v8;
	s20 =	sadd.s32 $0x40, s20  }
0x142: {  	s6 =	sadd.s32 $0x4, s6;
	v9 =	vmul.f32 v9, v57;
	v10 =	vmul.f32 v10, v60;
	v58 =	vld [tilespmem:s20+$0x10];
	[tilespmem:s19+$0xFFFFFEE0] =	vst v38  }
0x143: {  	p1 =	slt.u32 s6, $0x3C;
	v57 =	vld [tilespmem:s20+$0xFFFFFFE0];
	[tilespmem:s19+$0xFFFFFEF0] =	vst v7;
	v7 =	vmul.f32 v11, v56;
	v11 =	vmul.f32 v12, v59  }
0x144: {  	v12 =	vld [tilespmem:s16+$0xFFFFFFF0];
	[tilespmem:s19+$0xFFFFFF00] =	vst v8;
	v8 =	vmul.f32 v13, v55;
	v13 =	vmul.f32 v42, v14  }
0x145: {  	v14 =	vld [tilespmem:s20+$0xFFFFFFF0];
	[tilespmem:s19+$0xFFFFFF10] =	vst v9;
	v9 =	vmul.f32 v40, v15;
	v15 =	vmul.f32 v44, v16  }
0x146: {  	v17 =	vmul.f32 v17, v41;
	v19 =	vmul.f32 v19, v54;
	v16 =	vld [tilespmem:s16+$0x80];
	[tilespmem:s19+$0xFFFFFF20] =	vst v10  }
0x147: {  	v18 =	vmul.f32 v18, v51;
	v20 =	vmul.f32 v20, v52;
	v10 =	vld [tilespmem:s20+$0x0];
	v40 =	vadd.f32 v58, v62;
	[tilespmem:s19+$0xFFFFFF30] =	vst v7  }
0x148: {  	v21 =	vmul.f32 v21, v50;
	v25 =	vmul.f32 v53, v25;
	v41 =	vld [tilespmem:s16+$0xFFFFFF60];
	[tilespmem:s19+$0xFFFFFF40] =	vst v11  }
0x149: {  	v27 =	vmul.f32 v49, v27;
	v38 =	vld [tilespmem:s16+$0xFFFFFEE0];
	v11 =	vmul.f32 $2.000000030e-01, v40;
	[tilespmem:s19+$0xFFFFFF50] =	vst v8  }
0x14a: {  	v28 =	vmul.f32 v48, v28;
	vm0 =	vgt.f32 v40, $0.0e+00;
	v7 =	vld [tilespmem:s16+$0xFFFFFEF0];
	v14 =	vadd.f32 v14, v12;
	[tilespmem:s19+$0xFFFFFF70] =	vst v13  }
0x14b: {  	v32 =	vmul.f32 v32, v46;
	v37 =	vmul.f32 v37, v47;
	v8 =	vld [tilespmem:s16+$0xFFFFFF00];
	v11 =	vsel vm0, v40, v11;
	[tilespmem:s19+$0xFFFFFF80] =	vst v9  }
0x14c: {  	v9 =	vld [tilespmem:s16+$0xFFFFFF10];
	v13 =	vmul.f32 $2.000000030e-01, v14;
	v16 =	vadd.f32 v10, v16;
	v12 =	vmul.f32 $1.442695020e+00, v11;
	[tilespmem:s19+$0xFFFFFF90] =	vst v15  }
0x14d: {  	v33 =	vmul.f32 v33, v45;
	vm0 =	vgt.f32 v14, $0.0e+00;
	v15 =	vadd.f32 v57, v41;
	v10 =	vld [tilespmem:s16+$0xFFFFFF20];
	[tilespmem:s19+$0xFFFFFFA0] =	vst v17  }
0x14e: {  	v11 =	vld [tilespmem:s16+$0xFFFFFF30];
	vm1 =	vgt.f32 v16, $0.0e+00;
	v17 =	vmul.f32 $2.000000030e-01, v16;
	(erf) = vpow2.f32 v12;
	[tilespmem:s19+$0xFFFFFFB0] =	vst v19  }
0x14f: {  	v14 =	vsel vm0, v14, v13;
	vm2 =	vgt.f32 v15, $0.0e+00;
	v19 =	vmul.f32 $2.000000030e-01, v15;
	v12 =	vld [tilespmem:s16+$0xFFFFFF40];
	[tilespmem:s19+$0xFFFFFFC0] =	vst v18  }
0x150: {  	v26 =	vmul.f32 v26, v43;
	v18 =	vmul.f32 $1.442695020e+00, v14;
	v13 =	vld [tilespmem:s16+$0xFFFFFF50];
	v16 =	vsel vm1, v16, v17;
	[tilespmem:s19+$0xFFFFFFD0] =	vst v20  }
0x151: {  	v29 =	vmul.f32 v29, v39;
	v15 =	vsel vm2, v15, v19;
	v14 =	vld [tilespmem:s16+$0xFFFFFF70];
	v17 =	vmul.f32 $1.442695020e+00, v16;
	[tilespmem:s19+$0xFFFFFFE0] =	vst v21  }
0x152: {  	v19 =	vmul.f32 $1.442695020e+00, v15;
	v15 =	vld [tilespmem:s16+$0xFFFFFF80];
	(erf) = vpow2.f32 v18;
	[tilespmem:s19+$0x0] =	vst v25  }
0x153: {  	v22 =	vmul.f32 v2, v22;
	v16 =	vld [tilespmem:s16+$0xFFFFFF90];
	(erf) = vpow2.f32 v17;
	[tilespmem:s19+$0x10] =	vst v27  }
0x154: {  	v23 =	vmul.f32 v4, v23;
	v17 =	vld [tilespmem:s16+$0xFFFFFFA0];
	(erf) = vpow2.f32 v19;
	[tilespmem:s19+$0x20] =	vst v28  }
0x155: {  	v24 =	vmul.f32 v1, v24;
	v30 =	vmul.f32 v30, v3;
	v27 =	vld [tilespmem:s16+$0x100];
	[tilespmem:s19+$0x30] =	vst v32  }
0x156: {  	v31 =	vmul.f32 v31, v6;
	v34 =	vmul.f32 v34, v5;
	v19 =	vld [tilespmem:s16+$0xFFFFFFB0];
	[tilespmem:s19+$0x40] =	vst v37  }
0x157: {  	v35 =	vmul.f32 v35, v36;
	v18 =	vld [tilespmem:s16+$0xFFFFFFC0];
	v62 =	vpop (erf);
	[tilespmem:s19+$0x50] =	vst v33  }
0x158: {  	v20 =	vld [tilespmem:s16+$0xFFFFFFD0];
	v2 =	vbroadcast v62, $0x0;
	v5 =	vbroadcast v62, $0x7;
	[tilespmem:s19+$0x60] =	vst v26  }
0x159: {  	v4 =	vbroadcast v62, $0x1;
	v1 =	vbroadcast v62, $0x2;
	v21 =	vld [tilespmem:s16+$0xFFFFFFE0];
	[tilespmem:s19+$0x70] =	vst v29  }
0x15a: {  	v3 =	vbroadcast v62, $0x3;
	v25 =	vld [tilespmem:s16+$0x0];
	v26 =	vmul.f32 v27, v5;
	[tilespmem:s19+$0x90] =	vst v22  }
0x15b: {  	v6 =	vbroadcast v62, $0x4;
	v5 =	vbroadcast v62, $0x5;
	v27 =	vld [tilespmem:s16+$0x10];
	v36 =	vpop (erf);
	[tilespmem:s19+$0xA0] =	vst v23  }
0x15c: {  	v42 =	vbroadcast v36, $0x0;
	v40 =	vbroadcast v36, $0x1;
	v28 =	vld [tilespmem:s16+$0x20];
	[tilespmem:s16+$0x100] =	vst v26;
	v39 =	vpop (erf)  }
0x15d: {  	v44 =	vbroadcast v36, $0x2;
	v41 =	vbroadcast v36, $0x3;
	v32 =	vld [tilespmem:s16+$0x30];
	v22 =	vpop (erf);
	[tilespmem:s19+$0xB0] =	vst v24  }
0x15e: {  	v63 =	vbroadcast v22, $0x0;
	v58 =	vbroadcast v22, $0x1;
	v37 =	vld [tilespmem:s16+$0x40];
	[tilespmem:s19+$0xC0] =	vst v30  }
0x15f: {  	v61 =	vbroadcast v22, $0x2;
	v57 =	vbroadcast v22, $0x3;
	v33 =	vld [tilespmem:s16+$0x50];
	[tilespmem:s19+$0xD0] =	vst v31  }
0x160: {  	v60 =	vbroadcast v22, $0x4;
	v56 =	vbroadcast v22, $0x5;
	v26 =	vld [tilespmem:s16+$0x60];
	[tilespmem:s19+$0xE0] =	vst v34  }
0x161: {  	v59 =	vbroadcast v22, $0x6;
	v55 =	vbroadcast v22, $0x7;
	v29 =	vld [tilespmem:s16+$0x70];
	[tilespmem:s19+$0xF0] =	vst v35;
	s19 =	smov.u32 s16  }
0x162: {  	v54 =	vbroadcast v36, $0x4;
	v51 =	vbroadcast v36, $0x5;
	[tilespmem:s16+$0xFFFFFF60] =	vst v22;
	v22 =	vld [tilespmem:s16+$0x90]  }
0x163: {  	v52 =	vbroadcast v36, $0x6;
	v50 =	vbroadcast v36, $0x7;
	[tilespmem:s16+$0xFFFFFFF0] =	vst v36;
	v23 =	vld [tilespmem:s16+$0xA0]  }
.Ltmp2:
0x164: {  	v53 =	vbroadcast v39, $0x0;
	v49 =	vbroadcast v39, $0x1;
	[tilespmem:s16+$0x80] =	vst v39;
	v24 =	vld [tilespmem:s16+$0xB0];
	(pc) =	sbr.rel @p1 .LBB2_7-.Ltmp2, $4  }
0x165: {  	v48 =	vbroadcast v39, $0x2;
	v46 =	vbroadcast v39, $0x3;
	[tilespmem:s16+$0x110] =	vst v62;
	v30 =	vld [tilespmem:s16+$0xC0]  }
0x166: {  	v47 =	vbroadcast v39, $0x4;
	v45 =	vbroadcast v39, $0x5;
	v31 =	vld [tilespmem:s16+$0xD0]  }
0x167: {  	v43 =	vbroadcast v39, $0x6;
	v39 =	vbroadcast v39, $0x7;
	v34 =	vld [tilespmem:s16+$0xE0]  }
0x168: {  	v38 =	vmul.f32 v63, v38;
	v36 =	vbroadcast v62, $0x6;
	s16 =	sadd.s32 $0x240, s16;
	v35 =	vld [tilespmem:s19+$0xF0]  }
0x169: {  	v7 =	vmul.f32 v58, v7  }
0x16a: {  	v8 =	vmul.f32 v61, v8;
	[tilespmem:s19+$0xFFFFFEE0] =	vst v38  }
0x16b: {  	v9 =	vmul.f32 v9, v57;
	[tilespmem:s19+$0xFFFFFEF0] =	vst v7  }
0x16c: {  	v62 =	vmul.f32 v10, v60;
	[tilespmem:s19+$0xFFFFFF00] =	vst v8  }
0x16d: {  	v63 =	vmul.f32 v11, v56;
	[tilespmem:s19+$0xFFFFFF10] =	vst v9  }
0x16e: {  	v12 =	vmul.f32 v12, v59;
	[tilespmem:s19+$0xFFFFFF20] =	vst v62  }
0x16f: {  	v13 =	vmul.f32 v13, v55;
	[tilespmem:s19+$0xFFFFFF30] =	vst v63  }
0x170: {  	v14 =	vmul.f32 v42, v14;
	[tilespmem:s19+$0xFFFFFF40] =	vst v12  }
0x171: {  	v42 =	vmul.f32 v17, v41;
	[tilespmem:s19+$0xFFFFFF50] =	vst v13  }
0x172: {  	v51 =	vmul.f32 v18, v51;
	[tilespmem:s19+$0xFFFFFF70] =	vst v14  }
0x173: {  	v55 =	vmul.f32 v21, v50;
	[tilespmem:s19+$0xFFFFFFA0] =	vst v42  }
0x174: {  	v56 =	vmul.f32 v53, v25;
	[tilespmem:s19+$0xFFFFFFC0] =	vst v51  }
0x175: {  	v57 =	vmul.f32 v49, v27;
	[tilespmem:s19+$0xFFFFFFE0] =	vst v55  }
0x176: {  	v58 =	vmul.f32 v48, v28;
	[tilespmem:s19+$0x0] =	vst v56  }
0x177: {  	v59 =	vmul.f32 v32, v46;
	[tilespmem:s19+$0x10] =	vst v57  }
0x178: {  	v60 =	vmul.f32 v37, v47;
	[tilespmem:s19+$0x20] =	vst v58  }
0x179: {  	v61 =	vmul.f32 v33, v45;
	[tilespmem:s19+$0x30] =	vst v59  }
0x17a: {  	v2 =	vmul.f32 v2, v22;
	[tilespmem:s19+$0x40] =	vst v60  }
0x17b: {  	v4 =	vmul.f32 v4, v23;
	[tilespmem:s19+$0x50] =	vst v61  }
0x17c: {  	v1 =	vmul.f32 v1, v24;
	[tilespmem:s19+$0x90] =	vst v2  }
0x17d: {  	v38 =	vmul.f32 v40, v15;
	[tilespmem:s19+$0xA0] =	vst v4  }
0x17e: {  	v40 =	vmul.f32 v44, v16;
	[tilespmem:s19+$0xB0] =	vst v1  }
0x17f: {  	v44 =	vmul.f32 v19, v54;
	[tilespmem:s19+$0xFFFFFF80] =	vst v38  }
0x180: {  	v54 =	vmul.f32 v20, v52;
	[tilespmem:s19+$0xFFFFFF90] =	vst v40  }
0x181: {  	v62 =	vmul.f32 v26, v43;
	[tilespmem:s19+$0xFFFFFFB0] =	vst v44  }
0x182: {  	v63 =	vmul.f32 v29, v39;
	[tilespmem:s19+$0xFFFFFFD0] =	vst v54  }
0x183: {  	s18 =	sadd.s32 $0x1, s18;
	v2 =	vmul.f32 v30, v3;
	[tilespmem:s19+$0x60] =	vst v62  }
0x184: {  	p1 =	sne.s32 s18, $0x4A;
	v3 =	vmul.f32 v31, v6;
	[tilespmem:s19+$0x70] =	vst v63  }
.Ltmp3:
0x185: {  	v1 =	vmul.f32 v34, v5;
	[tilespmem:s19+$0xC0] =	vst v2;
	(pc) =	sbr.rel @p1 .LBB2_4-.Ltmp3, $4  }
0x186: {  	v2 =	vmul.f32 v35, v36;
	[tilespmem:s19+$0xD0] =	vst v3  }
0x187: {  	[tilespmem:s19+$0xE0] =	vst v1  }
0x188: {  	[tilespmem:s19+$0xF0] =	vst v2  }
0x189: {  	[spmem:s26] =	stream.indirect.scatter.add.f32 [tilespmem:s11], [sflag:$0x4], $0x90, s12, s8, $0xb8;
	[tilespmem:$0x1DE00] =	vst v63  }
0x18a: {  	s6 =	simm.s32 $0x3  }
0x18b: {  	_ =	swait.ge [sflag:s6], $0x2400  }
0x18c: {  	[sflag:s6] =	ssyncset.done $0x0  }
0x18d: {  	[sflag:s6] =	ssyncadd.s32 $0xFFFFDC00  }
0x18e: {  	_ =	swait.ge [sflag:s17], $0x2400  }
0x18f: {  	[sflag:s17] =	ssyncset.done $0x0  }
0x190: {  	s20 =	stileid.u32;
	[sflag:s17] =	ssyncadd.s32 $0xFFFFDC00  }
0x191: {  	s6 =	sshll.u32 @p0 s20, $0x6;
	[bflag:$0x0] =	sbarrier.arrive $0xFFFF  }
0x192: {  	s18 =	sshrl.u32 @p0 s28, $0x3;
	s16 =	sor.u32 @p0 $0x1C06, s6;
	s19 =	rddreg [dreg:$0x4]  }
0x193: {  	[hbm:s19], [sflag:s16] =	dma.local @p0 [spmem:s18], $0x480  }
0x194: {  	s18 =	simm.s32 @p0 $0x6  }
0x195: {  	_ =	swait.ge @p0 [sflag:s18], $0x480  }
0x196: {  	[sflag:s18] =	ssyncset.done @p0 $0x0  }
0x197: {  	s19 =	sshrl.u32 @p0 s29, $0x3;
	s23 =	rddreg [dreg:$0x5];
	[sflag:s18] =	ssyncadd.s32 @p0 $0xFFFFFB80  }
0x198: {  	[hbm:s23], [sflag:s16] =	dma.local @p0 [spmem:s19], $0x480  }
0x199: {  	_ =	swait.ge @p0 [sflag:s18], $0x480  }
0x19a: {  	[sflag:s18] =	ssyncset.done @p0 $0x0  }
0x19b: {  	s19 =	sshrl.u32 @p0 s30, $0x3;
	s23 =	rddreg [dreg:$0x6];
	[sflag:s18] =	ssyncadd.s32 @p0 $0xFFFFFB80  }
0x19c: {  	[hbm:s23], [sflag:s16] =	dma.local @p0 [spmem:s19], $0x480  }
0x19d: {  	_ =	swait.ge @p0 [sflag:s18], $0x480  }
0x19e: {  	[sflag:s18] =	ssyncset.done @p0 $0x0  }
0x19f: {  	s19 =	sshrl.u32 @p0 s31, $0x3;
	s23 =	rddreg [dreg:$0x7];
	[sflag:s18] =	ssyncadd.s32 @p0 $0xFFFFFB80  }
0x1a0: {  	[hbm:s23], [sflag:s16] =	dma.local @p0 [spmem:s19], $0x480  }
0x1a1: {  	_ =	swait.ge @p0 [sflag:s18], $0x480  }
0x1a2: {  	[sflag:s18] =	ssyncset.done @p0 $0x0  }
0x1a3: {  	s19 =	sshrl.u32 @p0 s24, $0x3;
	s23 =	rddreg [dreg:$0x8];
	[sflag:s18] =	ssyncadd.s32 @p0 $0xFFFFFB80  }
0x1a4: {  	[hbm:s23], [sflag:s16] =	dma.local @p0 [spmem:s19], $0x480  }
0x1a5: {  	_ =	swait.ge @p0 [sflag:s18], $0x480  }
0x1a6: {  	[sflag:s18] =	ssyncset.done @p0 $0x0  }
0x1a7: {  	s19 =	sshrl.u32 @p0 s1, $0x3;
	s23 =	rddreg [dreg:$0x9];
	[sflag:s18] =	ssyncadd.s32 @p0 $0xFFFFFB80  }
0x1a8: {  	[hbm:s23], [sflag:s16] =	dma.local @p0 [spmem:s19], $0x480  }
0x1a9: {  	_ =	swait.ge @p0 [sflag:s18], $0x480  }
0x1aa: {  	[sflag:s18] =	ssyncset.done @p0 $0x0  }
0x1ab: {  	s19 =	sshrl.u32 @p0 s2, $0x3;
	s23 =	rddreg [dreg:$0xa];
	[sflag:s18] =	ssyncadd.s32 @p0 $0xFFFFFB80  }
0x1ac: {  	[hbm:s23], [sflag:s16] =	dma.local @p0 [spmem:s19], $0x480  }
0x1ad: {  	_ =	swait.ge @p0 [sflag:s18], $0x480  }
0x1ae: {  	[sflag:s18] =	ssyncset.done @p0 $0x0  }
0x1af: {  	s19 =	sshrl.u32 @p0 s3, $0x3;
	s23 =	rddreg [dreg:$0xb];
	[sflag:s18] =	ssyncadd.s32 @p0 $0xFFFFFB80  }
0x1b0: {  	[hbm:s23], [sflag:s16] =	dma.local @p0 [spmem:s19], $0x480  }
0x1b1: {  	_ =	swait.ge @p0 [sflag:s18], $0x480  }
0x1b2: {  	[sflag:s18] =	ssyncset.done @p0 $0x0  }
0x1b3: {  	s19 =	sshrl.u32 @p0 s4, $0x3;
	s23 =	rddreg [dreg:$0xc];
	[sflag:s18] =	ssyncadd.s32 @p0 $0xFFFFFB80  }
0x1b4: {  	[hbm:s23], [sflag:s16] =	dma.local @p0 [spmem:s19], $0x480  }
0x1b5: {  	_ =	swait.ge @p0 [sflag:s18], $0x480  }
0x1b6: {  	s6 =	sor.u32 @p0 $0x1C05, s6;
	[sflag:s18] =	ssyncset.done @p0 $0x0  }
0x1b7: {  	s16 =	sshrl.u32 @p0 s5, $0x3;
	[sflag:s18] =	ssyncadd.s32 @p0 $0xFFFFFB80;
	s18 =	rddreg [dreg:$0xd]  }
0x1b8: {  	[hbm:s18], [sflag:s6] =	dma.local @p0 [spmem:s16], $0x480  }
0x1b9: {  	s6 =	simm.s32 @p0 $0x5  }
0x1ba: {  	_ =	swait.ge @p0 [sflag:s6], $0x480  }
0x1bb: {  	s16 =	sshll.u32 @!p0 s20, $0x6;
	[sflag:s6] =	ssyncset.done @p0 $0x0;
	s18 =	rddreg [dreg:$0xe]  }
0x1bc: {  	[sflag:s6] =	ssyncadd.s32 @p0 $0xFFFFFB80;
	s6 =	sor.u32 @!p0 $0x1C06, s16;
	s16 =	sshrl.u32 @!p0 s28, $0x3  }
0x1bd: {  	[hbm:s18], [sflag:s6] =	dma.local @!p0 [spmem:s16], $0x480  }
0x1be: {  	s16 =	simm.s32 @!p0 $0x6  }
0x1bf: {  	_ =	swait.ge @!p0 [sflag:s16], $0x480  }
0x1c0: {  	[sflag:s16] =	ssyncset.done @!p0 $0x0  }
0x1c1: {  	s18 =	sshrl.u32 @!p0 s29, $0x3;
	s20 =	rddreg [dreg:$0xf];
	[sflag:s16] =	ssyncadd.s32 @!p0 $0xFFFFFB80  }
0x1c2: {  	[hbm:s20], [sflag:s6] =	dma.local @!p0 [spmem:s18], $0x480  }
0x1c3: {  	_ =	swait.ge @!p0 [sflag:s16], $0x480  }
0x1c4: {  	[sflag:s16] =	ssyncset.done @!p0 $0x0  }
0x1c5: {  	s18 =	sshrl.u32 @!p0 s30, $0x3;
	s20 =	rddreg [dreg:$0x10];
	[sflag:s16] =	ssyncadd.s32 @!p0 $0xFFFFFB80  }
0x1c6: {  	[hbm:s20], [sflag:s6] =	dma.local @!p0 [spmem:s18], $0x480  }
0x1c7: {  	_ =	swait.ge @!p0 [sflag:s16], $0x480  }
0x1c8: {  	[sflag:s16] =	ssyncset.done @!p0 $0x0  }
0x1c9: {  	s18 =	sshrl.u32 @!p0 s31, $0x3;
	s20 =	rddreg [dreg:$0x11];
	[sflag:s16] =	ssyncadd.s32 @!p0 $0xFFFFFB80  }
0x1ca: {  	[hbm:s20], [sflag:s6] =	dma.local @!p0 [spmem:s18], $0x480  }
0x1cb: {  	_ =	swait.ge @!p0 [sflag:s16], $0x480  }
0x1cc: {  	[sflag:s16] =	ssyncset.done @!p0 $0x0  }
0x1cd: {  	s18 =	sshrl.u32 @!p0 s24, $0x3;
	s20 =	rddreg [dreg:$0x12];
	[sflag:s16] =	ssyncadd.s32 @!p0 $0xFFFFFB80  }
0x1ce: {  	[hbm:s20], [sflag:s6] =	dma.local @!p0 [spmem:s18], $0x480  }
0x1cf: {  	_ =	swait.ge @!p0 [sflag:s16], $0x480  }
0x1d0: {  	[sflag:s16] =	ssyncset.done @!p0 $0x0  }
0x1d1: {  	s18 =	sshrl.u32 @!p0 s1, $0x3;
	s20 =	rddreg [dreg:$0x13];
	[sflag:s16] =	ssyncadd.s32 @!p0 $0xFFFFFB80  }
0x1d2: {  	[hbm:s20], [sflag:s6] =	dma.local @!p0 [spmem:s18], $0x480  }
0x1d3: {  	_ =	swait.ge @!p0 [sflag:s16], $0x480  }
0x1d4: {  	[sflag:s16] =	ssyncset.done @!p0 $0x0  }
0x1d5: {  	s18 =	sshrl.u32 @!p0 s2, $0x3;
	s20 =	rddreg [dreg:$0x14];
	[sflag:s16] =	ssyncadd.s32 @!p0 $0xFFFFFB80  }
0x1d6: {  	[hbm:s20], [sflag:s6] =	dma.local @!p0 [spmem:s18], $0x480  }
0x1d7: {  	_ =	swait.ge @!p0 [sflag:s16], $0x480  }
0x1d8: {  	[sflag:s16] =	ssyncset.done @!p0 $0x0  }
0x1d9: {  	s18 =	sshrl.u32 @!p0 s3, $0x3;
	s20 =	rddreg [dreg:$0x15];
	[sflag:s16] =	ssyncadd.s32 @!p0 $0xFFFFFB80  }
0x1da: {  	[hbm:s20], [sflag:s6] =	dma.local @!p0 [spmem:s18], $0x480  }
0x1db: {  	_ =	swait.ge @!p0 [sflag:s16], $0x480  }
0x1dc: {  	[sflag:s16] =	ssyncset.done @!p0 $0x0  }
0x1dd: {  	s18 =	sshrl.u32 @!p0 s4, $0x3;
	s20 =	rddreg [dreg:$0x16];
	[sflag:s16] =	ssyncadd.s32 @!p0 $0xFFFFFB80  }
0x1de: {  	[hbm:s20], [sflag:s6] =	dma.local @!p0 [spmem:s18], $0x480  }
0x1df: {  	_ =	swait.ge @!p0 [sflag:s16], $0x480  }
0x1e0: {  	[sflag:s16] =	ssyncset.done @!p0 $0x0  }
0x1e1: {  	s18 =	sshrl.u32 @!p0 s5, $0x3;
	s20 =	rddreg [dreg:$0x17];
	[sflag:s16] =	ssyncadd.s32 @!p0 $0xFFFFFB80  }
0x1e2: {  	[hbm:s20], [sflag:s6] =	dma.local @!p0 [spmem:s18], $0x480  }
0x1e3: {  	_ =	swait.ge @!p0 [sflag:s16], $0x480  }
0x1e4: {  	s21 =	sadd.s32 $0x1, s21;
	s23 =	rddreg [dreg:$0x19]  }
0x1e5: {  	p1 =	sne.s32 s21, s23  }
.Ltmp4:
0x1e6: {  	_ = 	snop;
	(pc) =	sbr.rel @p1 .LBB2_1-.Ltmp4, $3  }
0x1e7: {  	_ =	sdelay $0x1  }
0x1e8: {  	[sflag:s16] =	ssyncset.done @!p0 $0x0  }
0x1e9: {  	s19 =	stileid.u32;
	[sflag:s16] =	ssyncadd.s32 @!p0 $0xFFFFFB80  }
0x1ea: {  	_ =	sfence.sel $0x180000  }
0x1eb: {  	[bflag:$0x0] =	sbarrier.arrive $0xFFFF  }
0x1ec: {  	_ =	strace $0x90000047  }
0x1ed: {  	[bflag:$0x2] =	sbarrier.arrive $0xFFFF  }
0x1ee: {  	p0 =	sne.s32 s19, $0x0;
	s0 =	rddreg [dreg:$0x3]  }
0x1ef: {  	s0 =	sadd.s32 @!p0 $0x100000, s0  }
0x1f0: {  	[sflag:s0] =	ssyncadd.tile.s32 @!p0 $0x1;
	_ =	shalt  }
.Lfunc_end2:
_tile_overlayer_lowered:
.L_overlay_start_2:
0x1f1: {  	(tag) =	ssettag $0x2  }
0x1f2: {  	s0 =	rddreg [dreg:$0x0];
	s2 =	stileid.u32  }
0x1f3: {  	s1 =	rddreg [dreg:$0x1];
	p0 =	sne.s32 s2, $0x0  }
0x1f4: {  	s3 =	rddreg [dreg:$0x2];
	[bflag:$0x3] =	sbarrier.arrive $0xFFFF;
	s2 =	simm.s32 @!p0 $0x1C01  }
0x1f5: {  	[timem:s3], [sflag:s2] =	dma.local @!p0 [hbm:s0], s1  }
0x1f6: {  	s0 =	simm.s32 @!p0 $0x1  }
0x1f7: {  	_ =	swait.ge @!p0 [sflag:s0], s1  }
0x1f8: {  	s1 =	ssub.s32 @!p0 $0x0, s1;
	[sflag:s0] =	ssyncset.done @!p0 $0x0  }
0x1f9: {  	[sflag:s0] =	ssyncadd.s32 @!p0 s1  }
0x1fa: {  	[bflag:$0x3] =	sbarrier.arrive $0xFFFF  }
0x1fb: {  	_ =	shalt  }

</sc_bundles>
